<compile_context>
chip_gen: v7x
topology: tpu7x:2x2x1
jax: 0.10.2.dev20260603
libtpu: 0.0.44.dev20260713+nightly
codegen_flags: <defaults>
</compile_context>

<pallas_src>
import functools

import jax
import jax.numpy as jnp
from jax import lax
from jax.experimental import pallas as pl
from jax.experimental.pallas import tpu as pltpu
from jax.experimental.pallas import tpu_sc as plsc

NC = 2
NS = 16
NWK = NC * NS
LANES = 16
K = 128


def _spmm_sc(emb, row, col, val, zeros):
    n, h = emb.shape
    e = row.shape[0]
    n_chunks = e // K
    iters = (n_chunks + NWK - 1) // NWK
    rows_per_sub = n // NS
    groups = h // LANES
    mesh = plsc.VectorSubcoreMesh(core_axis_name="c", subcore_axis_name="s")

    @functools.partial(
        pl.kernel,
        out_type=jax.ShapeDtypeStruct((NC, n, h), jnp.float32),
        mesh=mesh,
        compiler_params=pltpu.CompilerParams(needs_layout_passes=False),
        scratch_types=[
            pltpu.VMEM((K,), jnp.int32),
            pltpu.VMEM((K,), jnp.int32),
            pltpu.VMEM((K,), jnp.float32),
            pltpu.VMEM((K, h), jnp.float32),
            pltpu.VMEM_SHARED((n, h), jnp.float32),
            pltpu.SemaphoreType.DMA,
        ],
    )
    def spmm(row_hbm, col_hbm, val_hbm, emb_hbm, zeros_hbm, out_hbm,
             row_v, col_v, val_v, rows_v, acc, sem):
        c = lax.axis_index("c")
        s = lax.axis_index("s")
        wid = s * NC + c
        sub = rows_per_sub // 8 * 8
        tail = n - NS * sub
        sub_lo = s * sub
        pltpu.sync_copy(zeros_hbm.at[pl.ds(sub_lo, sub)],
                        acc.at[pl.ds(sub_lo, sub)])
        if tail:
            @pl.when(s == NS - 1)
            def _():
                pltpu.sync_copy(zeros_hbm.at[pl.ds(NS * sub, tail)],
                                acc.at[pl.ds(NS * sub, tail)])
        plsc.subcore_barrier()

        def chunk_body(i, carry):
            cid = wid + i * NWK

            @pl.when(cid < n_chunks)
            def _():
                base = cid * K
                pltpu.sync_copy(row_hbm.at[pl.ds(base, K)], row_v)
                pltpu.sync_copy(col_hbm.at[pl.ds(base, K)], col_v)
                pltpu.sync_copy(val_hbm.at[pl.ds(base, K)], val_v)
                pltpu.async_copy(emb_hbm.at[col_v], rows_v, sem).wait()

                def scale_row(r, carry2):
                    vb = plsc.load_gather(val_v, [jnp.full((LANES,), r, jnp.int32)])
                    for g in range(groups):
                        sl = pl.ds(g * LANES, LANES)
                        rows_v[r, sl] = rows_v[r, sl] * vb
                    return carry2

                lax.fori_loop(0, K, scale_row, 0, unroll=2)
                pltpu.sync_copy(rows_v, acc.at[row_v], add=True)

            return carry

        lax.fori_loop(0, iters, chunk_body, 0)
        plsc.subcore_barrier()
        pltpu.sync_copy(acc.at[pl.ds(sub_lo, sub)],
                        out_hbm.at[c, pl.ds(sub_lo, sub)])
        if tail:
            @pl.when(s == NS - 1)
            def _():
                pltpu.sync_copy(acc.at[pl.ds(NS * sub, tail)],
                                out_hbm.at[c, pl.ds(NS * sub, tail)])

    return spmm(row, col, val, emb, zeros)


def _tc_add(partials, s_prev):
    n, h = s_prev.shape
    bn = 1000

    def body(p_ref, sp_ref, e_ref, s_ref):
        e = p_ref[0] + p_ref[1]
        e_ref[...] = e
        s_ref[...] = sp_ref[...] + e

    return pl.pallas_call(
        body,
        grid=(n // bn,),
        in_specs=[
            pl.BlockSpec((2, bn, h), lambda i: (0, i, 0)),
            pl.BlockSpec((bn, h), lambda i: (i, 0)),
        ],
        out_specs=[pl.BlockSpec((bn, h), lambda i: (i, 0))] * 2,
        out_shape=[jax.ShapeDtypeStruct((n, h), jnp.float32)] * 2,
    )(partials, s_prev)


def _gather_dot_sc(s_emb, user, pos, neg):
    n, h = s_emb.shape
    b = user.shape[0]
    kb = b // NWK
    groups = h // LANES
    mesh = plsc.VectorSubcoreMesh(core_axis_name="c", subcore_axis_name="s")

    @functools.partial(
        pl.kernel,
        out_type=(jax.ShapeDtypeStruct((b,), jnp.float32),
                  jax.ShapeDtypeStruct((b,), jnp.float32)),
        mesh=mesh,
        compiler_params=pltpu.CompilerParams(needs_layout_passes=False),
        scratch_types=[
            pltpu.VMEM((kb,), jnp.int32),
            pltpu.VMEM((kb,), jnp.int32),
            pltpu.VMEM((kb,), jnp.int32),
            pltpu.VMEM((kb, h), jnp.float32),
            pltpu.VMEM((kb, h), jnp.float32),
            pltpu.VMEM((kb, h), jnp.float32),
            pltpu.VMEM((kb,), jnp.float32),
            pltpu.VMEM((kb,), jnp.float32),
            pltpu.SemaphoreType.DMA,
        ],
    )
    def gdot(s_hbm, u_hbm, p_hbm, ng_hbm, dpos_hbm, dneg_hbm,
             ui, pi, ni, ur, pr, nr, dp_v, dn_v, sem):
        c = lax.axis_index("c")
        s = lax.axis_index("s")
        wid = s * NC + c
        base = wid * kb
        pltpu.sync_copy(u_hbm.at[pl.ds(base, kb)], ui)
        pltpu.sync_copy(p_hbm.at[pl.ds(base, kb)], pi)
        pltpu.sync_copy(ng_hbm.at[pl.ds(base, kb)], ni)
        pltpu.async_copy(s_hbm.at[ui], ur, sem).wait()
        pltpu.async_copy(s_hbm.at[pi], pr, sem).wait()
        pltpu.async_copy(s_hbm.at[ni], nr, sem).wait()

        last_lane = lax.iota(jnp.int32, LANES) == (LANES - 1)

        def dot_row(r, carry):
            accp = ur[r, pl.ds(0, LANES)] * pr[r, pl.ds(0, LANES)]
            accn = ur[r, pl.ds(0, LANES)] * nr[r, pl.ds(0, LANES)]
            for g in range(1, groups):
                sl = pl.ds(g * LANES, LANES)
                u = ur[r, sl]
                accp = accp + u * pr[r, sl]
                accn = accn + u * nr[r, sl]
            ridx = jnp.full((LANES,), r, jnp.int32)
            plsc.store_scatter(dp_v, [ridx], plsc.cumsum(accp), mask=last_lane)
            plsc.store_scatter(dn_v, [ridx], plsc.cumsum(accn), mask=last_lane)
            return carry

        lax.fori_loop(0, kb, dot_row, 0, unroll=2)
        pltpu.sync_copy(dp_v, dpos_hbm.at[pl.ds(base, kb)])
        pltpu.sync_copy(dn_v, dneg_hbm.at[pl.ds(base, kb)])

    return gdot(s_emb, user, pos, neg)


def _tc_loss(dpos, dneg, inv_scale):

    def body(dp_ref, dn_ref, o_ref):
        x = (dn_ref[...] - dp_ref[...]) * inv_scale
        sp = jnp.log1p(jnp.exp(-jnp.abs(x))) + jnp.maximum(x, 0.0)
        o_ref[0, 0] = jnp.sum(sp)

    out = pl.pallas_call(
        body,
        out_shape=jax.ShapeDtypeStruct((1, 1), jnp.float32),
        out_specs=pl.BlockSpec(memory_space=pltpu.SMEM),
    )(dpos, dneg)
    return out[0, 0]


def kernel(user, pos, neg, laplacian_indices, laplacian_values, emb_weight):
    row = laplacian_indices[0].astype(jnp.int32)
    col = laplacian_indices[1].astype(jnp.int32)
    val = laplacian_values.astype(jnp.float32)
    user = user.astype(jnp.int32)
    pos = pos.astype(jnp.int32)
    neg = neg.astype(jnp.int32)
    zeros = jnp.zeros_like(emb_weight)

    e = emb_weight
    s_sum = emb_weight
    for _ in range(3):
        partials = _spmm_sc(e, row, col, val, zeros)
        e, s_sum = _tc_add(partials, s_sum)

    dpos, dneg = _gather_dot_sc(s_sum, user, pos, neg)
    n_layers_p1 = 4.0
    return _tc_loss(dpos.reshape(32, -1), dneg.reshape(32, -1),
                    1.0 / (n_layers_p1 * n_layers_p1))

# --- scband reference (transcript-rebuilt; emitter-appended) ---
"""Pipeline reference for scband-lgcn-matrix-12575664242932 (READ-ONLY COPY).

The authoritative reference and input builder live on the scoring server;
editing this copy changes nothing except your own understanding.
"""

import jax, jax.numpy as jnp
import numpy as np

USER_NUM = 5000
ITEM_NUM = 5000
N = USER_NUM + ITEM_NUM
LAYERS = 3
HIDDEN = 128
N_EDGES = 320000
BATCH = 4096


def setup_inputs(seed: int = 0) -> dict:
    key = jax.random.key(seed)
    ks = jax.random.split(key, 6)
    user = jax.random.randint(ks[0], (BATCH,), 0, USER_NUM, dtype=jnp.int64 if jax.config.jax_enable_x64 else jnp.int32)
    pos = jax.random.randint(ks[1], (BATCH,), 0, N)
    neg = jax.random.randint(ks[2], (BATCH,), 0, N)
    laplacian_indices = jax.random.randint(ks[3], (2, N_EDGES), 0, N)
    laplacian_values = jax.random.uniform(ks[4], (N_EDGES,), dtype=jnp.float32) / 32.0
    emb_weight = jax.random.normal(ks[5], (N, HIDDEN), dtype=jnp.float32) * 0.02
    return {
        "user": user,
        "pos": pos,
        "neg": neg,
        "laplacian_indices": laplacian_indices,
        "laplacian_values": laplacian_values,
        "emb_weight": emb_weight,
    }


def reference(user, pos, neg, laplacian_indices, laplacian_values, emb_weight):
    row = laplacian_indices[0]
    col = laplacian_indices[1]

    def spmm(e):
        gathered = e[col] * laplacian_values[:, None]
        return jax.ops.segment_sum(gathered, row, num_segments=N)

    emb = emb_weight
    user_embs = [emb[user]]
    pos_embs = [emb[pos]]
    neg_embs = [emb[neg]]
    for _ in range(LAYERS):
        emb = spmm(emb)
        user_embs.append(emb[user])
        pos_embs.append(emb[pos])
        neg_embs.append(emb[neg])

    user_emb = jnp.mean(jnp.stack(user_embs, axis=0), axis=0)
    pos_emb = jnp.mean(jnp.stack(pos_embs, axis=0), axis=0)
    neg_emb = jnp.mean(jnp.stack(neg_embs, axis=0), axis=0)

    pos_logits = jnp.einsum('id,id->i', user_emb, pos_emb)
    neg_logits = jnp.einsum('id,id->i', user_emb, neg_emb)
    loss = -jnp.log(jax.nn.sigmoid(pos_logits - neg_logits))
    return loss.sum()

if __name__ == "__main__":
    import jax
    _d = setup_inputs()
    print(jax.jit(kernel)(*tuple(_d.values())))

</pallas_src>

<mosaic_0001>
#map = affine_map<(d0, d1) -> (0)>
#map1 = affine_map<(d0, d1) -> (0, 0)>
#map2 = affine_map<(d0, d1) -> (0, 0, 0)>
module attributes {stable_mosaic.version = 14 : i64} {
  func.func @spmm(%arg0: i32, %arg1: i32, %arg2: memref<320000xi32, #tpu.memory_space<hbm>>, %arg3: memref<320000xi32, #tpu.memory_space<hbm>>, %arg4: memref<320000xf32, #tpu.memory_space<hbm>>, %arg5: memref<10000x128xf32, #tpu.memory_space<hbm>>, %arg6: memref<10000x128xf32, #tpu.memory_space<hbm>>, %arg7: memref<2x10000x128xf32, #tpu.memory_space<hbm>>, %arg8: memref<128xi32, #tpu.memory_space<vmem>>, %arg9: memref<128xi32, #tpu.memory_space<vmem>>, %arg10: memref<128xf32, #tpu.memory_space<vmem>>, %arg11: memref<128x128xf32, #tpu.memory_space<vmem>>, %arg12: memref<10000x128xf32, #tpu.memory_space<vmem_shared>>, %arg13: memref<!tpu.dma_semaphore, #tpu.memory_space<semaphore_mem>>) attributes {dimension_semantics = [#tpu.dimension_semantics<core_parallel>, #tpu.dimension_semantics<subcore_parallel>], iteration_bounds = array<i64: 2, 16>, scalar_prefetch = 0 : i64, scratch_operands = 6 : i64, tpu.core_type = #tpu.core_type<sc_vector_subcore>, window_params = [{transform_indices = #map}, {transform_indices = #map}, {transform_indices = #map}, {transform_indices = #map1}, {transform_indices = #map1}, {transform_indices = #map2}]} {
    %mul3A = arith.constant 2 : i32
    %mul3A_0 = arith.muli %arg1, %mul3A : i32
    %add3A = arith.addi %mul3A_0, %arg0 : i32
    %mul3A_1 = arith.constant 624 : i32
    %mul3A_2 = arith.muli %arg1, %mul3A_1 : i32
    "tpu.region"() ({
      %run_scoped3A = tpu.sem_alloc : memref<!tpu.dma_semaphore, #tpu.memory_space<semaphore_mem>>
      %dma_start3A = arith.constant 0 : i32
      %dma_start3A_16 = tpu.memref_slice %arg12[%mul3A_2, %dma_start3A] : memref<10000x128xf32, #tpu.memory_space<vmem_shared>> -> memref<624x128xf32, #tpu.memory_space<vmem_shared>>
      %dma_start3A_17 = arith.constant 0 : i32
      %dma_start3A_18 = tpu.memref_slice %arg6[%mul3A_2, %dma_start3A_17] : memref<10000x128xf32, #tpu.memory_space<hbm>> -> memref<624x128xf32, #tpu.memory_space<hbm>>
      tpu.enqueue_dma source(%dma_start3A_18 : memref<624x128xf32, #tpu.memory_space<hbm>>) target(%dma_start3A_16 : memref<624x128xf32, #tpu.memory_space<vmem_shared>>) target_semaphore(%run_scoped3A : memref<!tpu.dma_semaphore, #tpu.memory_space<semaphore_mem>>)
      %dma_wait3A = arith.constant 0 : i32
      %dma_wait3A_19 = tpu.memref_slice %arg12[%mul3A_2, %dma_wait3A] : memref<10000x128xf32, #tpu.memory_space<vmem_shared>> -> memref<624x128xf32, #tpu.memory_space<vmem_shared>>
      %dma_wait3A_20 = arith.constant 0 : i32
      %dma_wait3A_21 = tpu.memref_slice %arg6[%mul3A_2, %dma_wait3A_20] : memref<10000x128xf32, #tpu.memory_space<hbm>> -> memref<624x128xf32, #tpu.memory_space<hbm>>
      tpu.wait_dma2 semaphore(%run_scoped3A : memref<!tpu.dma_semaphore, #tpu.memory_space<semaphore_mem>>) src(%dma_wait3A_21 : memref<624x128xf32, #tpu.memory_space<hbm>>) dst(%dma_wait3A_19 : memref<624x128xf32, #tpu.memory_space<vmem_shared>>)
      tpu.yield
    }) : () -> ()
    %eq3A = arith.constant 15 : i32
    %eq3A_3 = arith.cmpi eq, %arg1, %eq3A : i32
    %convert_element_type3A = arith.extui %eq3A_3 : i1 to i32
    %cond3A = arith.constant 0 : i32
    %cond3A_4 = arith.cmpi ne, %convert_element_type3A, %cond3A : i32
    scf.if %cond3A_4 {
      "tpu.region"() ({
        %run_scoped3A = tpu.sem_alloc : memref<!tpu.dma_semaphore, #tpu.memory_space<semaphore_mem>>
        %dma_start3A = arith.constant 9984 : i32
        %dma_start3A_16 = arith.constant 0 : i32
        %dma_start3A_17 = tpu.memref_slice %arg12[%dma_start3A, %dma_start3A_16] : memref<10000x128xf32, #tpu.memory_space<vmem_shared>> -> memref<16x128xf32, #tpu.memory_space<vmem_shared>>
        %dma_start3A_18 = arith.constant 9984 : i32
        %dma_start3A_19 = arith.constant 0 : i32
        %dma_start3A_20 = tpu.memref_slice %arg6[%dma_start3A_18, %dma_start3A_19] : memref<10000x128xf32, #tpu.memory_space<hbm>> -> memref<16x128xf32, #tpu.memory_space<hbm>>
        tpu.enqueue_dma source(%dma_start3A_20 : memref<16x128xf32, #tpu.memory_space<hbm>>) target(%dma_start3A_17 : memref<16x128xf32, #tpu.memory_space<vmem_shared>>) target_semaphore(%run_scoped3A : memref<!tpu.dma_semaphore, #tpu.memory_space<semaphore_mem>>)
        %dma_wait3A = arith.constant 9984 : i32
        %dma_wait3A_21 = arith.constant 0 : i32
        %dma_wait3A_22 = tpu.memref_slice %arg12[%dma_wait3A, %dma_wait3A_21] : memref<10000x128xf32, #tpu.memory_space<vmem_shared>> -> memref<16x128xf32, #tpu.memory_space<vmem_shared>>
        %dma_wait3A_23 = arith.constant 9984 : i32
        %dma_wait3A_24 = arith.constant 0 : i32
        %dma_wait3A_25 = tpu.memref_slice %arg6[%dma_wait3A_23, %dma_wait3A_24] : memref<10000x128xf32, #tpu.memory_space<hbm>> -> memref<16x128xf32, #tpu.memory_space<hbm>>
        tpu.wait_dma2 semaphore(%run_scoped3A : memref<!tpu.dma_semaphore, #tpu.memory_space<semaphore_mem>>) src(%dma_wait3A_25 : memref<16x128xf32, #tpu.memory_space<hbm>>) dst(%dma_wait3A_22 : memref<16x128xf32, #tpu.memory_space<vmem_shared>>)
        tpu.yield
      }) : () -> ()
    } else {
    }
    %barrier3A = arith.constant 0 : index
    tpu.barrier barrier_id(%barrier3A)
    %scan3A = arith.constant 0 : i32
    %scan3A_5 = arith.constant 0 : i32
    %scan3A_6 = arith.constant 79 : i32
    %scan3A_7 = arith.addi %scan3A_5, %scan3A_6 : i32
    %scan3A_8 = arith.constant 1 : i32
    scf.for %scan3A_16 = %scan3A_5 to %scan3A_7 step %scan3A_8  : i32 {
      %mul3A_17 = arith.constant 32 : i32
      %mul3A_18 = arith.muli %scan3A_16, %mul3A_17 : i32
      %add3A_19 = arith.addi %add3A, %mul3A_18 : i32
      %lt3A = arith.constant 2500 : i32
      %lt3A_20 = arith.cmpi slt, %add3A_19, %lt3A : i32
      %convert_element_type3A_21 = arith.extui %lt3A_20 : i1 to i32
      %cond3A_22 = arith.constant 0 : i32
      %cond3A_23 = arith.cmpi ne, %convert_element_type3A_21, %cond3A_22 : i32
      scf.if %cond3A_23 {
        %mul3A_24 = arith.constant 128 : i32
        %mul3A_25 = arith.muli %add3A_19, %mul3A_24 : i32
        "tpu.region"() ({
          %run_scoped3A = tpu.sem_alloc : memref<!tpu.dma_semaphore, #tpu.memory_space<semaphore_mem>>
          %dma_start3A_36 = tpu.memref_slice %arg2[%mul3A_25] : memref<320000xi32, #tpu.memory_space<hbm>> -> memref<128xi32, #tpu.memory_space<hbm>>
          %dma_start3A_37 = tpu.memref_slice %arg2[%mul3A_25] : memref<320000xi32, #tpu.memory_space<hbm>> -> memref<128xi32, #tpu.memory_space<hbm>>
          tpu.enqueue_dma source(%dma_start3A_37 : memref<128xi32, #tpu.memory_space<hbm>>) target(%arg8 : memref<128xi32, #tpu.memory_space<vmem>>) target_semaphore(%run_scoped3A : memref<!tpu.dma_semaphore, #tpu.memory_space<semaphore_mem>>)
          %dma_wait3A_38 = tpu.memref_slice %arg2[%mul3A_25] : memref<320000xi32, #tpu.memory_space<hbm>> -> memref<128xi32, #tpu.memory_space<hbm>>
          %dma_wait3A_39 = tpu.memref_slice %arg2[%mul3A_25] : memref<320000xi32, #tpu.memory_space<hbm>> -> memref<128xi32, #tpu.memory_space<hbm>>
          tpu.wait_dma2 semaphore(%run_scoped3A : memref<!tpu.dma_semaphore, #tpu.memory_space<semaphore_mem>>) src(%dma_wait3A_39 : memref<128xi32, #tpu.memory_space<hbm>>) dst(%arg8 : memref<128xi32, #tpu.memory_space<vmem>>)
          tpu.yield
        }) : () -> ()
        "tpu.region"() ({
          %run_scoped3A = tpu.sem_alloc : memref<!tpu.dma_semaphore, #tpu.memory_space<semaphore_mem>>
          %dma_start3A_36 = tpu.memref_slice %arg3[%mul3A_25] : memref<320000xi32, #tpu.memory_space<hbm>> -> memref<128xi32, #tpu.memory_space<hbm>>
          %dma_start3A_37 = tpu.memref_slice %arg3[%mul3A_25] : memref<320000xi32, #tpu.memory_space<hbm>> -> memref<128xi32, #tpu.memory_space<hbm>>
          tpu.enqueue_dma source(%dma_start3A_37 : memref<128xi32, #tpu.memory_space<hbm>>) target(%arg9 : memref<128xi32, #tpu.memory_space<vmem>>) target_semaphore(%run_scoped3A : memref<!tpu.dma_semaphore, #tpu.memory_space<semaphore_mem>>)
          %dma_wait3A_38 = tpu.memref_slice %arg3[%mul3A_25] : memref<320000xi32, #tpu.memory_space<hbm>> -> memref<128xi32, #tpu.memory_space<hbm>>
          %dma_wait3A_39 = tpu.memref_slice %arg3[%mul3A_25] : memref<320000xi32, #tpu.memory_space<hbm>> -> memref<128xi32, #tpu.memory_space<hbm>>
          tpu.wait_dma2 semaphore(%run_scoped3A : memref<!tpu.dma_semaphore, #tpu.memory_space<semaphore_mem>>) src(%dma_wait3A_39 : memref<128xi32, #tpu.memory_space<hbm>>) dst(%arg9 : memref<128xi32, #tpu.memory_space<vmem>>)
          tpu.yield
        }) : () -> ()
        "tpu.region"() ({
          %run_scoped3A = tpu.sem_alloc : memref<!tpu.dma_semaphore, #tpu.memory_space<semaphore_mem>>
          %dma_start3A_36 = tpu.memref_slice %arg4[%mul3A_25] : memref<320000xf32, #tpu.memory_space<hbm>> -> memref<128xf32, #tpu.memory_space<hbm>>
          %dma_start3A_37 = tpu.memref_slice %arg4[%mul3A_25] : memref<320000xf32, #tpu.memory_space<hbm>> -> memref<128xf32, #tpu.memory_space<hbm>>
          tpu.enqueue_dma source(%dma_start3A_37 : memref<128xf32, #tpu.memory_space<hbm>>) target(%arg10 : memref<128xf32, #tpu.memory_space<vmem>>) target_semaphore(%run_scoped3A : memref<!tpu.dma_semaphore, #tpu.memory_space<semaphore_mem>>)
          %dma_wait3A_38 = tpu.memref_slice %arg4[%mul3A_25] : memref<320000xf32, #tpu.memory_space<hbm>> -> memref<128xf32, #tpu.memory_space<hbm>>
          %dma_wait3A_39 = tpu.memref_slice %arg4[%mul3A_25] : memref<320000xf32, #tpu.memory_space<hbm>> -> memref<128xf32, #tpu.memory_space<hbm>>
          tpu.wait_dma2 semaphore(%run_scoped3A : memref<!tpu.dma_semaphore, #tpu.memory_space<semaphore_mem>>) src(%dma_wait3A_39 : memref<128xf32, #tpu.memory_space<hbm>>) dst(%arg10 : memref<128xf32, #tpu.memory_space<vmem>>)
          tpu.yield
        }) : () -> ()
        %dma_start3A = arith.constant 0 : i32
        %dma_start3A_26 = arith.constant 0 : i32
        %dma_start3A_27 = tpu.memref_slice %arg5[%dma_start3A, %dma_start3A_26] : memref<10000x128xf32, #tpu.memory_space<hbm>> -> memref<10000x128xf32, #tpu.memory_space<hbm>>
        tpu.enqueue_indirect_dma source(%dma_start3A_27 : memref<10000x128xf32, #tpu.memory_space<hbm>>) target(%arg11 : memref<128x128xf32, #tpu.memory_space<vmem>>) offsets(%arg9 : memref<128xi32, #tpu.memory_space<vmem>>) semaphore(%arg13 : memref<!tpu.dma_semaphore, #tpu.memory_space<semaphore_mem>>)
        %dma_wait3A = arith.constant 0 : i32
        %dma_wait3A_28 = arith.constant 0 : i32
        %dma_wait3A_29 = tpu.memref_slice %arg5[%dma_wait3A, %dma_wait3A_28] : memref<10000x128xf32, #tpu.memory_space<hbm>> -> memref<10000x128xf32, #tpu.memory_space<hbm>>
        tpu.wait_indirect_dma semaphore(%arg13 : memref<!tpu.dma_semaphore, #tpu.memory_space<semaphore_mem>>) src(%dma_wait3A_29 : memref<10000x128xf32, #tpu.memory_space<hbm>>) dst(%arg11 : memref<128x128xf32, #tpu.memory_space<vmem>>)
        %scan3A_30 = arith.constant 0 : i32
        %scan3A_31 = arith.constant 0 : i32
        %scan3A_32 = arith.constant 128 : i32
        %scan3A_33 = arith.addi %scan3A_31, %scan3A_32 : i32
        %scan3A_34 = arith.constant 2 : i32
        scf.for %scan3A_36 = %scan3A_31 to %scan3A_33 step %scan3A_34  : i32 {
          %broadcast_in_dim3A = vector.broadcast %scan3A_36 : i32 to vector<16xi32>
          %gather3A = tpu.vector_load_idx %arg10[%broadcast_in_dim3A] : memref<128xf32, #tpu.memory_space<vmem>>[vector<16xi32>], vector<16xf32>,
          %get3A = arith.index_cast %scan3A_36 : i32 to index
          %get3A_37 = arith.constant 0 : index
          %get3A_38 = tpu.vector_load %arg11[%get3A, %get3A_37] {strides = array<i32>} : memref<128x128xf32, #tpu.memory_space<vmem>>, vector<16xf32>,
          %mul3A_39 = arith.mulf %get3A_38, %gather3A : vector<16xf32>
          %swap3A = arith.index_cast %scan3A_36 : i32 to index
          %swap3A_40 = arith.constant 0 : index
          %swap3A_41 = tpu.vector_load %arg11[%swap3A, %swap3A_40] {strides = array<i32>} : memref<128x128xf32, #tpu.memory_space<vmem>>, vector<16xf32>,
          tpu.vector_store %arg11[%swap3A, %swap3A_40], %mul3A_39 {strides = array<i32>} : memref<128x128xf32, #tpu.memory_space<vmem>>, vector<16xf32>,
          %get3A_42 = arith.index_cast %scan3A_36 : i32 to index
          %get3A_43 = arith.constant 16 : index
          %get3A_44 = tpu.vector_load %arg11[%get3A_42, %get3A_43] {strides = array<i32>} : memref<128x128xf32, #tpu.memory_space<vmem>>, vector<16xf32>,
          %mul3A_45 = arith.mulf %get3A_44, %gather3A : vector<16xf32>
          %swap3A_46 = arith.index_cast %scan3A_36 : i32 to index
          %swap3A_47 = arith.constant 16 : index
          %swap3A_48 = tpu.vector_load %arg11[%swap3A_46, %swap3A_47] {strides = array<i32>} : memref<128x128xf32, #tpu.memory_space<vmem>>, vector<16xf32>,
          tpu.vector_store %arg11[%swap3A_46, %swap3A_47], %mul3A_45 {strides = array<i32>} : memref<128x128xf32, #tpu.memory_space<vmem>>, vector<16xf32>,
          %get3A_49 = arith.index_cast %scan3A_36 : i32 to index
          %get3A_50 = arith.constant 32 : index
          %get3A_51 = tpu.vector_load %arg11[%get3A_49, %get3A_50] {strides = array<i32>} : memref<128x128xf32, #tpu.memory_space<vmem>>, vector<16xf32>,
          %mul3A_52 = arith.mulf %get3A_51, %gather3A : vector<16xf32>
          %swap3A_53 = arith.index_cast %scan3A_36 : i32 to index
          %swap3A_54 = arith.constant 32 : index
          %swap3A_55 = tpu.vector_load %arg11[%swap3A_53, %swap3A_54] {strides = array<i32>} : memref<128x128xf32, #tpu.memory_space<vmem>>, vector<16xf32>,
          tpu.vector_store %arg11[%swap3A_53, %swap3A_54], %mul3A_52 {strides = array<i32>} : memref<128x128xf32, #tpu.memory_space<vmem>>, vector<16xf32>,
          %get3A_56 = arith.index_cast %scan3A_36 : i32 to index
          %get3A_57 = arith.constant 48 : index
          %get3A_58 = tpu.vector_load %arg11[%get3A_56, %get3A_57] {strides = array<i32>} : memref<128x128xf32, #tpu.memory_space<vmem>>, vector<16xf32>,
          %mul3A_59 = arith.mulf %get3A_58, %gather3A : vector<16xf32>
          %swap3A_60 = arith.index_cast %scan3A_36 : i32 to index
          %swap3A_61 = arith.constant 48 : index
          %swap3A_62 = tpu.vector_load %arg11[%swap3A_60, %swap3A_61] {strides = array<i32>} : memref<128x128xf32, #tpu.memory_space<vmem>>, vector<16xf32>,
          tpu.vector_store %arg11[%swap3A_60, %swap3A_61], %mul3A_59 {strides = array<i32>} : memref<128x128xf32, #tpu.memory_space<vmem>>, vector<16xf32>,
          %get3A_63 = arith.index_cast %scan3A_36 : i32 to index
          %get3A_64 = arith.constant 64 : index
          %get3A_65 = tpu.vector_load %arg11[%get3A_63, %get3A_64] {strides = array<i32>} : memref<128x128xf32, #tpu.memory_space<vmem>>, vector<16xf32>,
          %mul3A_66 = arith.mulf %get3A_65, %gather3A : vector<16xf32>
          %swap3A_67 = arith.index_cast %scan3A_36 : i32 to index
          %swap3A_68 = arith.constant 64 : index
          %swap3A_69 = tpu.vector_load %arg11[%swap3A_67, %swap3A_68] {strides = array<i32>} : memref<128x128xf32, #tpu.memory_space<vmem>>, vector<16xf32>,
          tpu.vector_store %arg11[%swap3A_67, %swap3A_68], %mul3A_66 {strides = array<i32>} : memref<128x128xf32, #tpu.memory_space<vmem>>, vector<16xf32>,
          %get3A_70 = arith.index_cast %scan3A_36 : i32 to index
          %get3A_71 = arith.constant 80 : index
          %get3A_72 = tpu.vector_load %arg11[%get3A_70, %get3A_71] {strides = array<i32>} : memref<128x128xf32, #tpu.memory_space<vmem>>, vector<16xf32>,
          %mul3A_73 = arith.mulf %get3A_72, %gather3A : vector<16xf32>
          %swap3A_74 = arith.index_cast %scan3A_36 : i32 to index
          %swap3A_75 = arith.constant 80 : index
          %swap3A_76 = tpu.vector_load %arg11[%swap3A_74, %swap3A_75] {strides = array<i32>} : memref<128x128xf32, #tpu.memory_space<vmem>>, vector<16xf32>,
          tpu.vector_store %arg11[%swap3A_74, %swap3A_75], %mul3A_73 {strides = array<i32>} : memref<128x128xf32, #tpu.memory_space<vmem>>, vector<16xf32>,
          %get3A_77 = arith.index_cast %scan3A_36 : i32 to index
          %get3A_78 = arith.constant 96 : index
          %get3A_79 = tpu.vector_load %arg11[%get3A_77, %get3A_78] {strides = array<i32>} : memref<128x128xf32, #tpu.memory_space<vmem>>, vector<16xf32>,
          %mul3A_80 = arith.mulf %get3A_79, %gather3A : vector<16xf32>
          %swap3A_81 = arith.index_cast %scan3A_36 : i32 to index
          %swap3A_82 = arith.constant 96 : index
          %swap3A_83 = tpu.vector_load %arg11[%swap3A_81, %swap3A_82] {strides = array<i32>} : memref<128x128xf32, #tpu.memory_space<vmem>>, vector<16xf32>,
          tpu.vector_store %arg11[%swap3A_81, %swap3A_82], %mul3A_80 {strides = array<i32>} : memref<128x128xf32, #tpu.memory_space<vmem>>, vector<16xf32>,
          %get3A_84 = arith.index_cast %scan3A_36 : i32 to index
          %get3A_85 = arith.constant 112 : index
          %get3A_86 = tpu.vector_load %arg11[%get3A_84, %get3A_85] {strides = array<i32>} : memref<128x128xf32, #tpu.memory_space<vmem>>, vector<16xf32>,
          %mul3A_87 = arith.mulf %get3A_86, %gather3A : vector<16xf32>
          %swap3A_88 = arith.index_cast %scan3A_36 : i32 to index
          %swap3A_89 = arith.constant 112 : index
          %swap3A_90 = tpu.vector_load %arg11[%swap3A_88, %swap3A_89] {strides = array<i32>} : memref<128x128xf32, #tpu.memory_space<vmem>>, vector<16xf32>,
          tpu.vector_store %arg11[%swap3A_88, %swap3A_89], %mul3A_87 {strides = array<i32>} : memref<128x128xf32, #tpu.memory_space<vmem>>, vector<16xf32>,
          %scan3A_91 = arith.constant 1 : i32
          %scan3A_92 = arith.addi %scan3A_36, %scan3A_91 : i32
          %broadcast_in_dim3A_93 = vector.broadcast %scan3A_92 : i32 to vector<16xi32>
          %gather3A_94 = tpu.vector_load_idx %arg10[%broadcast_in_dim3A_93] : memref<128xf32, #tpu.memory_space<vmem>>[vector<16xi32>], vector<16xf32>,
          %get3A_95 = arith.index_cast %scan3A_92 : i32 to index
          %get3A_96 = arith.constant 0 : index
          %get3A_97 = tpu.vector_load %arg11[%get3A_95, %get3A_96] {strides = array<i32>} : memref<128x128xf32, #tpu.memory_space<vmem>>, vector<16xf32>,
          %mul3A_98 = arith.mulf %get3A_97, %gather3A_94 : vector<16xf32>
          %swap3A_99 = arith.index_cast %scan3A_92 : i32 to index
          %swap3A_100 = arith.constant 0 : index
          %swap3A_101 = tpu.vector_load %arg11[%swap3A_99, %swap3A_100] {strides = array<i32>} : memref<128x128xf32, #tpu.memory_space<vmem>>, vector<16xf32>,
          tpu.vector_store %arg11[%swap3A_99, %swap3A_100], %mul3A_98 {strides = array<i32>} : memref<128x128xf32, #tpu.memory_space<vmem>>, vector<16xf32>,
          %get3A_102 = arith.index_cast %scan3A_92 : i32 to index
          %get3A_103 = arith.constant 16 : index
          %get3A_104 = tpu.vector_load %arg11[%get3A_102, %get3A_103] {strides = array<i32>} : memref<128x128xf32, #tpu.memory_space<vmem>>, vector<16xf32>,
          %mul3A_105 = arith.mulf %get3A_104, %gather3A_94 : vector<16xf32>
          %swap3A_106 = arith.index_cast %scan3A_92 : i32 to index
          %swap3A_107 = arith.constant 16 : index
          %swap3A_108 = tpu.vector_load %arg11[%swap3A_106, %swap3A_107] {strides = array<i32>} : memref<128x128xf32, #tpu.memory_space<vmem>>, vector<16xf32>,
          tpu.vector_store %arg11[%swap3A_106, %swap3A_107], %mul3A_105 {strides = array<i32>} : memref<128x128xf32, #tpu.memory_space<vmem>>, vector<16xf32>,
          %get3A_109 = arith.index_cast %scan3A_92 : i32 to index
          %get3A_110 = arith.constant 32 : index
          %get3A_111 = tpu.vector_load %arg11[%get3A_109, %get3A_110] {strides = array<i32>} : memref<128x128xf32, #tpu.memory_space<vmem>>, vector<16xf32>,
          %mul3A_112 = arith.mulf %get3A_111, %gather3A_94 : vector<16xf32>
          %swap3A_113 = arith.index_cast %scan3A_92 : i32 to index
          %swap3A_114 = arith.constant 32 : index
          %swap3A_115 = tpu.vector_load %arg11[%swap3A_113, %swap3A_114] {strides = array<i32>} : memref<128x128xf32, #tpu.memory_space<vmem>>, vector<16xf32>,
          tpu.vector_store %arg11[%swap3A_113, %swap3A_114], %mul3A_112 {strides = array<i32>} : memref<128x128xf32, #tpu.memory_space<vmem>>, vector<16xf32>,
          %get3A_116 = arith.index_cast %scan3A_92 : i32 to index
          %get3A_117 = arith.constant 48 : index
          %get3A_118 = tpu.vector_load %arg11[%get3A_116, %get3A_117] {strides = array<i32>} : memref<128x128xf32, #tpu.memory_space<vmem>>, vector<16xf32>,
          %mul3A_119 = arith.mulf %get3A_118, %gather3A_94 : vector<16xf32>
          %swap3A_120 = arith.index_cast %scan3A_92 : i32 to index
          %swap3A_121 = arith.constant 48 : index
          %swap3A_122 = tpu.vector_load %arg11[%swap3A_120, %swap3A_121] {strides = array<i32>} : memref<128x128xf32, #tpu.memory_space<vmem>>, vector<16xf32>,
          tpu.vector_store %arg11[%swap3A_120, %swap3A_121], %mul3A_119 {strides = array<i32>} : memref<128x128xf32, #tpu.memory_space<vmem>>, vector<16xf32>,
          %get3A_123 = arith.index_cast %scan3A_92 : i32 to index
          %get3A_124 = arith.constant 64 : index
          %get3A_125 = tpu.vector_load %arg11[%get3A_123, %get3A_124] {strides = array<i32>} : memref<128x128xf32, #tpu.memory_space<vmem>>, vector<16xf32>,
          %mul3A_126 = arith.mulf %get3A_125, %gather3A_94 : vector<16xf32>
          %swap3A_127 = arith.index_cast %scan3A_92 : i32 to index
          %swap3A_128 = arith.constant 64 : index
          %swap3A_129 = tpu.vector_load %arg11[%swap3A_127, %swap3A_128] {strides = array<i32>} : memref<128x128xf32, #tpu.memory_space<vmem>>, vector<16xf32>,
          tpu.vector_store %arg11[%swap3A_127, %swap3A_128], %mul3A_126 {strides = array<i32>} : memref<128x128xf32, #tpu.memory_space<vmem>>, vector<16xf32>,
          %get3A_130 = arith.index_cast %scan3A_92 : i32 to index
          %get3A_131 = arith.constant 80 : index
          %get3A_132 = tpu.vector_load %arg11[%get3A_130, %get3A_131] {strides = array<i32>} : memref<128x128xf32, #tpu.memory_space<vmem>>, vector<16xf32>,
          %mul3A_133 = arith.mulf %get3A_132, %gather3A_94 : vector<16xf32>
          %swap3A_134 = arith.index_cast %scan3A_92 : i32 to index
          %swap3A_135 = arith.constant 80 : index
          %swap3A_136 = tpu.vector_load %arg11[%swap3A_134, %swap3A_135] {strides = array<i32>} : memref<128x128xf32, #tpu.memory_space<vmem>>, vector<16xf32>,
          tpu.vector_store %arg11[%swap3A_134, %swap3A_135], %mul3A_133 {strides = array<i32>} : memref<128x128xf32, #tpu.memory_space<vmem>>, vector<16xf32>,
          %get3A_137 = arith.index_cast %scan3A_92 : i32 to index
          %get3A_138 = arith.constant 96 : index
          %get3A_139 = tpu.vector_load %arg11[%get3A_137, %get3A_138] {strides = array<i32>} : memref<128x128xf32, #tpu.memory_space<vmem>>, vector<16xf32>,
          %mul3A_140 = arith.mulf %get3A_139, %gather3A_94 : vector<16xf32>
          %swap3A_141 = arith.index_cast %scan3A_92 : i32 to index
          %swap3A_142 = arith.constant 96 : index
          %swap3A_143 = tpu.vector_load %arg11[%swap3A_141, %swap3A_142] {strides = array<i32>} : memref<128x128xf32, #tpu.memory_space<vmem>>, vector<16xf32>,
          tpu.vector_store %arg11[%swap3A_141, %swap3A_142], %mul3A_140 {strides = array<i32>} : memref<128x128xf32, #tpu.memory_space<vmem>>, vector<16xf32>,
          %get3A_144 = arith.index_cast %scan3A_92 : i32 to index
          %get3A_145 = arith.constant 112 : index
          %get3A_146 = tpu.vector_load %arg11[%get3A_144, %get3A_145] {strides = array<i32>} : memref<128x128xf32, #tpu.memory_space<vmem>>, vector<16xf32>,
          %mul3A_147 = arith.mulf %get3A_146, %gather3A_94 : vector<16xf32>
          %swap3A_148 = arith.index_cast %scan3A_92 : i32 to index
          %swap3A_149 = arith.constant 112 : index
          %swap3A_150 = tpu.vector_load %arg11[%swap3A_148, %swap3A_149] {strides = array<i32>} : memref<128x128xf32, #tpu.memory_space<vmem>>, vector<16xf32>,
          tpu.vector_store %arg11[%swap3A_148, %swap3A_149], %mul3A_147 {strides = array<i32>} : memref<128x128xf32, #tpu.memory_space<vmem>>, vector<16xf32>,
        }
        %scan3A_35 = arith.constant 128 : i32
        "tpu.region"() ({
          %run_scoped3A = tpu.sem_alloc : memref<!tpu.dma_semaphore, #tpu.memory_space<semaphore_mem>>
          %dma_start3A_36 = arith.constant 0 : i32
          %dma_start3A_37 = arith.constant 0 : i32
          %dma_start3A_38 = tpu.memref_slice %arg12[%dma_start3A_36, %dma_start3A_37] : memref<10000x128xf32, #tpu.memory_space<vmem_shared>> -> memref<10000x128xf32, #tpu.memory_space<vmem_shared>>
          tpu.enqueue_indirect_dma source(%arg11 : memref<128x128xf32, #tpu.memory_space<vmem>>) target(%dma_start3A_38 : memref<10000x128xf32, #tpu.memory_space<vmem_shared>>) offsets(%arg8 : memref<128xi32, #tpu.memory_space<vmem>>) semaphore(%run_scoped3A : memref<!tpu.dma_semaphore, #tpu.memory_space<semaphore_mem>>) {add = true}
          %dma_wait3A_39 = arith.constant 0 : i32
          %dma_wait3A_40 = arith.constant 0 : i32
          %dma_wait3A_41 = tpu.memref_slice %arg12[%dma_wait3A_39, %dma_wait3A_40] : memref<10000x128xf32, #tpu.memory_space<vmem_shared>> -> memref<10000x128xf32, #tpu.memory_space<vmem_shared>>
          tpu.wait_indirect_dma semaphore(%run_scoped3A : memref<!tpu.dma_semaphore, #tpu.memory_space<semaphore_mem>>) src(%arg11 : memref<128x128xf32, #tpu.memory_space<vmem>>) dst(%dma_wait3A_41 : memref<10000x128xf32, #tpu.memory_space<vmem_shared>>)
          tpu.yield
        }) : () -> ()
      } else {
      }
    }
    %scan3A_9 = arith.constant 79 : i32
    %barrier3A_10 = arith.constant 0 : index
    tpu.barrier barrier_id(%barrier3A_10)
    "tpu.region"() ({
      %run_scoped3A = tpu.sem_alloc : memref<!tpu.dma_semaphore, #tpu.memory_space<semaphore_mem>>
      %dma_start3A = arith.constant 0 : i32
      %dma_start3A_16 = tpu.memref_slice %arg7[%arg0, %mul3A_2, %dma_start3A] : memref<2x10000x128xf32, #tpu.memory_space<hbm>> -> memref<1x624x128xf32, #tpu.memory_space<hbm>>
      %dma_start3A_17 = tpu.memref_squeeze %dma_start3A_16 : memref<1x624x128xf32, #tpu.memory_space<hbm>> -> memref<624x128xf32, #tpu.memory_space<hbm>>
      %dma_start3A_18 = arith.constant 0 : i32
      %dma_start3A_19 = tpu.memref_slice %arg12[%mul3A_2, %dma_start3A_18] : memref<10000x128xf32, #tpu.memory_space<vmem_shared>> -> memref<624x128xf32, #tpu.memory_space<vmem_shared>>
      tpu.enqueue_dma source(%dma_start3A_19 : memref<624x128xf32, #tpu.memory_space<vmem_shared>>) target(%dma_start3A_17 : memref<624x128xf32, #tpu.memory_space<hbm>>) target_semaphore(%run_scoped3A : memref<!tpu.dma_semaphore, #tpu.memory_space<semaphore_mem>>)
      %dma_wait3A = arith.constant 0 : i32
      %dma_wait3A_20 = tpu.memref_slice %arg7[%arg0, %mul3A_2, %dma_wait3A] : memref<2x10000x128xf32, #tpu.memory_space<hbm>> -> memref<1x624x128xf32, #tpu.memory_space<hbm>>
      %dma_wait3A_21 = tpu.memref_squeeze %dma_wait3A_20 : memref<1x624x128xf32, #tpu.memory_space<hbm>> -> memref<624x128xf32, #tpu.memory_space<hbm>>
      %dma_wait3A_22 = arith.constant 0 : i32
      %dma_wait3A_23 = tpu.memref_slice %arg12[%mul3A_2, %dma_wait3A_22] : memref<10000x128xf32, #tpu.memory_space<vmem_shared>> -> memref<624x128xf32, #tpu.memory_space<vmem_shared>>
      tpu.wait_dma2 semaphore(%run_scoped3A : memref<!tpu.dma_semaphore, #tpu.memory_space<semaphore_mem>>) src(%dma_wait3A_23 : memref<624x128xf32, #tpu.memory_space<vmem_shared>>) dst(%dma_wait3A_21 : memref<624x128xf32, #tpu.memory_space<hbm>>)
      tpu.yield
    }) : () -> ()
    %eq3A_11 = arith.constant 15 : i32
    %eq3A_12 = arith.cmpi eq, %arg1, %eq3A_11 : i32
    %convert_element_type3A_13 = arith.extui %eq3A_12 : i1 to i32
    %cond3A_14 = arith.constant 0 : i32
    %cond3A_15 = arith.cmpi ne, %convert_element_type3A_13, %cond3A_14 : i32
    scf.if %cond3A_15 {
      "tpu.region"() ({
        %run_scoped3A = tpu.sem_alloc : memref<!tpu.dma_semaphore, #tpu.memory_space<semaphore_mem>>
        %dma_start3A = arith.constant 9984 : i32
        %dma_start3A_16 = arith.constant 0 : i32
        %dma_start3A_17 = tpu.memref_slice %arg7[%arg0, %dma_start3A, %dma_start3A_16] : memref<2x10000x128xf32, #tpu.memory_space<hbm>> -> memref<1x16x128xf32, #tpu.memory_space<hbm>>
        %dma_start3A_18 = tpu.memref_squeeze %dma_start3A_17 : memref<1x16x128xf32, #tpu.memory_space<hbm>> -> memref<16x128xf32, #tpu.memory_space<hbm>>
        %dma_start3A_19 = arith.constant 9984 : i32
        %dma_start3A_20 = arith.constant 0 : i32
        %dma_start3A_21 = tpu.memref_slice %arg12[%dma_start3A_19, %dma_start3A_20] : memref<10000x128xf32, #tpu.memory_space<vmem_shared>> -> memref<16x128xf32, #tpu.memory_space<vmem_shared>>
        tpu.enqueue_dma source(%dma_start3A_21 : memref<16x128xf32, #tpu.memory_space<vmem_shared>>) target(%dma_start3A_18 : memref<16x128xf32, #tpu.memory_space<hbm>>) target_semaphore(%run_scoped3A : memref<!tpu.dma_semaphore, #tpu.memory_space<semaphore_mem>>)
        %dma_wait3A = arith.constant 9984 : i32
        %dma_wait3A_22 = arith.constant 0 : i32
        %dma_wait3A_23 = tpu.memref_slice %arg7[%arg0, %dma_wait3A, %dma_wait3A_22] : memref<2x10000x128xf32, #tpu.memory_space<hbm>> -> memref<1x16x128xf32, #tpu.memory_space<hbm>>
        %dma_wait3A_24 = tpu.memref_squeeze %dma_wait3A_23 : memref<1x16x128xf32, #tpu.memory_space<hbm>> -> memref<16x128xf32, #tpu.memory_space<hbm>>
        %dma_wait3A_25 = arith.constant 9984 : i32
        %dma_wait3A_26 = arith.constant 0 : i32
        %dma_wait3A_27 = tpu.memref_slice %arg12[%dma_wait3A_25, %dma_wait3A_26] : memref<10000x128xf32, #tpu.memory_space<vmem_shared>> -> memref<16x128xf32, #tpu.memory_space<vmem_shared>>
        tpu.wait_dma2 semaphore(%run_scoped3A : memref<!tpu.dma_semaphore, #tpu.memory_space<semaphore_mem>>) src(%dma_wait3A_27 : memref<16x128xf32, #tpu.memory_space<vmem_shared>>) dst(%dma_wait3A_24 : memref<16x128xf32, #tpu.memory_space<hbm>>)
        tpu.yield
      }) : () -> ()
    } else {
    }
    return
  }
}

#map = affine_map<(d0, d1) -> (0)>
#map1 = affine_map<(d0, d1) -> (0, 0)>
#map2 = affine_map<(d0, d1) -> (0, 0, 0)>
module attributes {stable_mosaic.version = 14 : i64} {
  func.func @spmm(%arg0: i32, %arg1: i32, %arg2: memref<320000xi32, #tpu.memory_space<hbm>>, %arg3: memref<320000xi32, #tpu.memory_space<hbm>>, %arg4: memref<320000xf32, #tpu.memory_space<hbm>>, %arg5: memref<10000x128xf32, #tpu.memory_space<hbm>>, %arg6: memref<10000x128xf32, #tpu.memory_space<hbm>>, %arg7: memref<2x10000x128xf32, #tpu.memory_space<hbm>>, %arg8: memref<128xi32, #tpu.memory_space<vmem>>, %arg9: memref<128xi32, #tpu.memory_space<vmem>>, %arg10: memref<128xf32, #tpu.memory_space<vmem>>, %arg11: memref<128x128xf32, #tpu.memory_space<vmem>>, %arg12: memref<10000x128xf32, #tpu.memory_space<vmem_shared>>, %arg13: memref<!tpu.dma_semaphore, #tpu.memory_space<semaphore_mem>>) attributes {dimension_semantics = [#tpu.dimension_semantics<core_parallel>, #tpu.dimension_semantics<subcore_parallel>], iteration_bounds = array<i64: 2, 16>, scalar_prefetch = 0 : i64, scratch_operands = 6 : i64, tpu.core_type = #tpu.core_type<sc_vector_subcore>, window_params = [{transform_indices = #map}, {transform_indices = #map}, {transform_indices = #map}, {transform_indices = #map1}, {transform_indices = #map1}, {transform_indices = #map2}]} {
    %mul3A = arith.constant 2 : i32
    %mul3A_0 = arith.muli %arg1, %mul3A : i32
    %add3A = arith.addi %mul3A_0, %arg0 : i32
    %mul3A_1 = arith.constant 624 : i32
    %mul3A_2 = arith.muli %arg1, %mul3A_1 : i32
    "tpu.region"() ({
      %run_scoped3A = tpu.sem_alloc : memref<!tpu.dma_semaphore, #tpu.memory_space<semaphore_mem>>
      %dma_start3A = arith.constant 0 : i32
      %dma_start3A_16 = tpu.memref_slice %arg12[%mul3A_2, %dma_start3A] : memref<10000x128xf32, #tpu.memory_space<vmem_shared>> -> memref<624x128xf32, #tpu.memory_space<vmem_shared>>
      %dma_start3A_17 = arith.constant 0 : i32
      %dma_start3A_18 = tpu.memref_slice %arg6[%mul3A_2, %dma_start3A_17] : memref<10000x128xf32, #tpu.memory_space<hbm>> -> memref<624x128xf32, #tpu.memory_space<hbm>>
      tpu.enqueue_dma source(%dma_start3A_18 : memref<624x128xf32, #tpu.memory_space<hbm>>) target(%dma_start3A_16 : memref<624x128xf32, #tpu.memory_space<vmem_shared>>) target_semaphore(%run_scoped3A : memref<!tpu.dma_semaphore, #tpu.memory_space<semaphore_mem>>)
      %dma_wait3A = arith.constant 0 : i32
      %dma_wait3A_19 = tpu.memref_slice %arg12[%mul3A_2, %dma_wait3A] : memref<10000x128xf32, #tpu.memory_space<vmem_shared>> -> memref<624x128xf32, #tpu.memory_space<vmem_shared>>
      %dma_wait3A_20 = arith.constant 0 : i32
      %dma_wait3A_21 = tpu.memref_slice %arg6[%mul3A_2, %dma_wait3A_20] : memref<10000x128xf32, #tpu.memory_space<hbm>> -> memref<624x128xf32, #tpu.memory_space<hbm>>
      tpu.wait_dma2 semaphore(%run_scoped3A : memref<!tpu.dma_semaphore, #tpu.memory_space<semaphore_mem>>) src(%dma_wait3A_21 : memref<624x128xf32, #tpu.memory_space<hbm>>) dst(%dma_wait3A_19 : memref<624x128xf32, #tpu.memory_space<vmem_shared>>)
      tpu.yield
    }) : () -> ()
    %eq3A = arith.constant 15 : i32
    %eq3A_3 = arith.cmpi eq, %arg1, %eq3A : i32
    %convert_element_type3A = arith.extui %eq3A_3 : i1 to i32
    %cond3A = arith.constant 0 : i32
    %cond3A_4 = arith.cmpi ne, %convert_element_type3A, %cond3A : i32
    scf.if %cond3A_4 {
      "tpu.region"() ({
        %run_scoped3A = tpu.sem_alloc : memref<!tpu.dma_semaphore, #tpu.memory_space<semaphore_mem>>
        %dma_start3A = arith.constant 9984 : i32
        %dma_start3A_16 = arith.constant 0 : i32
        %dma_start3A_17 = tpu.memref_slice %arg12[%dma_start3A, %dma_start3A_16] : memref<10000x128xf32, #tpu.memory_space<vmem_shared>> -> memref<16x128xf32, #tpu.memory_space<vmem_shared>>
        %dma_start3A_18 = arith.constant 9984 : i32
        %dma_start3A_19 = arith.constant 0 : i32
        %dma_start3A_20 = tpu.memref_slice %arg6[%dma_start3A_18, %dma_start3A_19] : memref<10000x128xf32, #tpu.memory_space<hbm>> -> memref<16x128xf32, #tpu.memory_space<hbm>>
        tpu.enqueue_dma source(%dma_start3A_20 : memref<16x128xf32, #tpu.memory_space<hbm>>) target(%dma_start3A_17 : memref<16x128xf32, #tpu.memory_space<vmem_shared>>) target_semaphore(%run_scoped3A : memref<!tpu.dma_semaphore, #tpu.memory_space<semaphore_mem>>)
        %dma_wait3A = arith.constant 9984 : i32
        %dma_wait3A_21 = arith.constant 0 : i32
        %dma_wait3A_22 = tpu.memref_slice %arg12[%dma_wait3A, %dma_wait3A_21] : memref<10000x128xf32, #tpu.memory_space<vmem_shared>> -> memref<16x128xf32, #tpu.memory_space<vmem_shared>>
        %dma_wait3A_23 = arith.constant 9984 : i32
        %dma_wait3A_24 = arith.constant 0 : i32
        %dma_wait3A_25 = tpu.memref_slice %arg6[%dma_wait3A_23, %dma_wait3A_24] : memref<10000x128xf32, #tpu.memory_space<hbm>> -> memref<16x128xf32, #tpu.memory_space<hbm>>
        tpu.wait_dma2 semaphore(%run_scoped3A : memref<!tpu.dma_semaphore, #tpu.memory_space<semaphore_mem>>) src(%dma_wait3A_25 : memref<16x128xf32, #tpu.memory_space<hbm>>) dst(%dma_wait3A_22 : memref<16x128xf32, #tpu.memory_space<vmem_shared>>)
        tpu.yield
      }) : () -> ()
    } else {
    }
    %barrier3A = arith.constant 0 : index
    tpu.barrier barrier_id(%barrier3A)
    %scan3A = arith.constant 0 : i32
    %scan3A_5 = arith.constant 0 : i32
    %scan3A_6 = arith.constant 79 : i32
    %scan3A_7 = arith.addi %scan3A_5, %scan3A_6 : i32
    %scan3A_8 = arith.constant 1 : i32
    scf.for %scan3A_16 = %scan3A_5 to %scan3A_7 step %scan3A_8  : i32 {
      %mul3A_17 = arith.constant 32 : i32
      %mul3A_18 = arith.muli %scan3A_16, %mul3A_17 : i32
      %add3A_19 = arith.addi %add3A, %mul3A_18 : i32
      %lt3A = arith.constant 2500 : i32
      %lt3A_20 = arith.cmpi slt, %add3A_19, %lt3A : i32
      %convert_element_type3A_21 = arith.extui %lt3A_20 : i1 to i32
      %cond3A_22 = arith.constant 0 : i32
      %cond3A_23 = arith.cmpi ne, %convert_element_type3A_21, %cond3A_22 : i32
      scf.if %cond3A_23 {
        %mul3A_24 = arith.constant 128 : i32
        %mul3A_25 = arith.muli %add3A_19, %mul3A_24 : i32
        "tpu.region"() ({
          %run_scoped3A = tpu.sem_alloc : memref<!tpu.dma_semaphore, #tpu.memory_space<semaphore_mem>>
          %dma_start3A_36 = tpu.memref_slice %arg2[%mul3A_25] : memref<320000xi32, #tpu.memory_space<hbm>> -> memref<128xi32, #tpu.memory_space<hbm>>
          %dma_start3A_37 = tpu.memref_slice %arg2[%mul3A_25] : memref<320000xi32, #tpu.memory_space<hbm>> -> memref<128xi32, #tpu.memory_space<hbm>>
          tpu.enqueue_dma source(%dma_start3A_37 : memref<128xi32, #tpu.memory_space<hbm>>) target(%arg8 : memref<128xi32, #tpu.memory_space<vmem>>) target_semaphore(%run_scoped3A : memref<!tpu.dma_semaphore, #tpu.memory_space<semaphore_mem>>)
          %dma_wait3A_38 = tpu.memref_slice %arg2[%mul3A_25] : memref<320000xi32, #tpu.memory_space<hbm>> -> memref<128xi32, #tpu.memory_space<hbm>>
          %dma_wait3A_39 = tpu.memref_slice %arg2[%mul3A_25] : memref<320000xi32, #tpu.memory_space<hbm>> -> memref<128xi32, #tpu.memory_space<hbm>>
          tpu.wait_dma2 semaphore(%run_scoped3A : memref<!tpu.dma_semaphore, #tpu.memory_space<semaphore_mem>>) src(%dma_wait3A_39 : memref<128xi32, #tpu.memory_space<hbm>>) dst(%arg8 : memref<128xi32, #tpu.memory_space<vmem>>)
          tpu.yield
        }) : () -> ()
        "tpu.region"() ({
          %run_scoped3A = tpu.sem_alloc : memref<!tpu.dma_semaphore, #tpu.memory_space<semaphore_mem>>
          %dma_start3A_36 = tpu.memref_slice %arg3[%mul3A_25] : memref<320000xi32, #tpu.memory_space<hbm>> -> memref<128xi32, #tpu.memory_space<hbm>>
          %dma_start3A_37 = tpu.memref_slice %arg3[%mul3A_25] : memref<320000xi32, #tpu.memory_space<hbm>> -> memref<128xi32, #tpu.memory_space<hbm>>
          tpu.enqueue_dma source(%dma_start3A_37 : memref<128xi32, #tpu.memory_space<hbm>>) target(%arg9 : memref<128xi32, #tpu.memory_space<vmem>>) target_semaphore(%run_scoped3A : memref<!tpu.dma_semaphore, #tpu.memory_space<semaphore_mem>>)
          %dma_wait3A_38 = tpu.memref_slice %arg3[%mul3A_25] : memref<320000xi32, #tpu.memory_space<hbm>> -> memref<128xi32, #tpu.memory_space<hbm>>
          %dma_wait3A_39 = tpu.memref_slice %arg3[%mul3A_25] : memref<320000xi32, #tpu.memory_space<hbm>> -> memref<128xi32, #tpu.memory_space<hbm>>
          tpu.wait_dma2 semaphore(%run_scoped3A : memref<!tpu.dma_semaphore, #tpu.memory_space<semaphore_mem>>) src(%dma_wait3A_39 : memref<128xi32, #tpu.memory_space<hbm>>) dst(%arg9 : memref<128xi32, #tpu.memory_space<vmem>>)
          tpu.yield
        }) : () -> ()
        "tpu.region"() ({
          %run_scoped3A = tpu.sem_alloc : memref<!tpu.dma_semaphore, #tpu.memory_space<semaphore_mem>>
          %dma_start3A_36 = tpu.memref_slice %arg4[%mul3A_25] : memref<320000xf32, #tpu.memory_space<hbm>> -> memref<128xf32, #tpu.memory_space<hbm>>
          %dma_start3A_37 = tpu.memref_slice %arg4[%mul3A_25] : memref<320000xf32, #tpu.memory_space<hbm>> -> memref<128xf32, #tpu.memory_space<hbm>>
          tpu.enqueue_dma source(%dma_start3A_37 : memref<128xf32, #tpu.memory_space<hbm>>) target(%arg10 : memref<128xf32, #tpu.memory_space<vmem>>) target_semaphore(%run_scoped3A : memref<!tpu.dma_semaphore, #tpu.memory_space<semaphore_mem>>)
          %dma_wait3A_38 = tpu.memref_slice %arg4[%mul3A_25] : memref<320000xf32, #tpu.memory_space<hbm>> -> memref<128xf32, #tpu.memory_space<hbm>>
          %dma_wait3A_39 = tpu.memref_slice %arg4[%mul3A_25] : memref<320000xf32, #tpu.memory_space<hbm>> -> memref<128xf32, #tpu.memory_space<hbm>>
          tpu.wait_dma2 semaphore(%run_scoped3A : memref<!tpu.dma_semaphore, #tpu.memory_space<semaphore_mem>>) src(%dma_wait3A_39 : memref<128xf32, #tpu.memory_space<hbm>>) dst(%arg10 : memref<128xf32, #tpu.memory_space<vmem>>)
          tpu.yield
        }) : () -> ()
        %dma_start3A = arith.constant 0 : i32
        %dma_start3A_26 = arith.constant 0 : i32
        %dma_start3A_27 = tpu.memref_slice %arg5[%dma_start3A, %dma_start3A_26] : memref<10000x128xf32, #tpu.memory_space<hbm>> -> memref<10000x128xf32, #tpu.memory_space<hbm>>
        tpu.enqueue_indirect_dma source(%dma_start3A_27 : memref<10000x128xf32, #tpu.memory_space<hbm>>) target(%arg11 : memref<128x128xf32, #tpu.memory_space<vmem>>) offsets(%arg9 : memref<128xi32, #tpu.memory_space<vmem>>) semaphore(%arg13 : memref<!tpu.dma_semaphore, #tpu.memory_space<semaphore_mem>>)
        %dma_wait3A = arith.constant 0 : i32
        %dma_wait3A_28 = arith.constant 0 : i32
        %dma_wait3A_29 = tpu.memref_slice %arg5[%dma_wait3A, %dma_wait3A_28] : memref<10000x128xf32, #tpu.memory_space<hbm>> -> memref<10000x128xf32, #tpu.memory_space<hbm>>
        tpu.wait_indirect_dma semaphore(%arg13 : memref<!tpu.dma_semaphore, #tpu.memory_space<semaphore_mem>>) src(%dma_wait3A_29 : memref<10000x128xf32, #tpu.memory_space<hbm>>) dst(%arg11 : memref<128x128xf32, #tpu.memory_space<vmem>>)
        %scan3A_30 = arith.constant 0 : i32
        %scan3A_31 = arith.constant 0 : i32
        %scan3A_32 = arith.constant 128 : i32
        %scan3A_33 = arith.addi %scan3A_31, %scan3A_32 : i32
        %scan3A_34 = arith.constant 2 : i32
        scf.for %scan3A_36 = %scan3A_31 to %scan3A_33 step %scan3A_34  : i32 {
          %broadcast_in_dim3A = vector.broadcast %scan3A_36 : i32 to vector<16xi32>
          %gather3A = tpu.vector_load_idx %arg10[%broadcast_in_dim3A] : memref<128xf32, #tpu.memory_space<vmem>>[vector<16xi32>], vector<16xf32>,
          %get3A = arith.index_cast %scan3A_36 : i32 to index
          %get3A_37 = arith.constant 0 : index
          %get3A_38 = tpu.vector_load %arg11[%get3A, %get3A_37] {strides = array<i32>} : memref<128x128xf32, #tpu.memory_space<vmem>>, vector<16xf32>,
          %mul3A_39 = arith.mulf %get3A_38, %gather3A : vector<16xf32>
          %swap3A = arith.index_cast %scan3A_36 : i32 to index
          %swap3A_40 = arith.constant 0 : index
          %swap3A_41 = tpu.vector_load %arg11[%swap3A, %swap3A_40] {strides = array<i32>} : memref<128x128xf32, #tpu.memory_space<vmem>>, vector<16xf32>,
          tpu.vector_store %arg11[%swap3A, %swap3A_40], %mul3A_39 {strides = array<i32>} : memref<128x128xf32, #tpu.memory_space<vmem>>, vector<16xf32>,
          %get3A_42 = arith.index_cast %scan3A_36 : i32 to index
          %get3A_43 = arith.constant 16 : index
          %get3A_44 = tpu.vector_load %arg11[%get3A_42, %get3A_43] {strides = array<i32>} : memref<128x128xf32, #tpu.memory_space<vmem>>, vector<16xf32>,
          %mul3A_45 = arith.mulf %get3A_44, %gather3A : vector<16xf32>
          %swap3A_46 = arith.index_cast %scan3A_36 : i32 to index
          %swap3A_47 = arith.constant 16 : index
          %swap3A_48 = tpu.vector_load %arg11[%swap3A_46, %swap3A_47] {strides = array<i32>} : memref<128x128xf32, #tpu.memory_space<vmem>>, vector<16xf32>,
          tpu.vector_store %arg11[%swap3A_46, %swap3A_47], %mul3A_45 {strides = array<i32>} : memref<128x128xf32, #tpu.memory_space<vmem>>, vector<16xf32>,
          %get3A_49 = arith.index_cast %scan3A_36 : i32 to index
          %get3A_50 = arith.constant 32 : index
          %get3A_51 = tpu.vector_load %arg11[%get3A_49, %get3A_50] {strides = array<i32>} : memref<128x128xf32, #tpu.memory_space<vmem>>, vector<16xf32>,
          %mul3A_52 = arith.mulf %get3A_51, %gather3A : vector<16xf32>
          %swap3A_53 = arith.index_cast %scan3A_36 : i32 to index
          %swap3A_54 = arith.constant 32 : index
          %swap3A_55 = tpu.vector_load %arg11[%swap3A_53, %swap3A_54] {strides = array<i32>} : memref<128x128xf32, #tpu.memory_space<vmem>>, vector<16xf32>,
          tpu.vector_store %arg11[%swap3A_53, %swap3A_54], %mul3A_52 {strides = array<i32>} : memref<128x128xf32, #tpu.memory_space<vmem>>, vector<16xf32>,
          %get3A_56 = arith.index_cast %scan3A_36 : i32 to index
          %get3A_57 = arith.constant 48 : index
          %get3A_58 = tpu.vector_load %arg11[%get3A_56, %get3A_57] {strides = array<i32>} : memref<128x128xf32, #tpu.memory_space<vmem>>, vector<16xf32>,
          %mul3A_59 = arith.mulf %get3A_58, %gather3A : vector<16xf32>
          %swap3A_60 = arith.index_cast %scan3A_36 : i32 to index
          %swap3A_61 = arith.constant 48 : index
          %swap3A_62 = tpu.vector_load %arg11[%swap3A_60, %swap3A_61] {strides = array<i32>} : memref<128x128xf32, #tpu.memory_space<vmem>>, vector<16xf32>,
          tpu.vector_store %arg11[%swap3A_60, %swap3A_61], %mul3A_59 {strides = array<i32>} : memref<128x128xf32, #tpu.memory_space<vmem>>, vector<16xf32>,
          %get3A_63 = arith.index_cast %scan3A_36 : i32 to index
          %get3A_64 = arith.constant 64 : index
          %get3A_65 = tpu.vector_load %arg11[%get3A_63, %get3A_64] {strides = array<i32>} : memref<128x128xf32, #tpu.memory_space<vmem>>, vector<16xf32>,
          %mul3A_66 = arith.mulf %get3A_65, %gather3A : vector<16xf32>
          %swap3A_67 = arith.index_cast %scan3A_36 : i32 to index
          %swap3A_68 = arith.constant 64 : index
          %swap3A_69 = tpu.vector_load %arg11[%swap3A_67, %swap3A_68] {strides = array<i32>} : memref<128x128xf32, #tpu.memory_space<vmem>>, vector<16xf32>,
          tpu.vector_store %arg11[%swap3A_67, %swap3A_68], %mul3A_66 {strides = array<i32>} : memref<128x128xf32, #tpu.memory_space<vmem>>, vector<16xf32>,
          %get3A_70 = arith.index_cast %scan3A_36 : i32 to index
          %get3A_71 = arith.constant 80 : index
          %get3A_72 = tpu.vector_load %arg11[%get3A_70, %get3A_71] {strides = array<i32>} : memref<128x128xf32, #tpu.memory_space<vmem>>, vector<16xf32>,
          %mul3A_73 = arith.mulf %get3A_72, %gather3A : vector<16xf32>
          %swap3A_74 = arith.index_cast %scan3A_36 : i32 to index
          %swap3A_75 = arith.constant 80 : index
          %swap3A_76 = tpu.vector_load %arg11[%swap3A_74, %swap3A_75] {strides = array<i32>} : memref<128x128xf32, #tpu.memory_space<vmem>>, vector<16xf32>,
          tpu.vector_store %arg11[%swap3A_74, %swap3A_75], %mul3A_73 {strides = array<i32>} : memref<128x128xf32, #tpu.memory_space<vmem>>, vector<16xf32>,
          %get3A_77 = arith.index_cast %scan3A_36 : i32 to index
          %get3A_78 = arith.constant 96 : index
          %get3A_79 = tpu.vector_load %arg11[%get3A_77, %get3A_78] {strides = array<i32>} : memref<128x128xf32, #tpu.memory_space<vmem>>, vector<16xf32>,
          %mul3A_80 = arith.mulf %get3A_79, %gather3A : vector<16xf32>
          %swap3A_81 = arith.index_cast %scan3A_36 : i32 to index
          %swap3A_82 = arith.constant 96 : index
          %swap3A_83 = tpu.vector_load %arg11[%swap3A_81, %swap3A_82] {strides = array<i32>} : memref<128x128xf32, #tpu.memory_space<vmem>>, vector<16xf32>,
          tpu.vector_store %arg11[%swap3A_81, %swap3A_82], %mul3A_80 {strides = array<i32>} : memref<128x128xf32, #tpu.memory_space<vmem>>, vector<16xf32>,
          %get3A_84 = arith.index_cast %scan3A_36 : i32 to index
          %get3A_85 = arith.constant 112 : index
          %get3A_86 = tpu.vector_load %arg11[%get3A_84, %get3A_85] {strides = array<i32>} : memref<128x128xf32, #tpu.memory_space<vmem>>, vector<16xf32>,
          %mul3A_87 = arith.mulf %get3A_86, %gather3A : vector<16xf32>
          %swap3A_88 = arith.index_cast %scan3A_36 : i32 to index
          %swap3A_89 = arith.constant 112 : index
          %swap3A_90 = tpu.vector_load %arg11[%swap3A_88, %swap3A_89] {strides = array<i32>} : memref<128x128xf32, #tpu.memory_space<vmem>>, vector<16xf32>,
          tpu.vector_store %arg11[%swap3A_88, %swap3A_89], %mul3A_87 {strides = array<i32>} : memref<128x128xf32, #tpu.memory_space<vmem>>, vector<16xf32>,
          %scan3A_91 = arith.constant 1 : i32
          %scan3A_92 = arith.addi %scan3A_36, %scan3A_91 : i32
          %broadcast_in_dim3A_93 = vector.broadcast %scan3A_92 : i32 to vector<16xi32>
          %gather3A_94 = tpu.vector_load_idx %arg10[%broadcast_in_dim3A_93] : memref<128xf32, #tpu.memory_space<vmem>>[vector<16xi32>], vector<16xf32>,
          %get3A_95 = arith.index_cast %scan3A_92 : i32 to index
          %get3A_96 = arith.constant 0 : index
          %get3A_97 = tpu.vector_load %arg11[%get3A_95, %get3A_96] {strides = array<i32>} : memref<128x128xf32, #tpu.memory_space<vmem>>, vector<16xf32>,
          %mul3A_98 = arith.mulf %get3A_97, %gather3A_94 : vector<16xf32>
          %swap3A_99 = arith.index_cast %scan3A_92 : i32 to index
          %swap3A_100 = arith.constant 0 : index
          %swap3A_101 = tpu.vector_load %arg11[%swap3A_99, %swap3A_100] {strides = array<i32>} : memref<128x128xf32, #tpu.memory_space<vmem>>, vector<16xf32>,
          tpu.vector_store %arg11[%swap3A_99, %swap3A_100], %mul3A_98 {strides = array<i32>} : memref<128x128xf32, #tpu.memory_space<vmem>>, vector<16xf32>,
          %get3A_102 = arith.index_cast %scan3A_92 : i32 to index
          %get3A_103 = arith.constant 16 : index
          %get3A_104 = tpu.vector_load %arg11[%get3A_102, %get3A_103] {strides = array<i32>} : memref<128x128xf32, #tpu.memory_space<vmem>>, vector<16xf32>,
          %mul3A_105 = arith.mulf %get3A_104, %gather3A_94 : vector<16xf32>
          %swap3A_106 = arith.index_cast %scan3A_92 : i32 to index
          %swap3A_107 = arith.constant 16 : index
          %swap3A_108 = tpu.vector_load %arg11[%swap3A_106, %swap3A_107] {strides = array<i32>} : memref<128x128xf32, #tpu.memory_space<vmem>>, vector<16xf32>,
          tpu.vector_store %arg11[%swap3A_106, %swap3A_107], %mul3A_105 {strides = array<i32>} : memref<128x128xf32, #tpu.memory_space<vmem>>, vector<16xf32>,
          %get3A_109 = arith.index_cast %scan3A_92 : i32 to index
          %get3A_110 = arith.constant 32 : index
          %get3A_111 = tpu.vector_load %arg11[%get3A_109, %get3A_110] {strides = array<i32>} : memref<128x128xf32, #tpu.memory_space<vmem>>, vector<16xf32>,
          %mul3A_112 = arith.mulf %get3A_111, %gather3A_94 : vector<16xf32>
          %swap3A_113 = arith.index_cast %scan3A_92 : i32 to index
          %swap3A_114 = arith.constant 32 : index
          %swap3A_115 = tpu.vector_load %arg11[%swap3A_113, %swap3A_114] {strides = array<i32>} : memref<128x128xf32, #tpu.memory_space<vmem>>, vector<16xf32>,
          tpu.vector_store %arg11[%swap3A_113, %swap3A_114], %mul3A_112 {strides = array<i32>} : memref<128x128xf32, #tpu.memory_space<vmem>>, vector<16xf32>,
          %get3A_116 = arith.index_cast %scan3A_92 : i32 to index
          %get3A_117 = arith.constant 48 : index
          %get3A_118 = tpu.vector_load %arg11[%get3A_116, %get3A_117] {strides = array<i32>} : memref<128x128xf32, #tpu.memory_space<vmem>>, vector<16xf32>,
          %mul3A_119 = arith.mulf %get3A_118, %gather3A_94 : vector<16xf32>
          %swap3A_120 = arith.index_cast %scan3A_92 : i32 to index
          %swap3A_121 = arith.constant 48 : index
          %swap3A_122 = tpu.vector_load %arg11[%swap3A_120, %swap3A_121] {strides = array<i32>} : memref<128x128xf32, #tpu.memory_space<vmem>>, vector<16xf32>,
          tpu.vector_store %arg11[%swap3A_120, %swap3A_121], %mul3A_119 {strides = array<i32>} : memref<128x128xf32, #tpu.memory_space<vmem>>, vector<16xf32>,
          %get3A_123 = arith.index_cast %scan3A_92 : i32 to index
          %get3A_124 = arith.constant 64 : index
          %get3A_125 = tpu.vector_load %arg11[%get3A_123, %get3A_124] {strides = array<i32>} : memref<128x128xf32, #tpu.memory_space<vmem>>, vector<16xf32>,
          %mul3A_126 = arith.mulf %get3A_125, %gather3A_94 : vector<16xf32>
          %swap3A_127 = arith.index_cast %scan3A_92 : i32 to index
          %swap3A_128 = arith.constant 64 : index
          %swap3A_129 = tpu.vector_load %arg11[%swap3A_127, %swap3A_128] {strides = array<i32>} : memref<128x128xf32, #tpu.memory_space<vmem>>, vector<16xf32>,
          tpu.vector_store %arg11[%swap3A_127, %swap3A_128], %mul3A_126 {strides = array<i32>} : memref<128x128xf32, #tpu.memory_space<vmem>>, vector<16xf32>,
          %get3A_130 = arith.index_cast %scan3A_92 : i32 to index
          %get3A_131 = arith.constant 80 : index
          %get3A_132 = tpu.vector_load %arg11[%get3A_130, %get3A_131] {strides = array<i32>} : memref<128x128xf32, #tpu.memory_space<vmem>>, vector<16xf32>,
          %mul3A_133 = arith.mulf %get3A_132, %gather3A_94 : vector<16xf32>
          %swap3A_134 = arith.index_cast %scan3A_92 : i32 to index
          %swap3A_135 = arith.constant 80 : index
          %swap3A_136 = tpu.vector_load %arg11[%swap3A_134, %swap3A_135] {strides = array<i32>} : memref<128x128xf32, #tpu.memory_space<vmem>>, vector<16xf32>,
          tpu.vector_store %arg11[%swap3A_134, %swap3A_135], %mul3A_133 {strides = array<i32>} : memref<128x128xf32, #tpu.memory_space<vmem>>, vector<16xf32>,
          %get3A_137 = arith.index_cast %scan3A_92 : i32 to index
          %get3A_138 = arith.constant 96 : index
          %get3A_139 = tpu.vector_load %arg11[%get3A_137, %get3A_138] {strides = array<i32>} : memref<128x128xf32, #tpu.memory_space<vmem>>, vector<16xf32>,
          %mul3A_140 = arith.mulf %get3A_139, %gather3A_94 : vector<16xf32>
          %swap3A_141 = arith.index_cast %scan3A_92 : i32 to index
          %swap3A_142 = arith.constant 96 : index
          %swap3A_143 = tpu.vector_load %arg11[%swap3A_141, %swap3A_142] {strides = array<i32>} : memref<128x128xf32, #tpu.memory_space<vmem>>, vector<16xf32>,
          tpu.vector_store %arg11[%swap3A_141, %swap3A_142], %mul3A_140 {strides = array<i32>} : memref<128x128xf32, #tpu.memory_space<vmem>>, vector<16xf32>,
          %get3A_144 = arith.index_cast %scan3A_92 : i32 to index
          %get3A_145 = arith.constant 112 : index
          %get3A_146 = tpu.vector_load %arg11[%get3A_144, %get3A_145] {strides = array<i32>} : memref<128x128xf32, #tpu.memory_space<vmem>>, vector<16xf32>,
          %mul3A_147 = arith.mulf %get3A_146, %gather3A_94 : vector<16xf32>
          %swap3A_148 = arith.index_cast %scan3A_92 : i32 to index
          %swap3A_149 = arith.constant 112 : index
          %swap3A_150 = tpu.vector_load %arg11[%swap3A_148, %swap3A_149] {strides = array<i32>} : memref<128x128xf32, #tpu.memory_space<vmem>>, vector<16xf32>,
          tpu.vector_store %arg11[%swap3A_148, %swap3A_149], %mul3A_147 {strides = array<i32>} : memref<128x128xf32, #tpu.memory_space<vmem>>, vector<16xf32>,
        }
        %scan3A_35 = arith.constant 128 : i32
        "tpu.region"() ({
          %run_scoped3A = tpu.sem_alloc : memref<!tpu.dma_semaphore, #tpu.memory_space<semaphore_mem>>
          %dma_start3A_36 = arith.constant 0 : i32
          %dma_start3A_37 = arith.constant 0 : i32
          %dma_start3A_38 = tpu.memref_slice %arg12[%dma_start3A_36, %dma_start3A_37] : memref<10000x128xf32, #tpu.memory_space<vmem_shared>> -> memref<10000x128xf32, #tpu.memory_space<vmem_shared>>
          tpu.enqueue_indirect_dma source(%arg11 : memref<128x128xf32, #tpu.memory_space<vmem>>) target(%dma_start3A_38 : memref<10000x128xf32, #tpu.memory_space<vmem_shared>>) offsets(%arg8 : memref<128xi32, #tpu.memory_space<vmem>>) semaphore(%run_scoped3A : memref<!tpu.dma_semaphore, #tpu.memory_space<semaphore_mem>>) {add = true}
          %dma_wait3A_39 = arith.constant 0 : i32
          %dma_wait3A_40 = arith.constant 0 : i32
          %dma_wait3A_41 = tpu.memref_slice %arg12[%dma_wait3A_39, %dma_wait3A_40] : memref<10000x128xf32, #tpu.memory_space<vmem_shared>> -> memref<10000x128xf32, #tpu.memory_space<vmem_shared>>
          tpu.wait_indirect_dma semaphore(%run_scoped3A : memref<!tpu.dma_semaphore, #tpu.memory_space<semaphore_mem>>) src(%arg11 : memref<128x128xf32, #tpu.memory_space<vmem>>) dst(%dma_wait3A_41 : memref<10000x128xf32, #tpu.memory_space<vmem_shared>>)
          tpu.yield
        }) : () -> ()
      } else {
      }
    }
    %scan3A_9 = arith.constant 79 : i32
    %barrier3A_10 = arith.constant 0 : index
    tpu.barrier barrier_id(%barrier3A_10)
    "tpu.region"() ({
      %run_scoped3A = tpu.sem_alloc : memref<!tpu.dma_semaphore, #tpu.memory_space<semaphore_mem>>
      %dma_start3A = arith.constant 0 : i32
      %dma_start3A_16 = tpu.memref_slice %arg7[%arg0, %mul3A_2, %dma_start3A] : memref<2x10000x128xf32, #tpu.memory_space<hbm>> -> memref<1x624x128xf32, #tpu.memory_space<hbm>>
      %dma_start3A_17 = tpu.memref_squeeze %dma_start3A_16 : memref<1x624x128xf32, #tpu.memory_space<hbm>> -> memref<624x128xf32, #tpu.memory_space<hbm>>
      %dma_start3A_18 = arith.constant 0 : i32
      %dma_start3A_19 = tpu.memref_slice %arg12[%mul3A_2, %dma_start3A_18] : memref<10000x128xf32, #tpu.memory_space<vmem_shared>> -> memref<624x128xf32, #tpu.memory_space<vmem_shared>>
      tpu.enqueue_dma source(%dma_start3A_19 : memref<624x128xf32, #tpu.memory_space<vmem_shared>>) target(%dma_start3A_17 : memref<624x128xf32, #tpu.memory_space<hbm>>) target_semaphore(%run_scoped3A : memref<!tpu.dma_semaphore, #tpu.memory_space<semaphore_mem>>)
      %dma_wait3A = arith.constant 0 : i32
      %dma_wait3A_20 = tpu.memref_slice %arg7[%arg0, %mul3A_2, %dma_wait3A] : memref<2x10000x128xf32, #tpu.memory_space<hbm>> -> memref<1x624x128xf32, #tpu.memory_space<hbm>>
      %dma_wait3A_21 = tpu.memref_squeeze %dma_wait3A_20 : memref<1x624x128xf32, #tpu.memory_space<hbm>> -> memref<624x128xf32, #tpu.memory_space<hbm>>
      %dma_wait3A_22 = arith.constant 0 : i32
      %dma_wait3A_23 = tpu.memref_slice %arg12[%mul3A_2, %dma_wait3A_22] : memref<10000x128xf32, #tpu.memory_space<vmem_shared>> -> memref<624x128xf32, #tpu.memory_space<vmem_shared>>
      tpu.wait_dma2 semaphore(%run_scoped3A : memref<!tpu.dma_semaphore, #tpu.memory_space<semaphore_mem>>) src(%dma_wait3A_23 : memref<624x128xf32, #tpu.memory_space<vmem_shared>>) dst(%dma_wait3A_21 : memref<624x128xf32, #tpu.memory_space<hbm>>)
      tpu.yield
    }) : () -> ()
    %eq3A_11 = arith.constant 15 : i32
    %eq3A_12 = arith.cmpi eq, %arg1, %eq3A_11 : i32
    %convert_element_type3A_13 = arith.extui %eq3A_12 : i1 to i32
    %cond3A_14 = arith.constant 0 : i32
    %cond3A_15 = arith.cmpi ne, %convert_element_type3A_13, %cond3A_14 : i32
    scf.if %cond3A_15 {
      "tpu.region"() ({
        %run_scoped3A = tpu.sem_alloc : memref<!tpu.dma_semaphore, #tpu.memory_space<semaphore_mem>>
        %dma_start3A = arith.constant 9984 : i32
        %dma_start3A_16 = arith.constant 0 : i32
        %dma_start3A_17 = tpu.memref_slice %arg7[%arg0, %dma_start3A, %dma_start3A_16] : memref<2x10000x128xf32, #tpu.memory_space<hbm>> -> memref<1x16x128xf32, #tpu.memory_space<hbm>>
        %dma_start3A_18 = tpu.memref_squeeze %dma_start3A_17 : memref<1x16x128xf32, #tpu.memory_space<hbm>> -> memref<16x128xf32, #tpu.memory_space<hbm>>
        %dma_start3A_19 = arith.constant 9984 : i32
        %dma_start3A_20 = arith.constant 0 : i32
        %dma_start3A_21 = tpu.memref_slice %arg12[%dma_start3A_19, %dma_start3A_20] : memref<10000x128xf32, #tpu.memory_space<vmem_shared>> -> memref<16x128xf32, #tpu.memory_space<vmem_shared>>
        tpu.enqueue_dma source(%dma_start3A_21 : memref<16x128xf32, #tpu.memory_space<vmem_shared>>) target(%dma_start3A_18 : memref<16x128xf32, #tpu.memory_space<hbm>>) target_semaphore(%run_scoped3A : memref<!tpu.dma_semaphore, #tpu.memory_space<semaphore_mem>>)
        %dma_wait3A = arith.constant 9984 : i32
        %dma_wait3A_22 = arith.constant 0 : i32
        %dma_wait3A_23 = tpu.memref_slice %arg7[%arg0, %dma_wait3A, %dma_wait3A_22] : memref<2x10000x128xf32, #tpu.memory_space<hbm>> -> memref<1x16x128xf32, #tpu.memory_space<hbm>>
        %dma_wait3A_24 = tpu.memref_squeeze %dma_wait3A_23 : memref<1x16x128xf32, #tpu.memory_space<hbm>> -> memref<16x128xf32, #tpu.memory_space<hbm>>
        %dma_wait3A_25 = arith.constant 9984 : i32
        %dma_wait3A_26 = arith.constant 0 : i32
        %dma_wait3A_27 = tpu.memref_slice %arg12[%dma_wait3A_25, %dma_wait3A_26] : memref<10000x128xf32, #tpu.memory_space<vmem_shared>> -> memref<16x128xf32, #tpu.memory_space<vmem_shared>>
        tpu.wait_dma2 semaphore(%run_scoped3A : memref<!tpu.dma_semaphore, #tpu.memory_space<semaphore_mem>>) src(%dma_wait3A_27 : memref<16x128xf32, #tpu.memory_space<vmem_shared>>) dst(%dma_wait3A_24 : memref<16x128xf32, #tpu.memory_space<hbm>>)
        tpu.yield
      }) : () -> ()
    } else {
    }
    return
  }
}

#map = affine_map<(d0, d1) -> (0)>
#map1 = affine_map<(d0, d1) -> (0, 0)>
#map2 = affine_map<(d0, d1) -> (0, 0, 0)>
module attributes {stable_mosaic.version = 14 : i64} {
  func.func @spmm(%arg0: i32, %arg1: i32, %arg2: memref<320000xi32, #tpu.memory_space<hbm>>, %arg3: memref<320000xi32, #tpu.memory_space<hbm>>, %arg4: memref<320000xf32, #tpu.memory_space<hbm>>, %arg5: memref<10000x128xf32, #tpu.memory_space<hbm>>, %arg6: memref<10000x128xf32, #tpu.memory_space<hbm>>, %arg7: memref<2x10000x128xf32, #tpu.memory_space<hbm>>, %arg8: memref<128xi32, #tpu.memory_space<vmem>>, %arg9: memref<128xi32, #tpu.memory_space<vmem>>, %arg10: memref<128xf32, #tpu.memory_space<vmem>>, %arg11: memref<128x128xf32, #tpu.memory_space<vmem>>, %arg12: memref<10000x128xf32, #tpu.memory_space<vmem_shared>>, %arg13: memref<!tpu.dma_semaphore, #tpu.memory_space<semaphore_mem>>) attributes {dimension_semantics = [#tpu.dimension_semantics<core_parallel>, #tpu.dimension_semantics<subcore_parallel>], iteration_bounds = array<i64: 2, 16>, scalar_prefetch = 0 : i64, scratch_operands = 6 : i64, tpu.core_type = #tpu.core_type<sc_vector_subcore>, window_params = [{transform_indices = #map}, {transform_indices = #map}, {transform_indices = #map}, {transform_indices = #map1}, {transform_indices = #map1}, {transform_indices = #map2}]} {
    %mul3A = arith.constant 2 : i32
    %mul3A_0 = arith.muli %arg1, %mul3A : i32
    %add3A = arith.addi %mul3A_0, %arg0 : i32
    %mul3A_1 = arith.constant 624 : i32
    %mul3A_2 = arith.muli %arg1, %mul3A_1 : i32
    "tpu.region"() ({
      %run_scoped3A = tpu.sem_alloc : memref<!tpu.dma_semaphore, #tpu.memory_space<semaphore_mem>>
      %dma_start3A = arith.constant 0 : i32
      %dma_start3A_16 = tpu.memref_slice %arg12[%mul3A_2, %dma_start3A] : memref<10000x128xf32, #tpu.memory_space<vmem_shared>> -> memref<624x128xf32, #tpu.memory_space<vmem_shared>>
      %dma_start3A_17 = arith.constant 0 : i32
      %dma_start3A_18 = tpu.memref_slice %arg6[%mul3A_2, %dma_start3A_17] : memref<10000x128xf32, #tpu.memory_space<hbm>> -> memref<624x128xf32, #tpu.memory_space<hbm>>
      tpu.enqueue_dma source(%dma_start3A_18 : memref<624x128xf32, #tpu.memory_space<hbm>>) target(%dma_start3A_16 : memref<624x128xf32, #tpu.memory_space<vmem_shared>>) target_semaphore(%run_scoped3A : memref<!tpu.dma_semaphore, #tpu.memory_space<semaphore_mem>>)
      %dma_wait3A = arith.constant 0 : i32
      %dma_wait3A_19 = tpu.memref_slice %arg12[%mul3A_2, %dma_wait3A] : memref<10000x128xf32, #tpu.memory_space<vmem_shared>> -> memref<624x128xf32, #tpu.memory_space<vmem_shared>>
      %dma_wait3A_20 = arith.constant 0 : i32
      %dma_wait3A_21 = tpu.memref_slice %arg6[%mul3A_2, %dma_wait3A_20] : memref<10000x128xf32, #tpu.memory_space<hbm>> -> memref<624x128xf32, #tpu.memory_space<hbm>>
      tpu.wait_dma2 semaphore(%run_scoped3A : memref<!tpu.dma_semaphore, #tpu.memory_space<semaphore_mem>>) src(%dma_wait3A_21 : memref<624x128xf32, #tpu.memory_space<hbm>>) dst(%dma_wait3A_19 : memref<624x128xf32, #tpu.memory_space<vmem_shared>>)
      tpu.yield
    }) : () -> ()
    %eq3A = arith.constant 15 : i32
    %eq3A_3 = arith.cmpi eq, %arg1, %eq3A : i32
    %convert_element_type3A = arith.extui %eq3A_3 : i1 to i32
    %cond3A = arith.constant 0 : i32
    %cond3A_4 = arith.cmpi ne, %convert_element_type3A, %cond3A : i32
    scf.if %cond3A_4 {
      "tpu.region"() ({
        %run_scoped3A = tpu.sem_alloc : memref<!tpu.dma_semaphore, #tpu.memory_space<semaphore_mem>>
        %dma_start3A = arith.constant 9984 : i32
        %dma_start3A_16 = arith.constant 0 : i32
        %dma_start3A_17 = tpu.memref_slice %arg12[%dma_start3A, %dma_start3A_16] : memref<10000x128xf32, #tpu.memory_space<vmem_shared>> -> memref<16x128xf32, #tpu.memory_space<vmem_shared>>
        %dma_start3A_18 = arith.constant 9984 : i32
        %dma_start3A_19 = arith.constant 0 : i32
        %dma_start3A_20 = tpu.memref_slice %arg6[%dma_start3A_18, %dma_start3A_19] : memref<10000x128xf32, #tpu.memory_space<hbm>> -> memref<16x128xf32, #tpu.memory_space<hbm>>
        tpu.enqueue_dma source(%dma_start3A_20 : memref<16x128xf32, #tpu.memory_space<hbm>>) target(%dma_start3A_17 : memref<16x128xf32, #tpu.memory_space<vmem_shared>>) target_semaphore(%run_scoped3A : memref<!tpu.dma_semaphore, #tpu.memory_space<semaphore_mem>>)
        %dma_wait3A = arith.constant 9984 : i32
        %dma_wait3A_21 = arith.constant 0 : i32
        %dma_wait3A_22 = tpu.memref_slice %arg12[%dma_wait3A, %dma_wait3A_21] : memref<10000x128xf32, #tpu.memory_space<vmem_shared>> -> memref<16x128xf32, #tpu.memory_space<vmem_shared>>
        %dma_wait3A_23 = arith.constant 9984 : i32
        %dma_wait3A_24 = arith.constant 0 : i32
        %dma_wait3A_25 = tpu.memref_slice %arg6[%dma_wait3A_23, %dma_wait3A_24] : memref<10000x128xf32, #tpu.memory_space<hbm>> -> memref<16x128xf32, #tpu.memory_space<hbm>>
        tpu.wait_dma2 semaphore(%run_scoped3A : memref<!tpu.dma_semaphore, #tpu.memory_space<semaphore_mem>>) src(%dma_wait3A_25 : memref<16x128xf32, #tpu.memory_space<hbm>>) dst(%dma_wait3A_22 : memref<16x128xf32, #tpu.memory_space<vmem_shared>>)
        tpu.yield
      }) : () -> ()
    } else {
    }
    %barrier3A = arith.constant 0 : index
    tpu.barrier barrier_id(%barrier3A)
    %scan3A = arith.constant 0 : i32
    %scan3A_5 = arith.constant 0 : i32
    %scan3A_6 = arith.constant 79 : i32
    %scan3A_7 = arith.addi %scan3A_5, %scan3A_6 : i32
    %scan3A_8 = arith.constant 1 : i32
    scf.for %scan3A_16 = %scan3A_5 to %scan3A_7 step %scan3A_8  : i32 {
      %mul3A_17 = arith.constant 32 : i32
      %mul3A_18 = arith.muli %scan3A_16, %mul3A_17 : i32
      %add3A_19 = arith.addi %add3A, %mul3A_18 : i32
      %lt3A = arith.constant 2500 : i32
      %lt3A_20 = arith.cmpi slt, %add3A_19, %lt3A : i32
      %convert_element_type3A_21 = arith.extui %lt3A_20 : i1 to i32
      %cond3A_22 = arith.constant 0 : i32
      %cond3A_23 = arith.cmpi ne, %convert_element_type3A_21, %cond3A_22 : i32
      scf.if %cond3A_23 {
        %mul3A_24 = arith.constant 128 : i32
        %mul3A_25 = arith.muli %add3A_19, %mul3A_24 : i32
        "tpu.region"() ({
          %run_scoped3A = tpu.sem_alloc : memref<!tpu.dma_semaphore, #tpu.memory_space<semaphore_mem>>
          %dma_start3A_36 = tpu.memref_slice %arg2[%mul3A_25] : memref<320000xi32, #tpu.memory_space<hbm>> -> memref<128xi32, #tpu.memory_space<hbm>>
          %dma_start3A_37 = tpu.memref_slice %arg2[%mul3A_25] : memref<320000xi32, #tpu.memory_space<hbm>> -> memref<128xi32, #tpu.memory_space<hbm>>
          tpu.enqueue_dma source(%dma_start3A_37 : memref<128xi32, #tpu.memory_space<hbm>>) target(%arg8 : memref<128xi32, #tpu.memory_space<vmem>>) target_semaphore(%run_scoped3A : memref<!tpu.dma_semaphore, #tpu.memory_space<semaphore_mem>>)
          %dma_wait3A_38 = tpu.memref_slice %arg2[%mul3A_25] : memref<320000xi32, #tpu.memory_space<hbm>> -> memref<128xi32, #tpu.memory_space<hbm>>
          %dma_wait3A_39 = tpu.memref_slice %arg2[%mul3A_25] : memref<320000xi32, #tpu.memory_space<hbm>> -> memref<128xi32, #tpu.memory_space<hbm>>
          tpu.wait_dma2 semaphore(%run_scoped3A : memref<!tpu.dma_semaphore, #tpu.memory_space<semaphore_mem>>) src(%dma_wait3A_39 : memref<128xi32, #tpu.memory_space<hbm>>) dst(%arg8 : memref<128xi32, #tpu.memory_space<vmem>>)
          tpu.yield
        }) : () -> ()
        "tpu.region"() ({
          %run_scoped3A = tpu.sem_alloc : memref<!tpu.dma_semaphore, #tpu.memory_space<semaphore_mem>>
          %dma_start3A_36 = tpu.memref_slice %arg3[%mul3A_25] : memref<320000xi32, #tpu.memory_space<hbm>> -> memref<128xi32, #tpu.memory_space<hbm>>
          %dma_start3A_37 = tpu.memref_slice %arg3[%mul3A_25] : memref<320000xi32, #tpu.memory_space<hbm>> -> memref<128xi32, #tpu.memory_space<hbm>>
          tpu.enqueue_dma source(%dma_start3A_37 : memref<128xi32, #tpu.memory_space<hbm>>) target(%arg9 : memref<128xi32, #tpu.memory_space<vmem>>) target_semaphore(%run_scoped3A : memref<!tpu.dma_semaphore, #tpu.memory_space<semaphore_mem>>)
          %dma_wait3A_38 = tpu.memref_slice %arg3[%mul3A_25] : memref<320000xi32, #tpu.memory_space<hbm>> -> memref<128xi32, #tpu.memory_space<hbm>>
          %dma_wait3A_39 = tpu.memref_slice %arg3[%mul3A_25] : memref<320000xi32, #tpu.memory_space<hbm>> -> memref<128xi32, #tpu.memory_space<hbm>>
          tpu.wait_dma2 semaphore(%run_scoped3A : memref<!tpu.dma_semaphore, #tpu.memory_space<semaphore_mem>>) src(%dma_wait3A_39 : memref<128xi32, #tpu.memory_space<hbm>>) dst(%arg9 : memref<128xi32, #tpu.memory_space<vmem>>)
          tpu.yield
        }) : () -> ()
        "tpu.region"() ({
          %run_scoped3A = tpu.sem_alloc : memref<!tpu.dma_semaphore, #tpu.memory_space<semaphore_mem>>
          %dma_start3A_36 = tpu.memref_slice %arg4[%mul3A_25] : memref<320000xf32, #tpu.memory_space<hbm>> -> memref<128xf32, #tpu.memory_space<hbm>>
          %dma_start3A_37 = tpu.memref_slice %arg4[%mul3A_25] : memref<320000xf32, #tpu.memory_space<hbm>> -> memref<128xf32, #tpu.memory_space<hbm>>
          tpu.enqueue_dma source(%dma_start3A_37 : memref<128xf32, #tpu.memory_space<hbm>>) target(%arg10 : memref<128xf32, #tpu.memory_space<vmem>>) target_semaphore(%run_scoped3A : memref<!tpu.dma_semaphore, #tpu.memory_space<semaphore_mem>>)
          %dma_wait3A_38 = tpu.memref_slice %arg4[%mul3A_25] : memref<320000xf32, #tpu.memory_space<hbm>> -> memref<128xf32, #tpu.memory_space<hbm>>
          %dma_wait3A_39 = tpu.memref_slice %arg4[%mul3A_25] : memref<320000xf32, #tpu.memory_space<hbm>> -> memref<128xf32, #tpu.memory_space<hbm>>
          tpu.wait_dma2 semaphore(%run_scoped3A : memref<!tpu.dma_semaphore, #tpu.memory_space<semaphore_mem>>) src(%dma_wait3A_39 : memref<128xf32, #tpu.memory_space<hbm>>) dst(%arg10 : memref<128xf32, #tpu.memory_space<vmem>>)
          tpu.yield
        }) : () -> ()
        %dma_start3A = arith.constant 0 : i32
        %dma_start3A_26 = arith.constant 0 : i32
        %dma_start3A_27 = tpu.memref_slice %arg5[%dma_start3A, %dma_start3A_26] : memref<10000x128xf32, #tpu.memory_space<hbm>> -> memref<10000x128xf32, #tpu.memory_space<hbm>>
        tpu.enqueue_indirect_dma source(%dma_start3A_27 : memref<10000x128xf32, #tpu.memory_space<hbm>>) target(%arg11 : memref<128x128xf32, #tpu.memory_space<vmem>>) offsets(%arg9 : memref<128xi32, #tpu.memory_space<vmem>>) semaphore(%arg13 : memref<!tpu.dma_semaphore, #tpu.memory_space<semaphore_mem>>)
        %dma_wait3A = arith.constant 0 : i32
        %dma_wait3A_28 = arith.constant 0 : i32
        %dma_wait3A_29 = tpu.memref_slice %arg5[%dma_wait3A, %dma_wait3A_28] : memref<10000x128xf32, #tpu.memory_space<hbm>> -> memref<10000x128xf32, #tpu.memory_space<hbm>>
        tpu.wait_indirect_dma semaphore(%arg13 : memref<!tpu.dma_semaphore, #tpu.memory_space<semaphore_mem>>) src(%dma_wait3A_29 : memref<10000x128xf32, #tpu.memory_space<hbm>>) dst(%arg11 : memref<128x128xf32, #tpu.memory_space<vmem>>)
        %scan3A_30 = arith.constant 0 : i32
        %scan3A_31 = arith.constant 0 : i32
        %scan3A_32 = arith.constant 128 : i32
        %scan3A_33 = arith.addi %scan3A_31, %scan3A_32 : i32
        %scan3A_34 = arith.constant 2 : i32
        scf.for %scan3A_36 = %scan3A_31 to %scan3A_33 step %scan3A_34  : i32 {
          %broadcast_in_dim3A = vector.broadcast %scan3A_36 : i32 to vector<16xi32>
          %gather3A = tpu.vector_load_idx %arg10[%broadcast_in_dim3A] : memref<128xf32, #tpu.memory_space<vmem>>[vector<16xi32>], vector<16xf32>,
          %get3A = arith.index_cast %scan3A_36 : i32 to index
          %get3A_37 = arith.constant 0 : index
          %get3A_38 = tpu.vector_load %arg11[%get3A, %get3A_37] {strides = array<i32>} : memref<128x128xf32, #tpu.memory_space<vmem>>, vector<16xf32>,
          %mul3A_39 = arith.mulf %get3A_38, %gather3A : vector<16xf32>
          %swap3A = arith.index_cast %scan3A_36 : i32 to index
          %swap3A_40 = arith.constant 0 : index
          %swap3A_41 = tpu.vector_load %arg11[%swap3A, %swap3A_40] {strides = array<i32>} : memref<128x128xf32, #tpu.memory_space<vmem>>, vector<16xf32>,
          tpu.vector_store %arg11[%swap3A, %swap3A_40], %mul3A_39 {strides = array<i32>} : memref<128x128xf32, #tpu.memory_space<vmem>>, vector<16xf32>,
          %get3A_42 = arith.index_cast %scan3A_36 : i32 to index
          %get3A_43 = arith.constant 16 : index
          %get3A_44 = tpu.vector_load %arg11[%get3A_42, %get3A_43] {strides = array<i32>} : memref<128x128xf32, #tpu.memory_space<vmem>>, vector<16xf32>,
          %mul3A_45 = arith.mulf %get3A_44, %gather3A : vector<16xf32>
          %swap3A_46 = arith.index_cast %scan3A_36 : i32 to index
          %swap3A_47 = arith.constant 16 : index
          %swap3A_48 = tpu.vector_load %arg11[%swap3A_46, %swap3A_47] {strides = array<i32>} : memref<128x128xf32, #tpu.memory_space<vmem>>, vector<16xf32>,
          tpu.vector_store %arg11[%swap3A_46, %swap3A_47], %mul3A_45 {strides = array<i32>} : memref<128x128xf32, #tpu.memory_space<vmem>>, vector<16xf32>,
          %get3A_49 = arith.index_cast %scan3A_36 : i32 to index
          %get3A_50 = arith.constant 32 : index
          %get3A_51 = tpu.vector_load %arg11[%get3A_49, %get3A_50] {strides = array<i32>} : memref<128x128xf32, #tpu.memory_space<vmem>>, vector<16xf32>,
          %mul3A_52 = arith.mulf %get3A_51, %gather3A : vector<16xf32>
          %swap3A_53 = arith.index_cast %scan3A_36 : i32 to index
          %swap3A_54 = arith.constant 32 : index
          %swap3A_55 = tpu.vector_load %arg11[%swap3A_53, %swap3A_54] {strides = array<i32>} : memref<128x128xf32, #tpu.memory_space<vmem>>, vector<16xf32>,
          tpu.vector_store %arg11[%swap3A_53, %swap3A_54], %mul3A_52 {strides = array<i32>} : memref<128x128xf32, #tpu.memory_space<vmem>>, vector<16xf32>,
          %get3A_56 = arith.index_cast %scan3A_36 : i32 to index
          %get3A_57 = arith.constant 48 : index
          %get3A_58 = tpu.vector_load %arg11[%get3A_56, %get3A_57] {strides = array<i32>} : memref<128x128xf32, #tpu.memory_space<vmem>>, vector<16xf32>,
          %mul3A_59 = arith.mulf %get3A_58, %gather3A : vector<16xf32>
          %swap3A_60 = arith.index_cast %scan3A_36 : i32 to index
          %swap3A_61 = arith.constant 48 : index
          %swap3A_62 = tpu.vector_load %arg11[%swap3A_60, %swap3A_61] {strides = array<i32>} : memref<128x128xf32, #tpu.memory_space<vmem>>, vector<16xf32>,
          tpu.vector_store %arg11[%swap3A_60, %swap3A_61], %mul3A_59 {strides = array<i32>} : memref<128x128xf32, #tpu.memory_space<vmem>>, vector<16xf32>,
          %get3A_63 = arith.index_cast %scan3A_36 : i32 to index
          %get3A_64 = arith.constant 64 : index
          %get3A_65 = tpu.vector_load %arg11[%get3A_63, %get3A_64] {strides = array<i32>} : memref<128x128xf32, #tpu.memory_space<vmem>>, vector<16xf32>,
          %mul3A_66 = arith.mulf %get3A_65, %gather3A : vector<16xf32>
          %swap3A_67 = arith.index_cast %scan3A_36 : i32 to index
          %swap3A_68 = arith.constant 64 : index
          %swap3A_69 = tpu.vector_load %arg11[%swap3A_67, %swap3A_68] {strides = array<i32>} : memref<128x128xf32, #tpu.memory_space<vmem>>, vector<16xf32>,
          tpu.vector_store %arg11[%swap3A_67, %swap3A_68], %mul3A_66 {strides = array<i32>} : memref<128x128xf32, #tpu.memory_space<vmem>>, vector<16xf32>,
          %get3A_70 = arith.index_cast %scan3A_36 : i32 to index
          %get3A_71 = arith.constant 80 : index
          %get3A_72 = tpu.vector_load %arg11[%get3A_70, %get3A_71] {strides = array<i32>} : memref<128x128xf32, #tpu.memory_space<vmem>>, vector<16xf32>,
          %mul3A_73 = arith.mulf %get3A_72, %gather3A : vector<16xf32>
          %swap3A_74 = arith.index_cast %scan3A_36 : i32 to index
          %swap3A_75 = arith.constant 80 : index
          %swap3A_76 = tpu.vector_load %arg11[%swap3A_74, %swap3A_75] {strides = array<i32>} : memref<128x128xf32, #tpu.memory_space<vmem>>, vector<16xf32>,
          tpu.vector_store %arg11[%swap3A_74, %swap3A_75], %mul3A_73 {strides = array<i32>} : memref<128x128xf32, #tpu.memory_space<vmem>>, vector<16xf32>,
          %get3A_77 = arith.index_cast %scan3A_36 : i32 to index
          %get3A_78 = arith.constant 96 : index
          %get3A_79 = tpu.vector_load %arg11[%get3A_77, %get3A_78] {strides = array<i32>} : memref<128x128xf32, #tpu.memory_space<vmem>>, vector<16xf32>,
          %mul3A_80 = arith.mulf %get3A_79, %gather3A : vector<16xf32>
          %swap3A_81 = arith.index_cast %scan3A_36 : i32 to index
          %swap3A_82 = arith.constant 96 : index
          %swap3A_83 = tpu.vector_load %arg11[%swap3A_81, %swap3A_82] {strides = array<i32>} : memref<128x128xf32, #tpu.memory_space<vmem>>, vector<16xf32>,
          tpu.vector_store %arg11[%swap3A_81, %swap3A_82], %mul3A_80 {strides = array<i32>} : memref<128x128xf32, #tpu.memory_space<vmem>>, vector<16xf32>,
          %get3A_84 = arith.index_cast %scan3A_36 : i32 to index
          %get3A_85 = arith.constant 112 : index
          %get3A_86 = tpu.vector_load %arg11[%get3A_84, %get3A_85] {strides = array<i32>} : memref<128x128xf32, #tpu.memory_space<vmem>>, vector<16xf32>,
          %mul3A_87 = arith.mulf %get3A_86, %gather3A : vector<16xf32>
          %swap3A_88 = arith.index_cast %scan3A_36 : i32 to index
          %swap3A_89 = arith.constant 112 : index
          %swap3A_90 = tpu.vector_load %arg11[%swap3A_88, %swap3A_89] {strides = array<i32>} : memref<128x128xf32, #tpu.memory_space<vmem>>, vector<16xf32>,
          tpu.vector_store %arg11[%swap3A_88, %swap3A_89], %mul3A_87 {strides = array<i32>} : memref<128x128xf32, #tpu.memory_space<vmem>>, vector<16xf32>,
          %scan3A_91 = arith.constant 1 : i32
          %scan3A_92 = arith.addi %scan3A_36, %scan3A_91 : i32
          %broadcast_in_dim3A_93 = vector.broadcast %scan3A_92 : i32 to vector<16xi32>
          %gather3A_94 = tpu.vector_load_idx %arg10[%broadcast_in_dim3A_93] : memref<128xf32, #tpu.memory_space<vmem>>[vector<16xi32>], vector<16xf32>,
          %get3A_95 = arith.index_cast %scan3A_92 : i32 to index
          %get3A_96 = arith.constant 0 : index
          %get3A_97 = tpu.vector_load %arg11[%get3A_95, %get3A_96] {strides = array<i32>} : memref<128x128xf32, #tpu.memory_space<vmem>>, vector<16xf32>,
          %mul3A_98 = arith.mulf %get3A_97, %gather3A_94 : vector<16xf32>
          %swap3A_99 = arith.index_cast %scan3A_92 : i32 to index
          %swap3A_100 = arith.constant 0 : index
          %swap3A_101 = tpu.vector_load %arg11[%swap3A_99, %swap3A_100] {strides = array<i32>} : memref<128x128xf32, #tpu.memory_space<vmem>>, vector<16xf32>,
          tpu.vector_store %arg11[%swap3A_99, %swap3A_100], %mul3A_98 {strides = array<i32>} : memref<128x128xf32, #tpu.memory_space<vmem>>, vector<16xf32>,
          %get3A_102 = arith.index_cast %scan3A_92 : i32 to index
          %get3A_103 = arith.constant 16 : index
          %get3A_104 = tpu.vector_load %arg11[%get3A_102, %get3A_103] {strides = array<i32>} : memref<128x128xf32, #tpu.memory_space<vmem>>, vector<16xf32>,
          %mul3A_105 = arith.mulf %get3A_104, %gather3A_94 : vector<16xf32>
          %swap3A_106 = arith.index_cast %scan3A_92 : i32 to index
          %swap3A_107 = arith.constant 16 : index
          %swap3A_108 = tpu.vector_load %arg11[%swap3A_106, %swap3A_107] {strides = array<i32>} : memref<128x128xf32, #tpu.memory_space<vmem>>, vector<16xf32>,
          tpu.vector_store %arg11[%swap3A_106, %swap3A_107], %mul3A_105 {strides = array<i32>} : memref<128x128xf32, #tpu.memory_space<vmem>>, vector<16xf32>,
          %get3A_109 = arith.index_cast %scan3A_92 : i32 to index
          %get3A_110 = arith.constant 32 : index
          %get3A_111 = tpu.vector_load %arg11[%get3A_109, %get3A_110] {strides = array<i32>} : memref<128x128xf32, #tpu.memory_space<vmem>>, vector<16xf32>,
          %mul3A_112 = arith.mulf %get3A_111, %gather3A_94 : vector<16xf32>
          %swap3A_113 = arith.index_cast %scan3A_92 : i32 to index
          %swap3A_114 = arith.constant 32 : index
          %swap3A_115 = tpu.vector_load %arg11[%swap3A_113, %swap3A_114] {strides = array<i32>} : memref<128x128xf32, #tpu.memory_space<vmem>>, vector<16xf32>,
          tpu.vector_store %arg11[%swap3A_113, %swap3A_114], %mul3A_112 {strides = array<i32>} : memref<128x128xf32, #tpu.memory_space<vmem>>, vector<16xf32>,
          %get3A_116 = arith.index_cast %scan3A_92 : i32 to index
          %get3A_117 = arith.constant 48 : index
          %get3A_118 = tpu.vector_load %arg11[%get3A_116, %get3A_117] {strides = array<i32>} : memref<128x128xf32, #tpu.memory_space<vmem>>, vector<16xf32>,
          %mul3A_119 = arith.mulf %get3A_118, %gather3A_94 : vector<16xf32>
          %swap3A_120 = arith.index_cast %scan3A_92 : i32 to index
          %swap3A_121 = arith.constant 48 : index
          %swap3A_122 = tpu.vector_load %arg11[%swap3A_120, %swap3A_121] {strides = array<i32>} : memref<128x128xf32, #tpu.memory_space<vmem>>, vector<16xf32>,
          tpu.vector_store %arg11[%swap3A_120, %swap3A_121], %mul3A_119 {strides = array<i32>} : memref<128x128xf32, #tpu.memory_space<vmem>>, vector<16xf32>,
          %get3A_123 = arith.index_cast %scan3A_92 : i32 to index
          %get3A_124 = arith.constant 64 : index
          %get3A_125 = tpu.vector_load %arg11[%get3A_123, %get3A_124] {strides = array<i32>} : memref<128x128xf32, #tpu.memory_space<vmem>>, vector<16xf32>,
          %mul3A_126 = arith.mulf %get3A_125, %gather3A_94 : vector<16xf32>
          %swap3A_127 = arith.index_cast %scan3A_92 : i32 to index
          %swap3A_128 = arith.constant 64 : index
          %swap3A_129 = tpu.vector_load %arg11[%swap3A_127, %swap3A_128] {strides = array<i32>} : memref<128x128xf32, #tpu.memory_space<vmem>>, vector<16xf32>,
          tpu.vector_store %arg11[%swap3A_127, %swap3A_128], %mul3A_126 {strides = array<i32>} : memref<128x128xf32, #tpu.memory_space<vmem>>, vector<16xf32>,
          %get3A_130 = arith.index_cast %scan3A_92 : i32 to index
          %get3A_131 = arith.constant 80 : index
          %get3A_132 = tpu.vector_load %arg11[%get3A_130, %get3A_131] {strides = array<i32>} : memref<128x128xf32, #tpu.memory_space<vmem>>, vector<16xf32>,
          %mul3A_133 = arith.mulf %get3A_132, %gather3A_94 : vector<16xf32>
          %swap3A_134 = arith.index_cast %scan3A_92 : i32 to index
          %swap3A_135 = arith.constant 80 : index
          %swap3A_136 = tpu.vector_load %arg11[%swap3A_134, %swap3A_135] {strides = array<i32>} : memref<128x128xf32, #tpu.memory_space<vmem>>, vector<16xf32>,
          tpu.vector_store %arg11[%swap3A_134, %swap3A_135], %mul3A_133 {strides = array<i32>} : memref<128x128xf32, #tpu.memory_space<vmem>>, vector<16xf32>,
          %get3A_137 = arith.index_cast %scan3A_92 : i32 to index
          %get3A_138 = arith.constant 96 : index
          %get3A_139 = tpu.vector_load %arg11[%get3A_137, %get3A_138] {strides = array<i32>} : memref<128x128xf32, #tpu.memory_space<vmem>>, vector<16xf32>,
          %mul3A_140 = arith.mulf %get3A_139, %gather3A_94 : vector<16xf32>
          %swap3A_141 = arith.index_cast %scan3A_92 : i32 to index
          %swap3A_142 = arith.constant 96 : index
          %swap3A_143 = tpu.vector_load %arg11[%swap3A_141, %swap3A_142] {strides = array<i32>} : memref<128x128xf32, #tpu.memory_space<vmem>>, vector<16xf32>,
          tpu.vector_store %arg11[%swap3A_141, %swap3A_142], %mul3A_140 {strides = array<i32>} : memref<128x128xf32, #tpu.memory_space<vmem>>, vector<16xf32>,
          %get3A_144 = arith.index_cast %scan3A_92 : i32 to index
          %get3A_145 = arith.constant 112 : index
          %get3A_146 = tpu.vector_load %arg11[%get3A_144, %get3A_145] {strides = array<i32>} : memref<128x128xf32, #tpu.memory_space<vmem>>, vector<16xf32>,
          %mul3A_147 = arith.mulf %get3A_146, %gather3A_94 : vector<16xf32>
          %swap3A_148 = arith.index_cast %scan3A_92 : i32 to index
          %swap3A_149 = arith.constant 112 : index
          %swap3A_150 = tpu.vector_load %arg11[%swap3A_148, %swap3A_149] {strides = array<i32>} : memref<128x128xf32, #tpu.memory_space<vmem>>, vector<16xf32>,
          tpu.vector_store %arg11[%swap3A_148, %swap3A_149], %mul3A_147 {strides = array<i32>} : memref<128x128xf32, #tpu.memory_space<vmem>>, vector<16xf32>,
        }
        %scan3A_35 = arith.constant 128 : i32
        "tpu.region"() ({
          %run_scoped3A = tpu.sem_alloc : memref<!tpu.dma_semaphore, #tpu.memory_space<semaphore_mem>>
          %dma_start3A_36 = arith.constant 0 : i32
          %dma_start3A_37 = arith.constant 0 : i32
          %dma_start3A_38 = tpu.memref_slice %arg12[%dma_start3A_36, %dma_start3A_37] : memref<10000x128xf32, #tpu.memory_space<vmem_shared>> -> memref<10000x128xf32, #tpu.memory_space<vmem_shared>>
          tpu.enqueue_indirect_dma source(%arg11 : memref<128x128xf32, #tpu.memory_space<vmem>>) target(%dma_start3A_38 : memref<10000x128xf32, #tpu.memory_space<vmem_shared>>) offsets(%arg8 : memref<128xi32, #tpu.memory_space<vmem>>) semaphore(%run_scoped3A : memref<!tpu.dma_semaphore, #tpu.memory_space<semaphore_mem>>) {add = true}
          %dma_wait3A_39 = arith.constant 0 : i32
          %dma_wait3A_40 = arith.constant 0 : i32
          %dma_wait3A_41 = tpu.memref_slice %arg12[%dma_wait3A_39, %dma_wait3A_40] : memref<10000x128xf32, #tpu.memory_space<vmem_shared>> -> memref<10000x128xf32, #tpu.memory_space<vmem_shared>>
          tpu.wait_indirect_dma semaphore(%run_scoped3A : memref<!tpu.dma_semaphore, #tpu.memory_space<semaphore_mem>>) src(%arg11 : memref<128x128xf32, #tpu.memory_space<vmem>>) dst(%dma_wait3A_41 : memref<10000x128xf32, #tpu.memory_space<vmem_shared>>)
          tpu.yield
        }) : () -> ()
      } else {
      }
    }
    %scan3A_9 = arith.constant 79 : i32
    %barrier3A_10 = arith.constant 0 : index
    tpu.barrier barrier_id(%barrier3A_10)
    "tpu.region"() ({
      %run_scoped3A = tpu.sem_alloc : memref<!tpu.dma_semaphore, #tpu.memory_space<semaphore_mem>>
      %dma_start3A = arith.constant 0 : i32
      %dma_start3A_16 = tpu.memref_slice %arg7[%arg0, %mul3A_2, %dma_start3A] : memref<2x10000x128xf32, #tpu.memory_space<hbm>> -> memref<1x624x128xf32, #tpu.memory_space<hbm>>
      %dma_start3A_17 = tpu.memref_squeeze %dma_start3A_16 : memref<1x624x128xf32, #tpu.memory_space<hbm>> -> memref<624x128xf32, #tpu.memory_space<hbm>>
      %dma_start3A_18 = arith.constant 0 : i32
      %dma_start3A_19 = tpu.memref_slice %arg12[%mul3A_2, %dma_start3A_18] : memref<10000x128xf32, #tpu.memory_space<vmem_shared>> -> memref<624x128xf32, #tpu.memory_space<vmem_shared>>
      tpu.enqueue_dma source(%dma_start3A_19 : memref<624x128xf32, #tpu.memory_space<vmem_shared>>) target(%dma_start3A_17 : memref<624x128xf32, #tpu.memory_space<hbm>>) target_semaphore(%run_scoped3A : memref<!tpu.dma_semaphore, #tpu.memory_space<semaphore_mem>>)
      %dma_wait3A = arith.constant 0 : i32
      %dma_wait3A_20 = tpu.memref_slice %arg7[%arg0, %mul3A_2, %dma_wait3A] : memref<2x10000x128xf32, #tpu.memory_space<hbm>> -> memref<1x624x128xf32, #tpu.memory_space<hbm>>
      %dma_wait3A_21 = tpu.memref_squeeze %dma_wait3A_20 : memref<1x624x128xf32, #tpu.memory_space<hbm>> -> memref<624x128xf32, #tpu.memory_space<hbm>>
      %dma_wait3A_22 = arith.constant 0 : i32
      %dma_wait3A_23 = tpu.memref_slice %arg12[%mul3A_2, %dma_wait3A_22] : memref<10000x128xf32, #tpu.memory_space<vmem_shared>> -> memref<624x128xf32, #tpu.memory_space<vmem_shared>>
      tpu.wait_dma2 semaphore(%run_scoped3A : memref<!tpu.dma_semaphore, #tpu.memory_space<semaphore_mem>>) src(%dma_wait3A_23 : memref<624x128xf32, #tpu.memory_space<vmem_shared>>) dst(%dma_wait3A_21 : memref<624x128xf32, #tpu.memory_space<hbm>>)
      tpu.yield
    }) : () -> ()
    %eq3A_11 = arith.constant 15 : i32
    %eq3A_12 = arith.cmpi eq, %arg1, %eq3A_11 : i32
    %convert_element_type3A_13 = arith.extui %eq3A_12 : i1 to i32
    %cond3A_14 = arith.constant 0 : i32
    %cond3A_15 = arith.cmpi ne, %convert_element_type3A_13, %cond3A_14 : i32
    scf.if %cond3A_15 {
      "tpu.region"() ({
        %run_scoped3A = tpu.sem_alloc : memref<!tpu.dma_semaphore, #tpu.memory_space<semaphore_mem>>
        %dma_start3A = arith.constant 9984 : i32
        %dma_start3A_16 = arith.constant 0 : i32
        %dma_start3A_17 = tpu.memref_slice %arg7[%arg0, %dma_start3A, %dma_start3A_16] : memref<2x10000x128xf32, #tpu.memory_space<hbm>> -> memref<1x16x128xf32, #tpu.memory_space<hbm>>
        %dma_start3A_18 = tpu.memref_squeeze %dma_start3A_17 : memref<1x16x128xf32, #tpu.memory_space<hbm>> -> memref<16x128xf32, #tpu.memory_space<hbm>>
        %dma_start3A_19 = arith.constant 9984 : i32
        %dma_start3A_20 = arith.constant 0 : i32
        %dma_start3A_21 = tpu.memref_slice %arg12[%dma_start3A_19, %dma_start3A_20] : memref<10000x128xf32, #tpu.memory_space<vmem_shared>> -> memref<16x128xf32, #tpu.memory_space<vmem_shared>>
        tpu.enqueue_dma source(%dma_start3A_21 : memref<16x128xf32, #tpu.memory_space<vmem_shared>>) target(%dma_start3A_18 : memref<16x128xf32, #tpu.memory_space<hbm>>) target_semaphore(%run_scoped3A : memref<!tpu.dma_semaphore, #tpu.memory_space<semaphore_mem>>)
        %dma_wait3A = arith.constant 9984 : i32
        %dma_wait3A_22 = arith.constant 0 : i32
        %dma_wait3A_23 = tpu.memref_slice %arg7[%arg0, %dma_wait3A, %dma_wait3A_22] : memref<2x10000x128xf32, #tpu.memory_space<hbm>> -> memref<1x16x128xf32, #tpu.memory_space<hbm>>
        %dma_wait3A_24 = tpu.memref_squeeze %dma_wait3A_23 : memref<1x16x128xf32, #tpu.memory_space<hbm>> -> memref<16x128xf32, #tpu.memory_space<hbm>>
        %dma_wait3A_25 = arith.constant 9984 : i32
        %dma_wait3A_26 = arith.constant 0 : i32
        %dma_wait3A_27 = tpu.memref_slice %arg12[%dma_wait3A_25, %dma_wait3A_26] : memref<10000x128xf32, #tpu.memory_space<vmem_shared>> -> memref<16x128xf32, #tpu.memory_space<vmem_shared>>
        tpu.wait_dma2 semaphore(%run_scoped3A : memref<!tpu.dma_semaphore, #tpu.memory_space<semaphore_mem>>) src(%dma_wait3A_27 : memref<16x128xf32, #tpu.memory_space<vmem_shared>>) dst(%dma_wait3A_24 : memref<16x128xf32, #tpu.memory_space<hbm>>)
        tpu.yield
      }) : () -> ()
    } else {
    }
    return
  }
}

#map = affine_map<(d0, d1) -> (0, 0)>
#map1 = affine_map<(d0, d1) -> (0)>
module attributes {stable_mosaic.version = 14 : i64} {
  func.func @gdot(%arg0: i32, %arg1: i32, %arg2: memref<10000x128xf32, #tpu.memory_space<hbm>>, %arg3: memref<4096xi32, #tpu.memory_space<hbm>>, %arg4: memref<4096xi32, #tpu.memory_space<hbm>>, %arg5: memref<4096xi32, #tpu.memory_space<hbm>>, %arg6: memref<4096xf32, #tpu.memory_space<hbm>>, %arg7: memref<4096xf32, #tpu.memory_space<hbm>>, %arg8: memref<128xi32, #tpu.memory_space<vmem>>, %arg9: memref<128xi32, #tpu.memory_space<vmem>>, %arg10: memref<128xi32, #tpu.memory_space<vmem>>, %arg11: memref<128x128xf32, #tpu.memory_space<vmem>>, %arg12: memref<128x128xf32, #tpu.memory_space<vmem>>, %arg13: memref<128x128xf32, #tpu.memory_space<vmem>>, %arg14: memref<128xf32, #tpu.memory_space<vmem>>, %arg15: memref<128xf32, #tpu.memory_space<vmem>>, %arg16: memref<!tpu.dma_semaphore, #tpu.memory_space<semaphore_mem>>) attributes {dimension_semantics = [#tpu.dimension_semantics<core_parallel>, #tpu.dimension_semantics<subcore_parallel>], iteration_bounds = array<i64: 2, 16>, scalar_prefetch = 0 : i64, scratch_operands = 9 : i64, tpu.core_type = #tpu.core_type<sc_vector_subcore>, window_params = [{transform_indices = #map}, {transform_indices = #map1}, {transform_indices = #map1}, {transform_indices = #map1}, {transform_indices = #map1}, {transform_indices = #map1}]} {
    %mul3A = arith.constant 2 : i32
    %mul3A_0 = arith.muli %arg1, %mul3A : i32
    %add3A = arith.addi %mul3A_0, %arg0 : i32
    %mul3A_1 = arith.constant 128 : i32
    %mul3A_2 = arith.muli %add3A, %mul3A_1 : i32
    "tpu.region"() ({
      %run_scoped3A = tpu.sem_alloc : memref<!tpu.dma_semaphore, #tpu.memory_space<semaphore_mem>>
      %dma_start3A_26 = tpu.memref_slice %arg3[%mul3A_2] : memref<4096xi32, #tpu.memory_space<hbm>> -> memref<128xi32, #tpu.memory_space<hbm>>
      %dma_start3A_27 = tpu.memref_slice %arg3[%mul3A_2] : memref<4096xi32, #tpu.memory_space<hbm>> -> memref<128xi32, #tpu.memory_space<hbm>>
      tpu.enqueue_dma source(%dma_start3A_27 : memref<128xi32, #tpu.memory_space<hbm>>) target(%arg8 : memref<128xi32, #tpu.memory_space<vmem>>) target_semaphore(%run_scoped3A : memref<!tpu.dma_semaphore, #tpu.memory_space<semaphore_mem>>)
      %dma_wait3A_28 = tpu.memref_slice %arg3[%mul3A_2] : memref<4096xi32, #tpu.memory_space<hbm>> -> memref<128xi32, #tpu.memory_space<hbm>>
      %dma_wait3A_29 = tpu.memref_slice %arg3[%mul3A_2] : memref<4096xi32, #tpu.memory_space<hbm>> -> memref<128xi32, #tpu.memory_space<hbm>>
      tpu.wait_dma2 semaphore(%run_scoped3A : memref<!tpu.dma_semaphore, #tpu.memory_space<semaphore_mem>>) src(%dma_wait3A_29 : memref<128xi32, #tpu.memory_space<hbm>>) dst(%arg8 : memref<128xi32, #tpu.memory_space<vmem>>)
      tpu.yield
    }) : () -> ()
    "tpu.region"() ({
      %run_scoped3A = tpu.sem_alloc : memref<!tpu.dma_semaphore, #tpu.memory_space<semaphore_mem>>
      %dma_start3A_26 = tpu.memref_slice %arg4[%mul3A_2] : memref<4096xi32, #tpu.memory_space<hbm>> -> memref<128xi32, #tpu.memory_space<hbm>>
      %dma_start3A_27 = tpu.memref_slice %arg4[%mul3A_2] : memref<4096xi32, #tpu.memory_space<hbm>> -> memref<128xi32, #tpu.memory_space<hbm>>
      tpu.enqueue_dma source(%dma_start3A_27 : memref<128xi32, #tpu.memory_space<hbm>>) target(%arg9 : memref<128xi32, #tpu.memory_space<vmem>>) target_semaphore(%run_scoped3A : memref<!tpu.dma_semaphore, #tpu.memory_space<semaphore_mem>>)
      %dma_wait3A_28 = tpu.memref_slice %arg4[%mul3A_2] : memref<4096xi32, #tpu.memory_space<hbm>> -> memref<128xi32, #tpu.memory_space<hbm>>
      %dma_wait3A_29 = tpu.memref_slice %arg4[%mul3A_2] : memref<4096xi32, #tpu.memory_space<hbm>> -> memref<128xi32, #tpu.memory_space<hbm>>
      tpu.wait_dma2 semaphore(%run_scoped3A : memref<!tpu.dma_semaphore, #tpu.memory_space<semaphore_mem>>) src(%dma_wait3A_29 : memref<128xi32, #tpu.memory_space<hbm>>) dst(%arg9 : memref<128xi32, #tpu.memory_space<vmem>>)
      tpu.yield
    }) : () -> ()
    "tpu.region"() ({
      %run_scoped3A = tpu.sem_alloc : memref<!tpu.dma_semaphore, #tpu.memory_space<semaphore_mem>>
      %dma_start3A_26 = tpu.memref_slice %arg5[%mul3A_2] : memref<4096xi32, #tpu.memory_space<hbm>> -> memref<128xi32, #tpu.memory_space<hbm>>
      %dma_start3A_27 = tpu.memref_slice %arg5[%mul3A_2] : memref<4096xi32, #tpu.memory_space<hbm>> -> memref<128xi32, #tpu.memory_space<hbm>>
      tpu.enqueue_dma source(%dma_start3A_27 : memref<128xi32, #tpu.memory_space<hbm>>) target(%arg10 : memref<128xi32, #tpu.memory_space<vmem>>) target_semaphore(%run_scoped3A : memref<!tpu.dma_semaphore, #tpu.memory_space<semaphore_mem>>)
      %dma_wait3A_28 = tpu.memref_slice %arg5[%mul3A_2] : memref<4096xi32, #tpu.memory_space<hbm>> -> memref<128xi32, #tpu.memory_space<hbm>>
      %dma_wait3A_29 = tpu.memref_slice %arg5[%mul3A_2] : memref<4096xi32, #tpu.memory_space<hbm>> -> memref<128xi32, #tpu.memory_space<hbm>>
      tpu.wait_dma2 semaphore(%run_scoped3A : memref<!tpu.dma_semaphore, #tpu.memory_space<semaphore_mem>>) src(%dma_wait3A_29 : memref<128xi32, #tpu.memory_space<hbm>>) dst(%arg10 : memref<128xi32, #tpu.memory_space<vmem>>)
      tpu.yield
    }) : () -> ()
    %dma_start3A = arith.constant 0 : i32
    %dma_start3A_3 = arith.constant 0 : i32
    %dma_start3A_4 = tpu.memref_slice %arg2[%dma_start3A, %dma_start3A_3] : memref<10000x128xf32, #tpu.memory_space<hbm>> -> memref<10000x128xf32, #tpu.memory_space<hbm>>
    tpu.enqueue_indirect_dma source(%dma_start3A_4 : memref<10000x128xf32, #tpu.memory_space<hbm>>) target(%arg11 : memref<128x128xf32, #tpu.memory_space<vmem>>) offsets(%arg8 : memref<128xi32, #tpu.memory_space<vmem>>) semaphore(%arg16 : memref<!tpu.dma_semaphore, #tpu.memory_space<semaphore_mem>>)
    %dma_wait3A = arith.constant 0 : i32
    %dma_wait3A_5 = arith.constant 0 : i32
    %dma_wait3A_6 = tpu.memref_slice %arg2[%dma_wait3A, %dma_wait3A_5] : memref<10000x128xf32, #tpu.memory_space<hbm>> -> memref<10000x128xf32, #tpu.memory_space<hbm>>
    tpu.wait_indirect_dma semaphore(%arg16 : memref<!tpu.dma_semaphore, #tpu.memory_space<semaphore_mem>>) src(%dma_wait3A_6 : memref<10000x128xf32, #tpu.memory_space<hbm>>) dst(%arg11 : memref<128x128xf32, #tpu.memory_space<vmem>>)
    %dma_start3A_7 = arith.constant 0 : i32
    %dma_start3A_8 = arith.constant 0 : i32
    %dma_start3A_9 = tpu.memref_slice %arg2[%dma_start3A_7, %dma_start3A_8] : memref<10000x128xf32, #tpu.memory_space<hbm>> -> memref<10000x128xf32, #tpu.memory_space<hbm>>
    tpu.enqueue_indirect_dma source(%dma_start3A_9 : memref<10000x128xf32, #tpu.memory_space<hbm>>) target(%arg12 : memref<128x128xf32, #tpu.memory_space<vmem>>) offsets(%arg9 : memref<128xi32, #tpu.memory_space<vmem>>) semaphore(%arg16 : memref<!tpu.dma_semaphore, #tpu.memory_space<semaphore_mem>>)
    %dma_wait3A_10 = arith.constant 0 : i32
    %dma_wait3A_11 = arith.constant 0 : i32
    %dma_wait3A_12 = tpu.memref_slice %arg2[%dma_wait3A_10, %dma_wait3A_11] : memref<10000x128xf32, #tpu.memory_space<hbm>> -> memref<10000x128xf32, #tpu.memory_space<hbm>>
    tpu.wait_indirect_dma semaphore(%arg16 : memref<!tpu.dma_semaphore, #tpu.memory_space<semaphore_mem>>) src(%dma_wait3A_12 : memref<10000x128xf32, #tpu.memory_space<hbm>>) dst(%arg12 : memref<128x128xf32, #tpu.memory_space<vmem>>)
    %dma_start3A_13 = arith.constant 0 : i32
    %dma_start3A_14 = arith.constant 0 : i32
    %dma_start3A_15 = tpu.memref_slice %arg2[%dma_start3A_13, %dma_start3A_14] : memref<10000x128xf32, #tpu.memory_space<hbm>> -> memref<10000x128xf32, #tpu.memory_space<hbm>>
    tpu.enqueue_indirect_dma source(%dma_start3A_15 : memref<10000x128xf32, #tpu.memory_space<hbm>>) target(%arg13 : memref<128x128xf32, #tpu.memory_space<vmem>>) offsets(%arg10 : memref<128xi32, #tpu.memory_space<vmem>>) semaphore(%arg16 : memref<!tpu.dma_semaphore, #tpu.memory_space<semaphore_mem>>)
    %dma_wait3A_16 = arith.constant 0 : i32
    %dma_wait3A_17 = arith.constant 0 : i32
    %dma_wait3A_18 = tpu.memref_slice %arg2[%dma_wait3A_16, %dma_wait3A_17] : memref<10000x128xf32, #tpu.memory_space<hbm>> -> memref<10000x128xf32, #tpu.memory_space<hbm>>
    tpu.wait_indirect_dma semaphore(%arg16 : memref<!tpu.dma_semaphore, #tpu.memory_space<semaphore_mem>>) src(%dma_wait3A_18 : memref<10000x128xf32, #tpu.memory_space<hbm>>) dst(%arg13 : memref<128x128xf32, #tpu.memory_space<vmem>>)
    %iota3A = tpu.iota {dimensions = array<i32: 0>} : vector<16xi32>
    %eq3A = arith.constant 15 : i32
    %eq3A_19 = vector.broadcast %eq3A : i32 to vector<16xi32>
    %eq3A_20 = arith.cmpi eq, %iota3A, %eq3A_19 : vector<16xi32>
    %scan3A = arith.constant 0 : i32
    %scan3A_21 = arith.constant 0 : i32
    %scan3A_22 = arith.constant 128 : i32
    %scan3A_23 = arith.addi %scan3A_21, %scan3A_22 : i32
    %scan3A_24 = arith.constant 2 : i32
    scf.for %scan3A_26 = %scan3A_21 to %scan3A_23 step %scan3A_24  : i32 {
      %get3A = arith.index_cast %scan3A_26 : i32 to index
      %get3A_27 = arith.constant 0 : index
      %get3A_28 = tpu.vector_load %arg11[%get3A, %get3A_27] {strides = array<i32>} : memref<128x128xf32, #tpu.memory_space<vmem>>, vector<16xf32>,
      %get3A_29 = arith.index_cast %scan3A_26 : i32 to index
      %get3A_30 = arith.constant 0 : index
      %get3A_31 = tpu.vector_load %arg12[%get3A_29, %get3A_30] {strides = array<i32>} : memref<128x128xf32, #tpu.memory_space<vmem>>, vector<16xf32>,
      %mul3A_32 = arith.mulf %get3A_28, %get3A_31 : vector<16xf32>
      %get3A_33 = arith.index_cast %scan3A_26 : i32 to index
      %get3A_34 = arith.constant 0 : index
      %get3A_35 = tpu.vector_load %arg11[%get3A_33, %get3A_34] {strides = array<i32>} : memref<128x128xf32, #tpu.memory_space<vmem>>, vector<16xf32>,
      %get3A_36 = arith.index_cast %scan3A_26 : i32 to index
      %get3A_37 = arith.constant 0 : index
      %get3A_38 = tpu.vector_load %arg13[%get3A_36, %get3A_37] {strides = array<i32>} : memref<128x128xf32, #tpu.memory_space<vmem>>, vector<16xf32>,
      %mul3A_39 = arith.mulf %get3A_35, %get3A_38 : vector<16xf32>
      %get3A_40 = arith.index_cast %scan3A_26 : i32 to index
      %get3A_41 = arith.constant 16 : index
      %get3A_42 = tpu.vector_load %arg11[%get3A_40, %get3A_41] {strides = array<i32>} : memref<128x128xf32, #tpu.memory_space<vmem>>, vector<16xf32>,
      %get3A_43 = arith.index_cast %scan3A_26 : i32 to index
      %get3A_44 = arith.constant 16 : index
      %get3A_45 = tpu.vector_load %arg12[%get3A_43, %get3A_44] {strides = array<i32>} : memref<128x128xf32, #tpu.memory_space<vmem>>, vector<16xf32>,
      %mul3A_46 = arith.mulf %get3A_42, %get3A_45 : vector<16xf32>
      %add3A_47 = arith.addf %mul3A_32, %mul3A_46 : vector<16xf32>
      %get3A_48 = arith.index_cast %scan3A_26 : i32 to index
      %get3A_49 = arith.constant 16 : index
      %get3A_50 = tpu.vector_load %arg13[%get3A_48, %get3A_49] {strides = array<i32>} : memref<128x128xf32, #tpu.memory_space<vmem>>, vector<16xf32>,
      %mul3A_51 = arith.mulf %get3A_42, %get3A_50 : vector<16xf32>
      %add3A_52 = arith.addf %mul3A_39, %mul3A_51 : vector<16xf32>
      %get3A_53 = arith.index_cast %scan3A_26 : i32 to index
      %get3A_54 = arith.constant 32 : index
      %get3A_55 = tpu.vector_load %arg11[%get3A_53, %get3A_54] {strides = array<i32>} : memref<128x128xf32, #tpu.memory_space<vmem>>, vector<16xf32>,
      %get3A_56 = arith.index_cast %scan3A_26 : i32 to index
      %get3A_57 = arith.constant 32 : index
      %get3A_58 = tpu.vector_load %arg12[%get3A_56, %get3A_57] {strides = array<i32>} : memref<128x128xf32, #tpu.memory_space<vmem>>, vector<16xf32>,
      %mul3A_59 = arith.mulf %get3A_55, %get3A_58 : vector<16xf32>
      %add3A_60 = arith.addf %add3A_47, %mul3A_59 : vector<16xf32>
      %get3A_61 = arith.index_cast %scan3A_26 : i32 to index
      %get3A_62 = arith.constant 32 : index
      %get3A_63 = tpu.vector_load %arg13[%get3A_61, %get3A_62] {strides = array<i32>} : memref<128x128xf32, #tpu.memory_space<vmem>>, vector<16xf32>,
      %mul3A_64 = arith.mulf %get3A_55, %get3A_63 : vector<16xf32>
      %add3A_65 = arith.addf %add3A_52, %mul3A_64 : vector<16xf32>
      %get3A_66 = arith.index_cast %scan3A_26 : i32 to index
      %get3A_67 = arith.constant 48 : index
      %get3A_68 = tpu.vector_load %arg11[%get3A_66, %get3A_67] {strides = array<i32>} : memref<128x128xf32, #tpu.memory_space<vmem>>, vector<16xf32>,
      %get3A_69 = arith.index_cast %scan3A_26 : i32 to index
      %get3A_70 = arith.constant 48 : index
      %get3A_71 = tpu.vector_load %arg12[%get3A_69, %get3A_70] {strides = array<i32>} : memref<128x128xf32, #tpu.memory_space<vmem>>, vector<16xf32>,
      %mul3A_72 = arith.mulf %get3A_68, %get3A_71 : vector<16xf32>
      %add3A_73 = arith.addf %add3A_60, %mul3A_72 : vector<16xf32>
      %get3A_74 = arith.index_cast %scan3A_26 : i32 to index
      %get3A_75 = arith.constant 48 : index
      %get3A_76 = tpu.vector_load %arg13[%get3A_74, %get3A_75] {strides = array<i32>} : memref<128x128xf32, #tpu.memory_space<vmem>>, vector<16xf32>,
      %mul3A_77 = arith.mulf %get3A_68, %get3A_76 : vector<16xf32>
      %add3A_78 = arith.addf %add3A_65, %mul3A_77 : vector<16xf32>
      %get3A_79 = arith.index_cast %scan3A_26 : i32 to index
      %get3A_80 = arith.constant 64 : index
      %get3A_81 = tpu.vector_load %arg11[%get3A_79, %get3A_80] {strides = array<i32>} : memref<128x128xf32, #tpu.memory_space<vmem>>, vector<16xf32>,
      %get3A_82 = arith.index_cast %scan3A_26 : i32 to index
      %get3A_83 = arith.constant 64 : index
      %get3A_84 = tpu.vector_load %arg12[%get3A_82, %get3A_83] {strides = array<i32>} : memref<128x128xf32, #tpu.memory_space<vmem>>, vector<16xf32>,
      %mul3A_85 = arith.mulf %get3A_81, %get3A_84 : vector<16xf32>
      %add3A_86 = arith.addf %add3A_73, %mul3A_85 : vector<16xf32>
      %get3A_87 = arith.index_cast %scan3A_26 : i32 to index
      %get3A_88 = arith.constant 64 : index
      %get3A_89 = tpu.vector_load %arg13[%get3A_87, %get3A_88] {strides = array<i32>} : memref<128x128xf32, #tpu.memory_space<vmem>>, vector<16xf32>,
      %mul3A_90 = arith.mulf %get3A_81, %get3A_89 : vector<16xf32>
      %add3A_91 = arith.addf %add3A_78, %mul3A_90 : vector<16xf32>
      %get3A_92 = arith.index_cast %scan3A_26 : i32 to index
      %get3A_93 = arith.constant 80 : index
      %get3A_94 = tpu.vector_load %arg11[%get3A_92, %get3A_93] {strides = array<i32>} : memref<128x128xf32, #tpu.memory_space<vmem>>, vector<16xf32>,
      %get3A_95 = arith.index_cast %scan3A_26 : i32 to index
      %get3A_96 = arith.constant 80 : index
      %get3A_97 = tpu.vector_load %arg12[%get3A_95, %get3A_96] {strides = array<i32>} : memref<128x128xf32, #tpu.memory_space<vmem>>, vector<16xf32>,
      %mul3A_98 = arith.mulf %get3A_94, %get3A_97 : vector<16xf32>
      %add3A_99 = arith.addf %add3A_86, %mul3A_98 : vector<16xf32>
      %get3A_100 = arith.index_cast %scan3A_26 : i32 to index
      %get3A_101 = arith.constant 80 : index
      %get3A_102 = tpu.vector_load %arg13[%get3A_100, %get3A_101] {strides = array<i32>} : memref<128x128xf32, #tpu.memory_space<vmem>>, vector<16xf32>,
      %mul3A_103 = arith.mulf %get3A_94, %get3A_102 : vector<16xf32>
      %add3A_104 = arith.addf %add3A_91, %mul3A_103 : vector<16xf32>
      %get3A_105 = arith.index_cast %scan3A_26 : i32 to index
      %get3A_106 = arith.constant 96 : index
      %get3A_107 = tpu.vector_load %arg11[%get3A_105, %get3A_106] {strides = array<i32>} : memref<128x128xf32, #tpu.memory_space<vmem>>, vector<16xf32>,
      %get3A_108 = arith.index_cast %scan3A_26 : i32 to index
      %get3A_109 = arith.constant 96 : index
      %get3A_110 = tpu.vector_load %arg12[%get3A_108, %get3A_109] {strides = array<i32>} : memref<128x128xf32, #tpu.memory_space<vmem>>, vector<16xf32>,
      %mul3A_111 = arith.mulf %get3A_107, %get3A_110 : vector<16xf32>
      %add3A_112 = arith.addf %add3A_99, %mul3A_111 : vector<16xf32>
      %get3A_113 = arith.index_cast %scan3A_26 : i32 to index
      %get3A_114 = arith.constant 96 : index
      %get3A_115 = tpu.vector_load %arg13[%get3A_113, %get3A_114] {strides = array<i32>} : memref<128x128xf32, #tpu.memory_space<vmem>>, vector<16xf32>,
      %mul3A_116 = arith.mulf %get3A_107, %get3A_115 : vector<16xf32>
      %add3A_117 = arith.addf %add3A_104, %mul3A_116 : vector<16xf32>
      %get3A_118 = arith.index_cast %scan3A_26 : i32 to index
      %get3A_119 = arith.constant 112 : index
      %get3A_120 = tpu.vector_load %arg11[%get3A_118, %get3A_119] {strides = array<i32>} : memref<128x128xf32, #tpu.memory_space<vmem>>, vector<16xf32>,
      %get3A_121 = arith.index_cast %scan3A_26 : i32 to index
      %get3A_122 = arith.constant 112 : index
      %get3A_123 = tpu.vector_load %arg12[%get3A_121, %get3A_122] {strides = array<i32>} : memref<128x128xf32, #tpu.memory_space<vmem>>, vector<16xf32>,
      %mul3A_124 = arith.mulf %get3A_120, %get3A_123 : vector<16xf32>
      %add3A_125 = arith.addf %add3A_112, %mul3A_124 : vector<16xf32>
      %get3A_126 = arith.index_cast %scan3A_26 : i32 to index
      %get3A_127 = arith.constant 112 : index
      %get3A_128 = tpu.vector_load %arg13[%get3A_126, %get3A_127] {strides = array<i32>} : memref<128x128xf32, #tpu.memory_space<vmem>>, vector<16xf32>,
      %mul3A_129 = arith.mulf %get3A_120, %get3A_128 : vector<16xf32>
      %add3A_130 = arith.addf %add3A_117, %mul3A_129 : vector<16xf32>
      %broadcast_in_dim3A = vector.broadcast %scan3A_26 : i32 to vector<16xi32>
      %broadcast_in_dim3A_131 = arith.constant true
      %broadcast_in_dim3A_132 = vector.broadcast %broadcast_in_dim3A_131 : i1 to vector<16xi1>
      %masked_cumsum3A = tpu.scan <sum>, %add3A_125 masked %broadcast_in_dim3A_132 : vector<16xf32>, vector<16xi1> -> vector<16xf32>
      tpu.vector_store_idx %arg14[%broadcast_in_dim3A], %masked_cumsum3A masked %eq3A_20 : memref<128xf32, #tpu.memory_space<vmem>>[vector<16xi32>], vector<16xf32>, vector<16xi1>
      %broadcast_in_dim3A_133 = arith.constant true
      %broadcast_in_dim3A_134 = vector.broadcast %broadcast_in_dim3A_133 : i1 to vector<16xi1>
      %masked_cumsum3A_135 = tpu.scan <sum>, %add3A_130 masked %broadcast_in_dim3A_134 : vector<16xf32>, vector<16xi1> -> vector<16xf32>
      tpu.vector_store_idx %arg15[%broadcast_in_dim3A], %masked_cumsum3A_135 masked %eq3A_20 : memref<128xf32, #tpu.memory_space<vmem>>[vector<16xi32>], vector<16xf32>, vector<16xi1>
      %scan3A_136 = arith.constant 1 : i32
      %scan3A_137 = arith.addi %scan3A_26, %scan3A_136 : i32
      %get3A_138 = arith.index_cast %scan3A_137 : i32 to index
      %get3A_139 = arith.constant 0 : index
      %get3A_140 = tpu.vector_load %arg11[%get3A_138, %get3A_139] {strides = array<i32>} : memref<128x128xf32, #tpu.memory_space<vmem>>, vector<16xf32>,
      %get3A_141 = arith.index_cast %scan3A_137 : i32 to index
      %get3A_142 = arith.constant 0 : index
      %get3A_143 = tpu.vector_load %arg12[%get3A_141, %get3A_142] {strides = array<i32>} : memref<128x128xf32, #tpu.memory_space<vmem>>, vector<16xf32>,
      %mul3A_144 = arith.mulf %get3A_140, %get3A_143 : vector<16xf32>
      %get3A_145 = arith.index_cast %scan3A_137 : i32 to index
      %get3A_146 = arith.constant 0 : index
      %get3A_147 = tpu.vector_load %arg11[%get3A_145, %get3A_146] {strides = array<i32>} : memref<128x128xf32, #tpu.memory_space<vmem>>, vector<16xf32>,
      %get3A_148 = arith.index_cast %scan3A_137 : i32 to index
      %get3A_149 = arith.constant 0 : index
      %get3A_150 = tpu.vector_load %arg13[%get3A_148, %get3A_149] {strides = array<i32>} : memref<128x128xf32, #tpu.memory_space<vmem>>, vector<16xf32>,
      %mul3A_151 = arith.mulf %get3A_147, %get3A_150 : vector<16xf32>
      %get3A_152 = arith.index_cast %scan3A_137 : i32 to index
      %get3A_153 = arith.constant 16 : index
      %get3A_154 = tpu.vector_load %arg11[%get3A_152, %get3A_153] {strides = array<i32>} : memref<128x128xf32, #tpu.memory_space<vmem>>, vector<16xf32>,
      %get3A_155 = arith.index_cast %scan3A_137 : i32 to index
      %get3A_156 = arith.constant 16 : index
      %get3A_157 = tpu.vector_load %arg12[%get3A_155, %get3A_156] {strides = array<i32>} : memref<128x128xf32, #tpu.memory_space<vmem>>, vector<16xf32>,
      %mul3A_158 = arith.mulf %get3A_154, %get3A_157 : vector<16xf32>
      %add3A_159 = arith.addf %mul3A_144, %mul3A_158 : vector<16xf32>
      %get3A_160 = arith.index_cast %scan3A_137 : i32 to index
      %get3A_161 = arith.constant 16 : index
      %get3A_162 = tpu.vector_load %arg13[%get3A_160, %get3A_161] {strides = array<i32>} : memref<128x128xf32, #tpu.memory_space<vmem>>, vector<16xf32>,
      %mul3A_163 = arith.mulf %get3A_154, %get3A_162 : vector<16xf32>
      %add3A_164 = arith.addf %mul3A_151, %mul3A_163 : vector<16xf32>
      %get3A_165 = arith.index_cast %scan3A_137 : i32 to index
      %get3A_166 = arith.constant 32 : index
      %get3A_167 = tpu.vector_load %arg11[%get3A_165, %get3A_166] {strides = array<i32>} : memref<128x128xf32, #tpu.memory_space<vmem>>, vector<16xf32>,
      %get3A_168 = arith.index_cast %scan3A_137 : i32 to index
      %get3A_169 = arith.constant 32 : index
      %get3A_170 = tpu.vector_load %arg12[%get3A_168, %get3A_169] {strides = array<i32>} : memref<128x128xf32, #tpu.memory_space<vmem>>, vector<16xf32>,
      %mul3A_171 = arith.mulf %get3A_167, %get3A_170 : vector<16xf32>
      %add3A_172 = arith.addf %add3A_159, %mul3A_171 : vector<16xf32>
      %get3A_173 = arith.index_cast %scan3A_137 : i32 to index
      %get3A_174 = arith.constant 32 : index
      %get3A_175 = tpu.vector_load %arg13[%get3A_173, %get3A_174] {strides = array<i32>} : memref<128x128xf32, #tpu.memory_space<vmem>>, vector<16xf32>,
      %mul3A_176 = arith.mulf %get3A_167, %get3A_175 : vector<16xf32>
      %add3A_177 = arith.addf %add3A_164, %mul3A_176 : vector<16xf32>
      %get3A_178 = arith.index_cast %scan3A_137 : i32 to index
      %get3A_179 = arith.constant 48 : index
      %get3A_180 = tpu.vector_load %arg11[%get3A_178, %get3A_179] {strides = array<i32>} : memref<128x128xf32, #tpu.memory_space<vmem>>, vector<16xf32>,
      %get3A_181 = arith.index_cast %scan3A_137 : i32 to index
      %get3A_182 = arith.constant 48 : index
      %get3A_183 = tpu.vector_load %arg12[%get3A_181, %get3A_182] {strides = array<i32>} : memref<128x128xf32, #tpu.memory_space<vmem>>, vector<16xf32>,
      %mul3A_184 = arith.mulf %get3A_180, %get3A_183 : vector<16xf32>
      %add3A_185 = arith.addf %add3A_172, %mul3A_184 : vector<16xf32>
      %get3A_186 = arith.index_cast %scan3A_137 : i32 to index
      %get3A_187 = arith.constant 48 : index
      %get3A_188 = tpu.vector_load %arg13[%get3A_186, %get3A_187] {strides = array<i32>} : memref<128x128xf32, #tpu.memory_space<vmem>>, vector<16xf32>,
      %mul3A_189 = arith.mulf %get3A_180, %get3A_188 : vector<16xf32>
      %add3A_190 = arith.addf %add3A_177, %mul3A_189 : vector<16xf32>
      %get3A_191 = arith.index_cast %scan3A_137 : i32 to index
      %get3A_192 = arith.constant 64 : index
      %get3A_193 = tpu.vector_load %arg11[%get3A_191, %get3A_192] {strides = array<i32>} : memref<128x128xf32, #tpu.memory_space<vmem>>, vector<16xf32>,
      %get3A_194 = arith.index_cast %scan3A_137 : i32 to index
      %get3A_195 = arith.constant 64 : index
      %get3A_196 = tpu.vector_load %arg12[%get3A_194, %get3A_195] {strides = array<i32>} : memref<128x128xf32, #tpu.memory_space<vmem>>, vector<16xf32>,
      %mul3A_197 = arith.mulf %get3A_193, %get3A_196 : vector<16xf32>
      %add3A_198 = arith.addf %add3A_185, %mul3A_197 : vector<16xf32>
      %get3A_199 = arith.index_cast %scan3A_137 : i32 to index
      %get3A_200 = arith.constant 64 : index
      %get3A_201 = tpu.vector_load %arg13[%get3A_199, %get3A_200] {strides = array<i32>} : memref<128x128xf32, #tpu.memory_space<vmem>>, vector<16xf32>,
      %mul3A_202 = arith.mulf %get3A_193, %get3A_201 : vector<16xf32>
      %add3A_203 = arith.addf %add3A_190, %mul3A_202 : vector<16xf32>
      %get3A_204 = arith.index_cast %scan3A_137 : i32 to index
      %get3A_205 = arith.constant 80 : index
      %get3A_206 = tpu.vector_load %arg11[%get3A_204, %get3A_205] {strides = array<i32>} : memref<128x128xf32, #tpu.memory_space<vmem>>, vector<16xf32>,
      %get3A_207 = arith.index_cast %scan3A_137 : i32 to index
      %get3A_208 = arith.constant 80 : index
      %get3A_209 = tpu.vector_load %arg12[%get3A_207, %get3A_208] {strides = array<i32>} : memref<128x128xf32, #tpu.memory_space<vmem>>, vector<16xf32>,
      %mul3A_210 = arith.mulf %get3A_206, %get3A_209 : vector<16xf32>
      %add3A_211 = arith.addf %add3A_198, %mul3A_210 : vector<16xf32>
      %get3A_212 = arith.index_cast %scan3A_137 : i32 to index
      %get3A_213 = arith.constant 80 : index
      %get3A_214 = tpu.vector_load %arg13[%get3A_212, %get3A_213] {strides = array<i32>} : memref<128x128xf32, #tpu.memory_space<vmem>>, vector<16xf32>,
      %mul3A_215 = arith.mulf %get3A_206, %get3A_214 : vector<16xf32>
      %add3A_216 = arith.addf %add3A_203, %mul3A_215 : vector<16xf32>
      %get3A_217 = arith.index_cast %scan3A_137 : i32 to index
      %get3A_218 = arith.constant 96 : index
      %get3A_219 = tpu.vector_load %arg11[%get3A_217, %get3A_218] {strides = array<i32>} : memref<128x128xf32, #tpu.memory_space<vmem>>, vector<16xf32>,
      %get3A_220 = arith.index_cast %scan3A_137 : i32 to index
      %get3A_221 = arith.constant 96 : index
      %get3A_222 = tpu.vector_load %arg12[%get3A_220, %get3A_221] {strides = array<i32>} : memref<128x128xf32, #tpu.memory_space<vmem>>, vector<16xf32>,
      %mul3A_223 = arith.mulf %get3A_219, %get3A_222 : vector<16xf32>
      %add3A_224 = arith.addf %add3A_211, %mul3A_223 : vector<16xf32>
      %get3A_225 = arith.index_cast %scan3A_137 : i32 to index
      %get3A_226 = arith.constant 96 : index
      %get3A_227 = tpu.vector_load %arg13[%get3A_225, %get3A_226] {strides = array<i32>} : memref<128x128xf32, #tpu.memory_space<vmem>>, vector<16xf32>,
      %mul3A_228 = arith.mulf %get3A_219, %get3A_227 : vector<16xf32>
      %add3A_229 = arith.addf %add3A_216, %mul3A_228 : vector<16xf32>
      %get3A_230 = arith.index_cast %scan3A_137 : i32 to index
      %get3A_231 = arith.constant 112 : index
      %get3A_232 = tpu.vector_load %arg11[%get3A_230, %get3A_231] {strides = array<i32>} : memref<128x128xf32, #tpu.memory_space<vmem>>, vector<16xf32>,
      %get3A_233 = arith.index_cast %scan3A_137 : i32 to index
      %get3A_234 = arith.constant 112 : index
      %get3A_235 = tpu.vector_load %arg12[%get3A_233, %get3A_234] {strides = array<i32>} : memref<128x128xf32, #tpu.memory_space<vmem>>, vector<16xf32>,
      %mul3A_236 = arith.mulf %get3A_232, %get3A_235 : vector<16xf32>
      %add3A_237 = arith.addf %add3A_224, %mul3A_236 : vector<16xf32>
      %get3A_238 = arith.index_cast %scan3A_137 : i32 to index
      %get3A_239 = arith.constant 112 : index
      %get3A_240 = tpu.vector_load %arg13[%get3A_238, %get3A_239] {strides = array<i32>} : memref<128x128xf32, #tpu.memory_space<vmem>>, vector<16xf32>,
      %mul3A_241 = arith.mulf %get3A_232, %get3A_240 : vector<16xf32>
      %add3A_242 = arith.addf %add3A_229, %mul3A_241 : vector<16xf32>
      %broadcast_in_dim3A_243 = vector.broadcast %scan3A_137 : i32 to vector<16xi32>
      %broadcast_in_dim3A_244 = arith.constant true
      %broadcast_in_dim3A_245 = vector.broadcast %broadcast_in_dim3A_244 : i1 to vector<16xi1>
      %masked_cumsum3A_246 = tpu.scan <sum>, %add3A_237 masked %broadcast_in_dim3A_245 : vector<16xf32>, vector<16xi1> -> vector<16xf32>
      tpu.vector_store_idx %arg14[%broadcast_in_dim3A_243], %masked_cumsum3A_246 masked %eq3A_20 : memref<128xf32, #tpu.memory_space<vmem>>[vector<16xi32>], vector<16xf32>, vector<16xi1>
      %broadcast_in_dim3A_247 = arith.constant true
      %broadcast_in_dim3A_248 = vector.broadcast %broadcast_in_dim3A_247 : i1 to vector<16xi1>
      %masked_cumsum3A_249 = tpu.scan <sum>, %add3A_242 masked %broadcast_in_dim3A_248 : vector<16xf32>, vector<16xi1> -> vector<16xf32>
      tpu.vector_store_idx %arg15[%broadcast_in_dim3A_243], %masked_cumsum3A_249 masked %eq3A_20 : memref<128xf32, #tpu.memory_space<vmem>>[vector<16xi32>], vector<16xf32>, vector<16xi1>
    }
    %scan3A_25 = arith.constant 128 : i32
    "tpu.region"() ({
      %run_scoped3A = tpu.sem_alloc : memref<!tpu.dma_semaphore, #tpu.memory_space<semaphore_mem>>
      %dma_start3A_26 = tpu.memref_slice %arg6[%mul3A_2] : memref<4096xf32, #tpu.memory_space<hbm>> -> memref<128xf32, #tpu.memory_space<hbm>>
      %dma_start3A_27 = tpu.memref_slice %arg6[%mul3A_2] : memref<4096xf32, #tpu.memory_space<hbm>> -> memref<128xf32, #tpu.memory_space<hbm>>
      tpu.enqueue_dma source(%arg14 : memref<128xf32, #tpu.memory_space<vmem>>) target(%dma_start3A_27 : memref<128xf32, #tpu.memory_space<hbm>>) target_semaphore(%run_scoped3A : memref<!tpu.dma_semaphore, #tpu.memory_space<semaphore_mem>>)
      %dma_wait3A_28 = tpu.memref_slice %arg6[%mul3A_2] : memref<4096xf32, #tpu.memory_space<hbm>> -> memref<128xf32, #tpu.memory_space<hbm>>
      %dma_wait3A_29 = tpu.memref_slice %arg6[%mul3A_2] : memref<4096xf32, #tpu.memory_space<hbm>> -> memref<128xf32, #tpu.memory_space<hbm>>
      tpu.wait_dma2 semaphore(%run_scoped3A : memref<!tpu.dma_semaphore, #tpu.memory_space<semaphore_mem>>) src(%arg14 : memref<128xf32, #tpu.memory_space<vmem>>) dst(%dma_wait3A_29 : memref<128xf32, #tpu.memory_space<hbm>>)
      tpu.yield
    }) : () -> ()
    "tpu.region"() ({
      %run_scoped3A = tpu.sem_alloc : memref<!tpu.dma_semaphore, #tpu.memory_space<semaphore_mem>>
      %dma_start3A_26 = tpu.memref_slice %arg7[%mul3A_2] : memref<4096xf32, #tpu.memory_space<hbm>> -> memref<128xf32, #tpu.memory_space<hbm>>
      %dma_start3A_27 = tpu.memref_slice %arg7[%mul3A_2] : memref<4096xf32, #tpu.memory_space<hbm>> -> memref<128xf32, #tpu.memory_space<hbm>>
      tpu.enqueue_dma source(%arg15 : memref<128xf32, #tpu.memory_space<vmem>>) target(%dma_start3A_27 : memref<128xf32, #tpu.memory_space<hbm>>) target_semaphore(%run_scoped3A : memref<!tpu.dma_semaphore, #tpu.memory_space<semaphore_mem>>)
      %dma_wait3A_28 = tpu.memref_slice %arg7[%mul3A_2] : memref<4096xf32, #tpu.memory_space<hbm>> -> memref<128xf32, #tpu.memory_space<hbm>>
      %dma_wait3A_29 = tpu.memref_slice %arg7[%mul3A_2] : memref<4096xf32, #tpu.memory_space<hbm>> -> memref<128xf32, #tpu.memory_space<hbm>>
      tpu.wait_dma2 semaphore(%run_scoped3A : memref<!tpu.dma_semaphore, #tpu.memory_space<semaphore_mem>>) src(%arg15 : memref<128xf32, #tpu.memory_space<vmem>>) dst(%dma_wait3A_29 : memref<128xf32, #tpu.memory_space<hbm>>)
      tpu.yield
    }) : () -> ()
    return
  }
}

module attributes {stable_mosaic.version = 14 : i64} {
  func.func @body(%arg0: i32, %arg1: memref<2x1000x128xf32, #tpu.memory_space<vmem>>, %arg2: memref<1000x128xf32, #tpu.memory_space<vmem>>, %arg3: memref<1000x128xf32, #tpu.memory_space<vmem>>, %arg4: memref<1000x128xf32, #tpu.memory_space<vmem>>) attributes {dimension_semantics = [#tpu.dimension_semantics<arbitrary>], iteration_bounds = array<i64: 10>, scalar_prefetch = 0 : i64, scratch_operands = 0 : i64, tpu.core_type = #tpu.core_type<tc>, window_params = [{transform_indices = @transform_0, window_bounds = array<i64: 2, 1000, 128>}, {transform_indices = @transform_1, window_bounds = array<i64: 1000, 128>}, {transform_indices = @transform_2, window_bounds = array<i64: 1000, 128>}, {transform_indices = @transform_3, window_bounds = array<i64: 1000, 128>}]} {
    %get3A = arith.constant 0 : index
    %get3A_0 = arith.constant 0 : index
    %get3A_1 = arith.constant 0 : index
    %get3A_2 = vector.load %arg1[%get3A, %get3A_0, %get3A_1] : memref<2x1000x128xf32, #tpu.memory_space<vmem>>, vector<1x1000x128xf32>
    %get3A_3 = vector.shape_cast %get3A_2 : vector<1x1000x128xf32> to vector<1000x128xf32>
    %get3A_4 = arith.constant 1 : index
    %get3A_5 = arith.constant 0 : index
    %get3A_6 = arith.constant 0 : index
    %get3A_7 = vector.load %arg1[%get3A_4, %get3A_5, %get3A_6] : memref<2x1000x128xf32, #tpu.memory_space<vmem>>, vector<1x1000x128xf32>
    %get3A_8 = vector.shape_cast %get3A_7 : vector<1x1000x128xf32> to vector<1000x128xf32>
    %add3A = arith.addf %get3A_3, %get3A_8 : vector<1000x128xf32>
    %swap3A = arith.constant 0 : index
    %swap3A_9 = arith.constant 0 : index
    %swap3A_10 = vector.load %arg3[%swap3A, %swap3A_9] : memref<1000x128xf32, #tpu.memory_space<vmem>>, vector<1000x128xf32>
    tpu.vector_store %arg3[%swap3A, %swap3A_9], %add3A {strides = array<i32>} : memref<1000x128xf32, #tpu.memory_space<vmem>>, vector<1000x128xf32>,
    %get3A_11 = arith.constant 0 : index
    %get3A_12 = arith.constant 0 : index
    %get3A_13 = vector.load %arg2[%get3A_11, %get3A_12] : memref<1000x128xf32, #tpu.memory_space<vmem>>, vector<1000x128xf32>
    %add3A_14 = arith.addf %get3A_13, %add3A : vector<1000x128xf32>
    %swap3A_15 = arith.constant 0 : index
    %swap3A_16 = arith.constant 0 : index
    %swap3A_17 = vector.load %arg4[%swap3A_15, %swap3A_16] : memref<1000x128xf32, #tpu.memory_space<vmem>>, vector<1000x128xf32>
    tpu.vector_store %arg4[%swap3A_15, %swap3A_16], %add3A_14 {strides = array<i32>} : memref<1000x128xf32, #tpu.memory_space<vmem>>, vector<1000x128xf32>,
    return
  }
  func.func @transform_0(%arg0: i32) -> (i32, i32, i32) {
    %c0_i32 = arith.constant 0 : i32
    %c0_i32_0 = arith.constant 0 : i32
    %c0_i32_1 = arith.constant 0 : i32
    return %c0_i32, %arg0, %c0_i32_0 : i32, i32, i32
  }
  func.func @transform_1(%arg0: i32) -> (i32, i32) {
    %c0_i32 = arith.constant 0 : i32
    %c0_i32_0 = arith.constant 0 : i32
    return %arg0, %c0_i32 : i32, i32
  }
  func.func @transform_2(%arg0: i32) -> (i32, i32) {
    %c0_i32 = arith.constant 0 : i32
    %c0_i32_0 = arith.constant 0 : i32
    return %arg0, %c0_i32 : i32, i32
  }
  func.func @transform_3(%arg0: i32) -> (i32, i32) {
    %c0_i32 = arith.constant 0 : i32
    %c0_i32_0 = arith.constant 0 : i32
    return %arg0, %c0_i32 : i32, i32
  }
}

module attributes {stable_mosaic.version = 14 : i64} {
  func.func @body(%arg0: i32, %arg1: memref<2x1000x128xf32, #tpu.memory_space<vmem>>, %arg2: memref<1000x128xf32, #tpu.memory_space<vmem>>, %arg3: memref<1000x128xf32, #tpu.memory_space<vmem>>, %arg4: memref<1000x128xf32, #tpu.memory_space<vmem>>) attributes {dimension_semantics = [#tpu.dimension_semantics<arbitrary>], iteration_bounds = array<i64: 10>, scalar_prefetch = 0 : i64, scratch_operands = 0 : i64, tpu.core_type = #tpu.core_type<tc>, window_params = [{transform_indices = @transform_0, window_bounds = array<i64: 2, 1000, 128>}, {transform_indices = @transform_1, window_bounds = array<i64: 1000, 128>}, {transform_indices = @transform_2, window_bounds = array<i64: 1000, 128>}, {transform_indices = @transform_3, window_bounds = array<i64: 1000, 128>}]} {
    %get3A = arith.constant 0 : index
    %get3A_0 = arith.constant 0 : index
    %get3A_1 = arith.constant 0 : index
    %get3A_2 = vector.load %arg1[%get3A, %get3A_0, %get3A_1] : memref<2x1000x128xf32, #tpu.memory_space<vmem>>, vector<1x1000x128xf32>
    %get3A_3 = vector.shape_cast %get3A_2 : vector<1x1000x128xf32> to vector<1000x128xf32>
    %get3A_4 = arith.constant 1 : index
    %get3A_5 = arith.constant 0 : index
    %get3A_6 = arith.constant 0 : index
    %get3A_7 = vector.load %arg1[%get3A_4, %get3A_5, %get3A_6] : memref<2x1000x128xf32, #tpu.memory_space<vmem>>, vector<1x1000x128xf32>
    %get3A_8 = vector.shape_cast %get3A_7 : vector<1x1000x128xf32> to vector<1000x128xf32>
    %add3A = arith.addf %get3A_3, %get3A_8 : vector<1000x128xf32>
    %swap3A = arith.constant 0 : index
    %swap3A_9 = arith.constant 0 : index
    %swap3A_10 = vector.load %arg3[%swap3A, %swap3A_9] : memref<1000x128xf32, #tpu.memory_space<vmem>>, vector<1000x128xf32>
    tpu.vector_store %arg3[%swap3A, %swap3A_9], %add3A {strides = array<i32>} : memref<1000x128xf32, #tpu.memory_space<vmem>>, vector<1000x128xf32>,
    %get3A_11 = arith.constant 0 : index
    %get3A_12 = arith.constant 0 : index
    %get3A_13 = vector.load %arg2[%get3A_11, %get3A_12] : memref<1000x128xf32, #tpu.memory_space<vmem>>, vector<1000x128xf32>
    %add3A_14 = arith.addf %get3A_13, %add3A : vector<1000x128xf32>
    %swap3A_15 = arith.constant 0 : index
    %swap3A_16 = arith.constant 0 : index
    %swap3A_17 = vector.load %arg4[%swap3A_15, %swap3A_16] : memref<1000x128xf32, #tpu.memory_space<vmem>>, vector<1000x128xf32>
    tpu.vector_store %arg4[%swap3A_15, %swap3A_16], %add3A_14 {strides = array<i32>} : memref<1000x128xf32, #tpu.memory_space<vmem>>, vector<1000x128xf32>,
    return
  }
  func.func @transform_0(%arg0: i32) -> (i32, i32, i32) {
    %c0_i32 = arith.constant 0 : i32
    %c0_i32_0 = arith.constant 0 : i32
    %c0_i32_1 = arith.constant 0 : i32
    return %c0_i32, %arg0, %c0_i32_0 : i32, i32, i32
  }
  func.func @transform_1(%arg0: i32) -> (i32, i32) {
    %c0_i32 = arith.constant 0 : i32
    %c0_i32_0 = arith.constant 0 : i32
    return %arg0, %c0_i32 : i32, i32
  }
  func.func @transform_2(%arg0: i32) -> (i32, i32) {
    %c0_i32 = arith.constant 0 : i32
    %c0_i32_0 = arith.constant 0 : i32
    return %arg0, %c0_i32 : i32, i32
  }
  func.func @transform_3(%arg0: i32) -> (i32, i32) {
    %c0_i32 = arith.constant 0 : i32
    %c0_i32_0 = arith.constant 0 : i32
    return %arg0, %c0_i32 : i32, i32
  }
}

module attributes {stable_mosaic.version = 14 : i64} {
  func.func @body(%arg0: memref<32x128xf32, #tpu.memory_space<vmem>>, %arg1: memref<32x128xf32, #tpu.memory_space<vmem>>, %arg2: memref<1x1xf32, #tpu.memory_space<smem>>) attributes {dimension_semantics = [], scalar_prefetch = 0 : i64, scratch_operands = 0 : i64, tpu.core_type = #tpu.core_type<tc>} {
    %get3A = arith.constant 0 : index
    %get3A_0 = arith.constant 0 : index
    %get3A_1 = vector.load %arg1[%get3A, %get3A_0] : memref<32x128xf32, #tpu.memory_space<vmem>>, vector<32x128xf32>
    %get3A_2 = arith.constant 0 : index
    %get3A_3 = arith.constant 0 : index
    %get3A_4 = vector.load %arg0[%get3A_2, %get3A_3] : memref<32x128xf32, #tpu.memory_space<vmem>>, vector<32x128xf32>
    %sub3A = arith.subf %get3A_1, %get3A_4 : vector<32x128xf32>
    %mul3A = arith.constant 6.250000e-02 : f32
    %mul3A_5 = vector.broadcast %mul3A : f32 to vector<32x128xf32>
    %mul3A_6 = arith.mulf %sub3A, %mul3A_5 : vector<32x128xf32>
    %abs3A = math.absf %mul3A_6 : vector<32x128xf32>
    %neg3A = arith.constant 0.000000e+00 : f32
    %neg3A_7 = vector.broadcast %neg3A : f32 to vector<32x128xf32>
    %neg3A_8 = arith.subf %neg3A_7, %abs3A : vector<32x128xf32>
    %exp3A = math.exp %neg3A_8 : vector<32x128xf32>
    %log1p3A = math.log1p %exp3A : vector<32x128xf32>
    %max3A = arith.constant 0.000000e+00 : f32
    %max3A_9 = vector.broadcast %max3A : f32 to vector<32x128xf32>
    %max3A_10 = arith.maximumf %mul3A_6, %max3A_9 : vector<32x128xf32>
    %add3A = arith.addf %log1p3A, %max3A_10 : vector<32x128xf32>
    %reduce_sum3A = vector.shape_cast %add3A : vector<32x128xf32> to vector<1x32x128xf32>
    %reduce_sum3A_11 = arith.constant dense<0.000000e+00> : vector<1xf32>
    %reduce_sum3A_12 = vector.multi_reduction <add>, %reduce_sum3A, %reduce_sum3A_11 [1, 2] : vector<1x32x128xf32> to vector<1xf32>
    %reduce_sum3A_13 = vector.shape_cast %reduce_sum3A_12 : vector<1xf32> to vector<1x1x1xf32>
    %reduce_sum3A_14 = vector.extract %reduce_sum3A_13[0, 0, 0] : f32 from vector<1x1x1xf32>
    %swap3A = arith.constant 0 : index
    %swap3A_15 = arith.constant 0 : index
    %swap3A_16 = memref.load %arg2[%swap3A, %swap3A_15] : memref<1x1xf32, #tpu.memory_space<smem>>
    memref.store %reduce_sum3A_14, %arg2[%swap3A, %swap3A_15] : memref<1x1xf32, #tpu.memory_space<smem>>
    return
  }
}

</mosaic_0001>

<sc_bundles>
// kernel: kernel.10.cloned.1.call-start
scs
__scs_entry_jumppad:
0x0: {  	(pc) =	sbr.rel $0x88, $3  }
0x1: {  	(tag) =	ssettag $0x0;
	lr =	simm.s32 $0x1  }
0x2: {  	[smem:$0x3F9B] =	sst lr;
	_ =	strace $0xD0000000  }
0x3: {  	_ = 	snop  }
0x4: {  	_ = 	snop  }
0x5: {  	_ = 	snop  }
0x6: {  	_ = 	snop  }
0x7: {  	_ = 	snop  }
__scs_overlays_trampoline_lowered:
0x8: {  	[smem:$0x3FAA] =	sst s0  }
0x9: {  	[smem:$0x3FAB] =	sst s1  }
0xa: {  	[smem:$0x3FAC] =	sst s2  }
0xb: {  	[smem:$0x3FAD] =	sst s3  }
0xc: {  	[smem:$0x3FAE] =	sst s4  }
0xd: {  	[smem:$0x3FAF] =	sst s5  }
0xe: {  	[smem:$0x3FB0] =	sst s6  }
0xf: {  	[smem:$0x3FB1] =	sst s7  }
0x10: {  	[smem:$0x3FB2] =	sst s8  }
0x11: {  	[smem:$0x3FB3] =	sst s9;
	s0 =	simm.s32 @!p0 $0x0  }
0x12: {  	s1 =	sld [smem:$0x3F99];
	s0 =	simm.s32 @p0 $0x1  }
0x13: {  	[smem:$0x3FB4] =	sst s0;
	s0 =	simm.s32 @!p1 $0x0  }
0x14: {  	s2 =	sld [smem:$0x3F98];
	s0 =	simm.s32 @p1 $0x1  }
0x15: {  	[smem:$0x3FB5] =	sst s0;
	s0 =	simm.s32 @!p2 $0x0  }
0x16: {  	s3 =	sld [smem:$0x3FDB];
	s0 =	simm.s32 @p2 $0x1  }
0x17: {  	s4 =	simm.s32 $0x1BF5;
	[smem:$0x3FB7] =	sst s0  }
0x18: {  	s0 =	sld [smem:$0x3F9A];
	_ =	swait.ge [sflag:s4], $0x0  }
0x19: {  	s7 =	sld [smem:$0x3F9B]  }
0x1a: {  	s8 =	sadd.s32 $0xFFFFE003, lr  }
0x1b: {  	s9 =	sadd.s32 $0xFFFFFEF7, lr;
	s5 =	simm.s32 $0xFFFFFFFF;
	p2 =	slt.u32 s8, $0xFFFFF086  }
0x1c: {  	p1 =	slt.u32 s9, $0xF7A;
	s5 =	simm.s32 @!p2 $0x0  }
0x1d: {  	s5 =	simm.s32 @p1 $0x1;
	p0 =	seq.s32 s7, s2  }
0x1e: {  	s7 =	smul.u32 @!p0 $0xF7A, s2;
	p2 =	seq.s32 @!p0 s5, $0x0  }
0x1f: {  	s9 =	smul.u32 $0xF7A, s1;
	s8 =	simm.s32 @!p0 $0x1BF5;
	p2 =	por !p2, p0  }
0x20: {  	[sflag:s8] =	ssyncset.s32 @!p0 $0xFFFFF086;
	s6 =	sadd.s32 @!p0 s3, s7;
	s7 =	simm.s32 @!p0 $0x108  }
0x21: {  	s3 =	sadd.s32 s3, s9;
	s6 =	sadd.s32 @!p0 $0x88, s6;
	s7 =	simm.s32 @p2 $0x1082  }
0x22: {  	[simem:s7], [sflag:s8] =	dma.local @!p0 [hbm:s6], $0xF7A  }
0x23: {  	s9 =	sor.u32 $0xD0000000, s2;
	s6 =	simm.s32 $0x108;
	_ =	swait.ge @!p0 [sflag:s8], $0x0  }
0x24: {  	s3 =	sadd.s32 $0x88, s3;
	s6 =	simm.s32 @!p1 $0x1082;
	[sflag:s4] =	ssyncset.s32 $0xFFFFF086  }
0x25: {  	[simem:s6], [sflag:s4] =	dma.local [hbm:s3], $0xF7A  }
0x26: {  	[smem:$0x3F9B] =	sst s1;
	(tag) =	ssettag s2;
	_ =	strace s9  }
0x27: {  	s1 =	sld [smem:$0x3FAB]  }
0x28: {  	s2 =	sld [smem:$0x3FAC]  }
0x29: {  	s4 =	sld [smem:$0x3FAE]  }
0x2a: {  	p0 =	seq.s32 s5, $0x0;
	s5 =	sld [smem:$0x3FAF]  }
0x2b: {  	s6 =	sld [smem:$0x3FB0]  }
0x2c: {  	s7 =	sld [smem:$0x3FB1]  }
0x2d: {  	s3 =	simm.s32 $0x108;
	s8 =	sld [smem:$0x3FB2]  }
0x2e: {  	s3 =	simm.s32 @!p0 $0x1082;
	s9 =	sld [smem:$0x3FB3]  }
0x2f: {  	lr =	sadd.s32 s0, s3;
	s0 =	sld [smem:$0x3FAA]  }
0x30: {  	s3 =	sld [smem:$0x3FAD]  }
0x31: {  	[smem:$0x3FB6] =	sst s10  }
0x32: {  	s10 =	sld [smem:$0x3FB4];
	_ =	sdelay $0x3  }
0x33: {  	p0 =	seq.s32 s10, $0x1;
	s10 =	sld [smem:$0x3FB6];
	_ =	sdelay $0x3  }
0x34: {  	[smem:$0x3FB6] =	sst s10  }
0x35: {  	s10 =	sld [smem:$0x3FB5];
	_ =	sdelay $0x3  }
0x36: {  	p1 =	seq.s32 s10, $0x1;
	s10 =	sld [smem:$0x3FB6];
	_ =	sdelay $0x3  }
0x37: {  	[smem:$0x3FB6] =	sst s10  }
0x38: {  	s10 =	sld [smem:$0x3FB7]  }
0x39: {  	_ = 	snop;
	(pc) =	sbr.ind lr, $3  }
0x3a: {  	_ = 	snop  }
0x3b: {  	_ = 	snop  }
0x3c: {  	p2 =	seq.s32 s10, $0x1;
	s10 =	sld [smem:$0x3FB6]  }
0x3d: {  	_ =	shalt  }
0x3e: {  	_ =	shalt  }
0x3f: {  	_ =	shalt  }
0x40: {  	_ =	shalt  }
0x41: {  	_ =	shalt  }
0x42: {  	_ =	shalt  }
0x43: {  	_ =	shalt  }
0x44: {  	_ =	shalt  }
0x45: {  	_ =	shalt  }
0x46: {  	_ =	shalt  }
0x47: {  	_ =	shalt  }
0x48: {  	_ =	shalt  }
0x49: {  	_ =	shalt  }
0x4a: {  	_ =	shalt  }
0x4b: {  	_ =	shalt  }
0x4c: {  	_ =	shalt  }
0x4d: {  	_ =	shalt  }
0x4e: {  	_ =	shalt  }
0x4f: {  	_ =	shalt  }
0x50: {  	_ =	shalt  }
0x51: {  	_ =	shalt  }
0x52: {  	_ =	shalt  }
0x53: {  	_ =	shalt  }
0x54: {  	_ =	shalt  }
0x55: {  	_ =	shalt  }
0x56: {  	_ =	shalt  }
0x57: {  	_ =	shalt  }
0x58: {  	_ =	shalt  }
0x59: {  	_ =	shalt  }
0x5a: {  	_ =	shalt  }
0x5b: {  	_ =	shalt  }
0x5c: {  	_ =	shalt  }
0x5d: {  	_ =	shalt  }
0x5e: {  	_ =	shalt  }
0x5f: {  	_ =	shalt  }
0x60: {  	_ =	shalt  }
0x61: {  	_ =	shalt  }
0x62: {  	_ =	shalt  }
0x63: {  	_ =	shalt  }
0x64: {  	_ =	shalt  }
0x65: {  	_ =	shalt  }
0x66: {  	_ =	shalt  }
0x67: {  	_ =	shalt  }
0x68: {  	_ =	shalt  }
0x69: {  	_ =	shalt  }
0x6a: {  	_ =	shalt  }
0x6b: {  	_ =	shalt  }
0x6c: {  	_ =	shalt  }
0x6d: {  	_ =	shalt  }
0x6e: {  	_ =	shalt  }
0x6f: {  	_ =	shalt  }
0x70: {  	_ =	shalt  }
0x71: {  	_ =	shalt  }
0x72: {  	_ =	shalt  }
0x73: {  	_ =	shalt  }
0x74: {  	_ =	shalt  }
0x75: {  	_ =	shalt  }
0x76: {  	_ =	shalt  }
0x77: {  	_ =	shalt  }
0x78: {  	_ =	shalt  }
0x79: {  	_ =	shalt  }
0x7a: {  	_ =	shalt  }
0x7b: {  	_ =	shalt  }
0x7c: {  	_ =	shalt  }
0x7d: {  	_ =	shalt  }
0x7e: {  	_ =	shalt  }
0x7f: {  	_ =	shalt  }
0x80: {  	_ =	shalt  }
0x81: {  	_ =	shalt  }
0x82: {  	_ =	shalt  }
0x83: {  	_ =	shalt  }
0x84: {  	_ =	shalt  }
0x85: {  	_ =	shalt  }
0x86: {  	_ =	shalt  }
0x87: {  	_ =	shalt  }
.Lfunc_end0:
.L_simem_size_0:
called_computation_lowered:
.L_overlay_start_0:
0x88: {  	s2 =	sld [smem:$0x3FD9]  }
0x89: {  	s3 =	sld [smem:$0x3FFE];
	_ =	sdelay $0x1  }
0x8a: {  	s1 =	srdreg.scid  }
0x8b: {  	s0 =	sand.u32 $0x1, s1  }
0x8c: {  	s17 =	sshll.u32 s0, $0xA;
	s2 =	sadd.s32 s3, s2  }
0x8d: {  	s2 =	sadd.s32 s2, s17  }
0x8e: {  	[smem:$0x3FC2] =	sst s2  }
0x8f: {  	_ = 	snop  }
0x90: {  	s2 =	sld [smem:$0x3FC5]  }
0x91: {  	s18 =	sld [smem:$0x3FC4];
	(tm) =	ssettm $0x1  }
0x92: {  	s4 =	sld [smem:$0x3FFB];
	_ =	sdelay $0x3  }
0x93: {  	_ =	strace s4  }
0x94: {  	s4 =	sld [smem:$0x3FFC];
	_ =	sdelay $0x3  }
0x95: {  	_ =	strace s4  }
0x96: {  	s4 =	sld [smem:$0x3FFD];
	_ =	sdelay $0x3  }
0x97: {  	_ =	strace s4  }
0x98: {  	_ =	strace $0x8FFFFFFF  }
0x99: {  	s19 =	sld [smem:$0x3FDB];
	_ =	sdelay $0x1  }
0x9a: {  	s5 =	simm.s32 $_scs_section_size  }
0x9b: {  	s6 =	simm.s32 $_size__tile_overlayer_lowered;
	s7 =	simm.s32 $_tile_overlayer_lowered  }
0x9c: {  	s22 =	simm.s32 $0x1BFF;
	s21 =	sshll.u32 s7, $0x1;
	s4 =	sadd.s32 s5, s19  }
0x9d: {  	s8 =	simm.s32 $0x0;
	s20 =	sshll.u32 s6, $0x1;
	s6 =	sadd.s32 s21, s4  }
0x9e: {  	[timem:s8], [sflag:s22] =	dma.local [hbm:s6], s20  }
0x9f: {  	_ =	swait.ge [sflag:s22], s20  }
0xa0: {  	s5 =	ssub.s32 $0x0, s20;
	[sflag:s22] =	ssyncset.done $0x0  }
0xa1: {  	[sflag:s22] =	ssyncadd.s32 s5;
	_ =	sdelay $0x1  }
0xa2: {  	s23 =	simm.s32 $0x1B8B  }
0xa3: {  	_ =	swait.ge [sflag:s23], $0x1  }
0xa4: {  	[sflag:s23] =	ssyncset.done $0x0  }
0xa5: {  	s25 =	simm.s32 $0x1B8E;
	s24 =	sld [smem:$0x3FFE];
	[sflag:s23] =	ssyncadd.s32 $0xFFFFFFFF  }
0xa6: {  	s26 =	simm.s32 $execute0_lowered;
	[smem:$0x3FD2] =	sst s25  }
0xa7: {  	s6 =	sshll.u32 s26, $0x1;
	_ =	strace $0x80000046;
	[dreg:$0x1] =	wrdreg $0xFFFFFFFF  }
0xa8: {  	s28 =	simm.s32 $_size_execute0_lowered;
	s4 =	sadd.s32 s4, s6;
	[dreg:$0x0] =	wrdreg $0x0  }
0xa9: {  	s6 =	sshll.u32 s28, $0x1;
	[dreg:$0x2] =	wrdreg s4  }
0xaa: {  	[dreg:$0x3] =	wrdreg s6  }
0xab: {  	[dreg:$0x4] =	wrdreg $0xC0  }
0xac: {  	_ =	task [dreg:s8], $0x5FFFF  }
0xad: {  	[dreg:$0x1] =	wrdreg $0xFFFFFFFF  }
0xae: {  	[dreg:$0x0] =	wrdreg $0x60  }
0xaf: {  	[dreg:$0x2] =	wrdreg s24  }
0xb0: {  	[dreg:$0x3] =	wrdreg s2  }
0xb1: {  	[dreg:$0x4] =	wrdreg s18  }
0xb2: {  	[dreg:$0x5] =	wrdreg $0x41800  }
0xb3: {  	[dreg:$0x6] =	wrdreg $0x9  }
0xb4: {  	_ =	task.clear_ibuf [dreg:s8], $0x7FFFF;
	_ =	strace $0x90000046  }
0xb5: {  	s29 =	simm.s32 $0x9;
	_ =	strace $0x80000048  }
0xb6: {  	_ =	swait.ge [sflag:s29], $0x1  }
0xb7: {  	[sflag:s29] =	ssyncadd.s32 $0xFFFFFFFF  }
0xb8: {  	_ =	strace $0x90000048  }
0xb9: {  	_ =	sfence  }
0xba: {  	s30 =	sld [smem:$0x0];
	_ =	sdelay $0x2  }
0xbb: {  	s31 =	sshll.u32 s1, $0xD;
	s1 =	sshrl.u32 s1, $0x2  }
0xbc: {  	s3 =	sand.u32 $0x4000, s31;
	s1 =	sadd.s32 s1, s30  }
0xbd: {  	s0 =	sor.u32 s3, s0;
	s1 =	sshll.u32 s1, $0x11  }
0xbe: {  	s0 =	sor.u32 s1, s0  }
0xbf: {  	s0 =	sadd.s32 $0x8F2B, s0  }
0xc0: {  	[sflag:s0] =	ssyncadd.remote.s32 $0x1  }
0xc1: {  	_ =	sfence.sel $0xFFFF  }
0xc2: {  	[dreg:$0x0] =	wrdreg $0xFFFFFFFF;
	(pc) =	sbr.abs _section_cstart, $3  }
0xc3: {  	[dreg:$0x1] =	wrdreg $0xFFFFFFFF  }
0xc4: {  	_ =	task.clear_ibuf [dreg:s8], $0x2FFFF;
	_ =	strace $0x9FFFFFFF  }
0xc5: {  	(tm) =	ssettm $0x7FFFFFFF  }
tec
execute0_lowered:
.L_overlay_start_1:
0x0: {  	(tag) =	ssettag $0x1  }
0x1: {  	s12 =	rddreg [dreg:$0x0]  }
0x2: {  	s1 =	rddreg [dreg:$0x1]  }
0x3: {  	s2 =	rddreg [dreg:$0x2]  }
0x4: {  	s4 =	rddreg [dreg:$0x3]  }
0x5: {  	s0 =	rddreg [dreg:$0x4];
	s5 =	simm.s32 $0x0  }
0x6: {  	s3 =	stileid.u32;
	s8 =	srdreg.scid;
	s20 =	simm.s32 $0x80  }
0x7: {  	s21 =	simm.s32 $0x100;
	s22 =	simm.s32 $0x180;
	s23 =	simm.s32 $0x1  }
0x8: {  	s24 =	simm.s32 $0x0;
	[smem:$0x7FF] =	sst s5;
	s13 =	smul.u32 $0x13800, s3  }
0x9: {  	s6 =	sadd.s32 $0xC200, s12;
	s7 =	sadd.s32 $0x2400, s12;
	s8 =	sand.u32 $0x1, s8  }
0xa: {  	s11 =	smul.u32 $0x4E000, s3;
	s15 =	sadd.s32 $0x3D200, s12;
	s30 =	sshll.u32 s3, $0x6  }
0xb: {  	s19 =	sadd.s32 $0x138000, s4;
	p0 =	sne.s32 s3, $0xF;
	_ =	strace $0x80000047  }
0xc: {  	s10 =	ssub.s32 $0x2, s8;
	s17 =	smul.u32 $0x138800, s8;
	s9 =	sshrl.u32 s13, $0x3  }
0xd: {  	s28 =	sshrl.u32 s10, $0x1;
	s29 =	sshrl.u32 s11, $0x2;
	s11 =	sor.u32 $0x1C02, s30  }
0xe: {  	s14 =	sadd.s32 s9, s12;
	s16 =	ssub.s32 s10, s28;
	s9 =	sshll.u32 s3, $0x1  }
.Ltmp0:
0xf: {  	s18 =	sadd.s32 s29, s4;
	s13 =	sadd.s32 s13, s17;
	(pc) =	sbr.rel .LBB2_1-.Ltmp0, $4  }
0x10: {  	s31 =	sshrl.u32 s17, $0x3;
	s12 =	sadd.s32 $0x3D000, s12;
	s17 =	simm.s32 $0x2  }
0x11: {  	s10 =	sadd.s32 $0x16000, s14;
	s13 =	sshrl.u32 s13, $0x3;
	s14 =	sadd.s32 s15, s31  }
0x12: {  	s13 =	sadd.s32 s15, s13;
	s14 =	sadd.s32 $0x27000, s14;
	s15 =	smax.u32 s16, $0x1  }
0x13: {  	s16 =	sshrl.u32 s18, $0x3;
	s18 =	sshrl.u32 @!p0 s19, $0x3;
	s19 =	simm.s32 $0x3  }
.LBB2_7:
0x14: {  	[bflag:$0x0] =	sbarrier.arrive $0xFFFF  }
0x15: {  	[hbm:s13], [sflag:s11] =	dma.local [spmem:s16], $0x2700  }
0x16: {  	s24 =	sadd.s32 $0x1, s24;
	_ =	swait.ge [sflag:s17], $0x2700  }
0x17: {  	p1 =	sne.s32 s24, s15;
	[sflag:s17] =	ssyncset.done $0x0  }
.Ltmp1:
0x18: {  	s25 =	simm.s32 @!p0 $0x2;
	[sflag:s17] =	ssyncadd.s32 $0xFFFFD900;
	(pc) =	sbr.rel @!p1 .LBB2_8-.Ltmp1, $4  }
0x19: {  	[hbm:s14], [sflag:s11] =	dma.local @!p0 [spmem:s18], $0x100  }
0x1a: {  	_ =	swait.ge @!p0 [sflag:s25], $0x100  }
0x1b: {  	[sflag:s25] =	ssyncset.done @!p0 $0x0  }
0x1c: {  	[sflag:s25] =	ssyncadd.s32 @!p0 $0xFFFFFF00  }
.LBB2_1:
0x1d: {  	[spmem:s16], [sflag:s11] =	dma.local [hbm:s10], $0x2700  }
0x1e: {  	_ =	swait.ge [sflag:s17], $0x2700  }
0x1f: {  	[sflag:s17] =	ssyncset.done $0x0  }
0x20: {  	s25 =	simm.s32 @!p0 $0x2;
	[sflag:s17] =	ssyncadd.s32 $0xFFFFD900  }
0x21: {  	[spmem:s18], [sflag:s11] =	dma.local @!p0 [hbm:s12], $0x100  }
.Ltmp2:
0x22: {  	_ =	swait.ge @!p0 [sflag:s25], $0x100;
	(pc) =	sbr.rel .LBB2_2-.Ltmp2, $4  }
0x23: {  	[sflag:s25] =	ssyncset.done @!p0 $0x0  }
0x24: {  	[sflag:s25] =	ssyncadd.s32 @!p0 $0xFFFFFF00  }
0x25: {  	[bflag:$0x0] =	sbarrier.arrive $0xFFFF  }
0x26: {  	s25 =	simm.s32 $0x0  }
.LBB2_6:
0x27: {  	s25 =	sadd.s32 $0x1, s25  }
0x28: {  	p1 =	sne.s32 s25, $0x4F  }
.Ltmp3:
0x29: {  	_ = 	snop;
	(pc) =	sbr.rel @!p1 .LBB2_7-.Ltmp3, $1  }
0x2a: {  	_ =	sdelay $0x3  }
.LBB2_2:
0x2b: {  	s26 =	sshll.u32 s25, $0x5  }
0x2c: {  	s26 =	sor.u32 s9, s26  }
0x2d: {  	p1 =	sgt.u32 s26, $0x9C3  }
.Ltmp4:
0x2e: {  	_ = 	snop;
	(pc) =	sbr.rel @p1 .LBB2_6-.Ltmp4, $1  }
0x2f: {  	_ =	sdelay $0x3  }
0x30: {  	s26 =	sor.u32 s8, s26  }
0x31: {  	s26 =	sshll.u32 s26, $0x4  }
0x32: {  	s29 =	simm.s32 $0x0;
	s28 =	sadd.s32 s6, s26  }
0x33: {  	[tilespmem:s29], [sflag:$0x3] =	stream.linear.gather [hbm4b:s28+s29], $0x80, $0x38;
	[tilespmem:$0x17A00] =	vst v63  }
0x34: {  	_ =	swait.ge [sflag:s19], $0x80  }
0x35: {  	[sflag:s19] =	ssyncset.done $0x0  }
0x36: {  	s28 =	sadd.s32 s7, s26;
	[sflag:s19] =	ssyncadd.s32 $0xFFFFFF80  }
0x37: {  	[tilespmem:s20], [sflag:$0x3] =	stream.linear.gather [hbm4b:s28+s29], $0x80, $0x38;
	[tilespmem:$0x17A00] =	vst v63  }
0x38: {  	_ =	swait.ge [sflag:s19], $0x80  }
0x39: {  	[sflag:s19] =	ssyncset.done $0x0  }
0x3a: {  	s26 =	sadd.s32 s1, s26;
	[sflag:s19] =	ssyncadd.s32 $0xFFFFFF80  }
0x3b: {  	[tilespmem:s21], [sflag:$0x3] =	stream.linear.gather [hbm4b:s26+s29], $0x80, $0x38;
	[tilespmem:$0x17A00] =	vst v63  }
0x3c: {  	v0 =	vmov s29;
	_ =	swait.ge [sflag:s19], $0x80  }
0x3d: {  	v0 =	vand.u32 $0xFFFFFFFE, v0;
	[sflag:s19] =	ssyncset.done $0x0  }
0x3e: {  	v1 =	vbroadcast v0, $0x0;
	[sflag:s19] =	ssyncadd.s32 $0xFFFFFF80  }
0x3f: {  	[tilespmem:s22], [sflag:$0x1] =	stream.indirect.gather [hbm4b:s2+s20], $0x80, s20, s20, $0xb8;
	[tilespmem:$0x17A00] =	vst v63  }
0x40: {  	_ =	swait.ge [sflag:s23], $0x4000  }
0x41: {  	[sflag:s23] =	ssyncset.done $0x0  }
0x42: {  	s26 =	simm.s32 $0x200;
	[sflag:s23] =	ssyncadd.s32 $0xFFFFC000  }
0x43: {  	v4 =	vld [tilespmem:s26+$0xFFFFFFF0]  }
0x44: {  	v5 =	vld.idx.msk [tilespmem:v1+s21+$0x0], $0xffff  }
0x45: {  	v6 =	vld [tilespmem:s26+$0xFFFFFF80]  }
0x46: {  	v7 =	vld [tilespmem:s26+$0xFFFFFFA0]  }
0x47: {  	v3 =	vld [tilespmem:s26+$0xFFFFFFB0]  }
0x48: {  	v2 =	vld [tilespmem:s26+$0xFFFFFFD0]  }
0x49: {  	v9 =	vld [tilespmem:s26+$0xFFFFFF90];
	v4 =	vmul.f32 v4, v5  }
0x4a: {  	v8 =	vld [tilespmem:s26+$0xFFFFFFE0];
	v6 =	vmul.f32 v6, v5  }
0x4b: {  	v10 =	vld [tilespmem:s26+$0xFFFFFFC0];
	v7 =	vmul.f32 v7, v5;
	[tilespmem:s26+$0xFFFFFFF0] =	vst v4  }
0x4c: {  	v3 =	vmul.f32 v3, v5;
	[tilespmem:s26+$0xFFFFFF80] =	vst v6  }
0x4d: {  	s28 =	simm.s32 $0x1;
	v2 =	vmul.f32 v2, v5;
	[tilespmem:s26+$0xFFFFFFA0] =	vst v7  }
0x4e: {  	v4 =	vmul.f32 v9, v5;
	[tilespmem:s26+$0xFFFFFFB0] =	vst v3;
	v6 =	vmov s28  }
0x4f: {  	v0 =	vld [tilespmem:s26+$0x0];
	v3 =	vmul.f32 v8, v5;
	[tilespmem:s26+$0xFFFFFFD0] =	vst v2  }
0x50: {  	v1 =	vld [tilespmem:s26+$0x10];
	v2 =	vmul.f32 v10, v5;
	[tilespmem:s26+$0xFFFFFF90] =	vst v4  }
0x51: {  	[tilespmem:s26+$0xFFFFFFE0] =	vst v3;
	v4 =	vld [tilespmem:s26+$0x30]  }
0x52: {  	[tilespmem:s26+$0xFFFFFFC0] =	vst v2;
	v3 =	vld [tilespmem:s26+$0x70]  }
0x53: {  	s29 =	simm.s32 $0x200;
	s28 =	simm.s32 $0x2;
	v2 =	vld.idx.msk [tilespmem:v6+s21+$0x0], $0xffff  }
.LBB2_4:
0x54: {  	p1 =	slt.u32 s28, $0x7E  }
0x55: {  	v5 =	vld [tilespmem:s26+$0x20];
	s29 =	sadd.s32 $0x100, s29;
	s30 =	smov.u32 s28;
	s28 =	sadd.s32 $0x2, s28  }
0x56: {  	v6 =	vld [tilespmem:s26+$0x40]  }
0x57: {  	v7 =	vld [tilespmem:s26+$0x50]  }
0x58: {  	v8 =	vld [tilespmem:s26+$0x60];
	_ =	sdelay $0x1  }
0x59: {  	v0 =	vmul.f32 v0, v2;
	v1 =	vmul.f32 v1, v2  }
0x5a: {  	v4 =	vmul.f32 v4, v2;
	v5 =	vmul.f32 v5, v2  }
0x5b: {  	v9 =	vmov s30;
	v6 =	vmul.f32 v6, v2;
	[tilespmem:s26+$0x0] =	vst v0;
	v7 =	vmul.f32 v7, v2  }
0x5c: {  	v9 =	vand.u32 $0xFFFFFFFE, v9;
	v0 =	vld [tilespmem:s29+$0x0];
	[tilespmem:s26+$0x30] =	vst v4;
	v4 =	vmul.f32 v8, v2;
	v2 =	vmul.f32 v3, v2  }
0x5d: {  	v3 =	vbroadcast v9, $0x0;
	[tilespmem:s26+$0x10] =	vst v1  }
0x5e: {  	[tilespmem:s26+$0x70] =	vst v2  }
0x5f: {  	v2 =	vld [tilespmem:s29+$0xFFFFFFD0];
	[tilespmem:s26+$0x20] =	vst v5  }
0x60: {  	v5 =	vld [tilespmem:s29+$0xFFFFFFB0];
	[tilespmem:s26+$0x60] =	vst v4  }
0x61: {  	v4 =	vld [tilespmem:s29+$0xFFFFFFE0];
	[tilespmem:s26+$0x40] =	vst v6  }
0x62: {  	v6 =	vld [tilespmem:s29+$0xFFFFFFF0];
	[tilespmem:s26+$0x50] =	vst v7;
	s26 =	smov.u32 s29  }
0x63: {  	v3 =	vld.idx.msk [tilespmem:v3+s21+$0x0], $0xffff  }
0x64: {  	v7 =	vld [tilespmem:s29+$0xFFFFFF80]  }
0x65: {  	v8 =	vld [tilespmem:s29+$0xFFFFFFA0]  }
0x66: {  	v9 =	vld [tilespmem:s29+$0xFFFFFF90]  }
0x67: {  	v10 =	vld [tilespmem:s29+$0xFFFFFFC0]  }
0x68: {  	v1 =	vld [tilespmem:s29+$0x10]  }
0x69: {  	v6 =	vmul.f32 v6, v3;
	v7 =	vmul.f32 v7, v3  }
0x6a: {  	v4 =	vmul.f32 v4, v3;
	v8 =	vmul.f32 v8, v3  }
0x6b: {  	v5 =	vmul.f32 v5, v3;
	v9 =	vmul.f32 v9, v3;
	[tilespmem:s29+$0xFFFFFFF0] =	vst v6  }
0x6c: {  	v2 =	vmul.f32 v2, v3;
	[tilespmem:s29+$0xFFFFFF80] =	vst v7;
	v6 =	vmul.f32 v10, v3  }
0x6d: {  	s30 =	sadd.s32 $0x1, s30;
	[tilespmem:s29+$0xFFFFFFA0] =	vst v8  }
0x6e: {  	[tilespmem:s29+$0xFFFFFFB0] =	vst v5;
	v5 =	vmov s30  }
.Ltmp5:
0x6f: {  	[tilespmem:s29+$0xFFFFFFD0] =	vst v2;
	(pc) =	sbr.rel @p1 .LBB2_4-.Ltmp5, $4  }
0x70: {  	[tilespmem:s29+$0xFFFFFF90] =	vst v9  }
0x71: {  	[tilespmem:s29+$0xFFFFFFE0] =	vst v4;
	v4 =	vld [tilespmem:s29+$0x30]  }
0x72: {  	[tilespmem:s29+$0xFFFFFFC0] =	vst v6;
	v3 =	vld [tilespmem:s29+$0x70]  }
0x73: {  	v2 =	vld.idx.msk [tilespmem:v5+s21+$0x0], $0xffff  }
0x74: {  	_ =	sdelay $0x2  }
0x75: {  	v5 =	vld [tilespmem:s26+$0x20]  }
0x76: {  	v6 =	vld [tilespmem:s26+$0x60];
	v0 =	vmul.f32 v0, v2  }
0x77: {  	v7 =	vld [tilespmem:s26+$0x40];
	v4 =	vmul.f32 v4, v2  }
0x78: {  	v8 =	vld [tilespmem:s26+$0x50];
	v1 =	vmul.f32 v1, v2;
	[tilespmem:s26+$0x0] =	vst v0  }
0x79: {  	v59 =	vmul.f32 v3, v2;
	[tilespmem:s26+$0x30] =	vst v4  }
0x7a: {  	v60 =	vmul.f32 v5, v2;
	[tilespmem:s26+$0x10] =	vst v1  }
0x7b: {  	v61 =	vmul.f32 v6, v2;
	[tilespmem:s26+$0x70] =	vst v59  }
0x7c: {  	v62 =	vmul.f32 v7, v2;
	[tilespmem:s26+$0x20] =	vst v60  }
0x7d: {  	v63 =	vmul.f32 v8, v2;
	[tilespmem:s26+$0x60] =	vst v61  }
0x7e: {  	[tilespmem:s26+$0x40] =	vst v62  }
.Ltmp6:
0x7f: {  	[tilespmem:s26+$0x50] =	vst v63;
	(pc) =	sbr.rel .LBB2_6-.Ltmp6, $4  }
0x80: {  	[spmem:s4] =	stream.indirect.scatter.add.f32 [tilespmem:s22], [sflag:$0x2], $0x80, s5, s20, $0xb8;
	[tilespmem:$0x17A00] =	vst v63  }
0x81: {  	_ =	swait.ge [sflag:s17], $0x4000  }
0x82: {  	[sflag:s17] =	ssyncset.done $0x0  }
0x83: {  	[sflag:s17] =	ssyncadd.s32 $0xFFFFC000  }
.LBB2_8:
0x84: {  	_ =	sfence.sel $0x180000  }
0x85: {  	[bflag:$0x0] =	sbarrier.arrive $0xFFFF  }
0x86: {  	p0 =	sne.s32 s3, $0x0;
	_ =	strace $0x90000047  }
0x87: {  	s0 =	sadd.s32 @!p0 $0x100000, s0;
	[bflag:$0x2] =	sbarrier.arrive $0xFFFF  }
0x88: {  	[sflag:s0] =	ssyncadd.tile.s32 @!p0 $0x1;
	_ =	shalt  }
.Lfunc_end2:
_tile_overlayer_lowered:
.L_overlay_start_2:
0x89: {  	(tag) =	ssettag $0x2  }
0x8a: {  	s0 =	rddreg [dreg:$0x0];
	s2 =	stileid.u32  }
0x8b: {  	s1 =	rddreg [dreg:$0x1];
	p0 =	sne.s32 s2, $0x0  }
0x8c: {  	s3 =	rddreg [dreg:$0x2];
	[bflag:$0x3] =	sbarrier.arrive $0xFFFF;
	s2 =	simm.s32 @!p0 $0x1C02  }
0x8d: {  	[timem:s3], [sflag:s2] =	dma.local @!p0 [hbm:s0], s1  }
0x8e: {  	s0 =	simm.s32 @!p0 $0x2  }
0x8f: {  	_ =	swait.ge @!p0 [sflag:s0], s1  }
0x90: {  	s1 =	ssub.s32 @!p0 $0x0, s1;
	[sflag:s0] =	ssyncset.done @!p0 $0x0  }
0x91: {  	[sflag:s0] =	ssyncadd.s32 @!p0 s1  }
0x92: {  	[bflag:$0x3] =	sbarrier.arrive $0xFFFF  }
0x93: {  	_ =	shalt  }

// kernel: kernel.13.cloned.1.call-start
scs
__scs_entry_jumppad:
0x0: {  	(pc) =	sbr.rel $0x88, $3  }
0x1: {  	(tag) =	ssettag $0x0;
	lr =	simm.s32 $0x1  }
0x2: {  	[smem:$0x3F9B] =	sst lr;
	_ =	strace $0xD0000000  }
0x3: {  	_ = 	snop  }
0x4: {  	_ = 	snop  }
0x5: {  	_ = 	snop  }
0x6: {  	_ = 	snop  }
0x7: {  	_ = 	snop  }
__scs_overlays_trampoline_lowered:
0x8: {  	[smem:$0x3FAA] =	sst s0  }
0x9: {  	[smem:$0x3FAB] =	sst s1  }
0xa: {  	[smem:$0x3FAC] =	sst s2  }
0xb: {  	[smem:$0x3FAD] =	sst s3  }
0xc: {  	[smem:$0x3FAE] =	sst s4  }
0xd: {  	[smem:$0x3FAF] =	sst s5  }
0xe: {  	[smem:$0x3FB0] =	sst s6  }
0xf: {  	[smem:$0x3FB1] =	sst s7  }
0x10: {  	[smem:$0x3FB2] =	sst s8  }
0x11: {  	[smem:$0x3FB3] =	sst s9;
	s0 =	simm.s32 @!p0 $0x0  }
0x12: {  	s1 =	sld [smem:$0x3F99];
	s0 =	simm.s32 @p0 $0x1  }
0x13: {  	[smem:$0x3FB4] =	sst s0;
	s0 =	simm.s32 @!p1 $0x0  }
0x14: {  	s2 =	sld [smem:$0x3F98];
	s0 =	simm.s32 @p1 $0x1  }
0x15: {  	[smem:$0x3FB5] =	sst s0;
	s0 =	simm.s32 @!p2 $0x0  }
0x16: {  	s3 =	sld [smem:$0x3FDB];
	s0 =	simm.s32 @p2 $0x1  }
0x17: {  	s4 =	simm.s32 $0x1BF5;
	[smem:$0x3FB7] =	sst s0  }
0x18: {  	s0 =	sld [smem:$0x3F9A];
	_ =	swait.ge [sflag:s4], $0x0  }
0x19: {  	s7 =	sld [smem:$0x3F9B]  }
0x1a: {  	s8 =	sadd.s32 $0xFFFFE003, lr  }
0x1b: {  	s9 =	sadd.s32 $0xFFFFFEF7, lr;
	s5 =	simm.s32 $0xFFFFFFFF;
	p2 =	slt.u32 s8, $0xFFFFF086  }
0x1c: {  	p1 =	slt.u32 s9, $0xF7A;
	s5 =	simm.s32 @!p2 $0x0  }
0x1d: {  	s5 =	simm.s32 @p1 $0x1;
	p0 =	seq.s32 s7, s2  }
0x1e: {  	s7 =	smul.u32 @!p0 $0xF7A, s2;
	p2 =	seq.s32 @!p0 s5, $0x0  }
0x1f: {  	s9 =	smul.u32 $0xF7A, s1;
	s8 =	simm.s32 @!p0 $0x1BF5;
	p2 =	por !p2, p0  }
0x20: {  	[sflag:s8] =	ssyncset.s32 @!p0 $0xFFFFF086;
	s6 =	sadd.s32 @!p0 s3, s7;
	s7 =	simm.s32 @!p0 $0x108  }
0x21: {  	s3 =	sadd.s32 s3, s9;
	s6 =	sadd.s32 @!p0 $0x88, s6;
	s7 =	simm.s32 @p2 $0x1082  }
0x22: {  	[simem:s7], [sflag:s8] =	dma.local @!p0 [hbm:s6], $0xF7A  }
0x23: {  	s9 =	sor.u32 $0xD0000000, s2;
	s6 =	simm.s32 $0x108;
	_ =	swait.ge @!p0 [sflag:s8], $0x0  }
0x24: {  	s3 =	sadd.s32 $0x88, s3;
	s6 =	simm.s32 @!p1 $0x1082;
	[sflag:s4] =	ssyncset.s32 $0xFFFFF086  }
0x25: {  	[simem:s6], [sflag:s4] =	dma.local [hbm:s3], $0xF7A  }
0x26: {  	[smem:$0x3F9B] =	sst s1;
	(tag) =	ssettag s2;
	_ =	strace s9  }
0x27: {  	s1 =	sld [smem:$0x3FAB]  }
0x28: {  	s2 =	sld [smem:$0x3FAC]  }
0x29: {  	s4 =	sld [smem:$0x3FAE]  }
0x2a: {  	p0 =	seq.s32 s5, $0x0;
	s5 =	sld [smem:$0x3FAF]  }
0x2b: {  	s6 =	sld [smem:$0x3FB0]  }
0x2c: {  	s7 =	sld [smem:$0x3FB1]  }
0x2d: {  	s3 =	simm.s32 $0x108;
	s8 =	sld [smem:$0x3FB2]  }
0x2e: {  	s3 =	simm.s32 @!p0 $0x1082;
	s9 =	sld [smem:$0x3FB3]  }
0x2f: {  	lr =	sadd.s32 s0, s3;
	s0 =	sld [smem:$0x3FAA]  }
0x30: {  	s3 =	sld [smem:$0x3FAD]  }
0x31: {  	[smem:$0x3FB6] =	sst s10  }
0x32: {  	s10 =	sld [smem:$0x3FB4];
	_ =	sdelay $0x3  }
0x33: {  	p0 =	seq.s32 s10, $0x1;
	s10 =	sld [smem:$0x3FB6];
	_ =	sdelay $0x3  }
0x34: {  	[smem:$0x3FB6] =	sst s10  }
0x35: {  	s10 =	sld [smem:$0x3FB5];
	_ =	sdelay $0x3  }
0x36: {  	p1 =	seq.s32 s10, $0x1;
	s10 =	sld [smem:$0x3FB6];
	_ =	sdelay $0x3  }
0x37: {  	[smem:$0x3FB6] =	sst s10  }
0x38: {  	s10 =	sld [smem:$0x3FB7]  }
0x39: {  	_ = 	snop;
	(pc) =	sbr.ind lr, $3  }
0x3a: {  	_ = 	snop  }
0x3b: {  	_ = 	snop  }
0x3c: {  	p2 =	seq.s32 s10, $0x1;
	s10 =	sld [smem:$0x3FB6]  }
0x3d: {  	_ =	shalt  }
0x3e: {  	_ =	shalt  }
0x3f: {  	_ =	shalt  }
0x40: {  	_ =	shalt  }
0x41: {  	_ =	shalt  }
0x42: {  	_ =	shalt  }
0x43: {  	_ =	shalt  }
0x44: {  	_ =	shalt  }
0x45: {  	_ =	shalt  }
0x46: {  	_ =	shalt  }
0x47: {  	_ =	shalt  }
0x48: {  	_ =	shalt  }
0x49: {  	_ =	shalt  }
0x4a: {  	_ =	shalt  }
0x4b: {  	_ =	shalt  }
0x4c: {  	_ =	shalt  }
0x4d: {  	_ =	shalt  }
0x4e: {  	_ =	shalt  }
0x4f: {  	_ =	shalt  }
0x50: {  	_ =	shalt  }
0x51: {  	_ =	shalt  }
0x52: {  	_ =	shalt  }
0x53: {  	_ =	shalt  }
0x54: {  	_ =	shalt  }
0x55: {  	_ =	shalt  }
0x56: {  	_ =	shalt  }
0x57: {  	_ =	shalt  }
0x58: {  	_ =	shalt  }
0x59: {  	_ =	shalt  }
0x5a: {  	_ =	shalt  }
0x5b: {  	_ =	shalt  }
0x5c: {  	_ =	shalt  }
0x5d: {  	_ =	shalt  }
0x5e: {  	_ =	shalt  }
0x5f: {  	_ =	shalt  }
0x60: {  	_ =	shalt  }
0x61: {  	_ =	shalt  }
0x62: {  	_ =	shalt  }
0x63: {  	_ =	shalt  }
0x64: {  	_ =	shalt  }
0x65: {  	_ =	shalt  }
0x66: {  	_ =	shalt  }
0x67: {  	_ =	shalt  }
0x68: {  	_ =	shalt  }
0x69: {  	_ =	shalt  }
0x6a: {  	_ =	shalt  }
0x6b: {  	_ =	shalt  }
0x6c: {  	_ =	shalt  }
0x6d: {  	_ =	shalt  }
0x6e: {  	_ =	shalt  }
0x6f: {  	_ =	shalt  }
0x70: {  	_ =	shalt  }
0x71: {  	_ =	shalt  }
0x72: {  	_ =	shalt  }
0x73: {  	_ =	shalt  }
0x74: {  	_ =	shalt  }
0x75: {  	_ =	shalt  }
0x76: {  	_ =	shalt  }
0x77: {  	_ =	shalt  }
0x78: {  	_ =	shalt  }
0x79: {  	_ =	shalt  }
0x7a: {  	_ =	shalt  }
0x7b: {  	_ =	shalt  }
0x7c: {  	_ =	shalt  }
0x7d: {  	_ =	shalt  }
0x7e: {  	_ =	shalt  }
0x7f: {  	_ =	shalt  }
0x80: {  	_ =	shalt  }
0x81: {  	_ =	shalt  }
0x82: {  	_ =	shalt  }
0x83: {  	_ =	shalt  }
0x84: {  	_ =	shalt  }
0x85: {  	_ =	shalt  }
0x86: {  	_ =	shalt  }
0x87: {  	_ =	shalt  }
.Lfunc_end0:
.L_simem_size_0:
called_computation.1_lowered:
.L_overlay_start_0:
0x88: {  	s2 =	sld [smem:$0x3FD9]  }
0x89: {  	s3 =	sld [smem:$0x3FFE];
	_ =	sdelay $0x1  }
0x8a: {  	s1 =	srdreg.scid  }
0x8b: {  	s0 =	sand.u32 $0x1, s1  }
0x8c: {  	s17 =	sshll.u32 s0, $0xA;
	s2 =	sadd.s32 s3, s2  }
0x8d: {  	s2 =	sadd.s32 s2, s17  }
0x8e: {  	[smem:$0x3FC2] =	sst s2  }
0x8f: {  	_ = 	snop  }
0x90: {  	s2 =	sld [smem:$0x3FC5];
	(tm) =	ssettm $0x1  }
0x91: {  	s18 =	sld [smem:$0x3FFB];
	_ =	sdelay $0x3  }
0x92: {  	_ =	strace s18  }
0x93: {  	s3 =	sld [smem:$0x3FFC];
	_ =	sdelay $0x3  }
0x94: {  	_ =	strace s3  }
0x95: {  	s3 =	sld [smem:$0x3FFD];
	_ =	sdelay $0x3  }
0x96: {  	_ =	strace s3  }
0x97: {  	_ =	strace $0x8FFFFFFF  }
0x98: {  	s19 =	sld [smem:$0x3FDB];
	_ =	sdelay $0x1  }
0x99: {  	s4 =	simm.s32 $_scs_section_size  }
0x9a: {  	s5 =	simm.s32 $_size__tile_overlayer_lowered;
	s6 =	simm.s32 $_tile_overlayer_lowered  }
0x9b: {  	s22 =	simm.s32 $0x1BFF;
	s21 =	sshll.u32 s6, $0x1;
	s3 =	sadd.s32 s4, s19  }
0x9c: {  	s7 =	simm.s32 $0x0;
	s20 =	sshll.u32 s5, $0x1;
	s5 =	sadd.s32 s21, s3  }
0x9d: {  	[timem:s7], [sflag:s22] =	dma.local [hbm:s5], s20  }
0x9e: {  	_ =	swait.ge [sflag:s22], s20  }
0x9f: {  	s4 =	ssub.s32 $0x0, s20;
	[sflag:s22] =	ssyncset.done $0x0  }
0xa0: {  	[sflag:s22] =	ssyncadd.s32 s4;
	_ =	sdelay $0x1  }
0xa1: {  	s23 =	simm.s32 $0x1B8B  }
0xa2: {  	_ =	swait.ge [sflag:s23], $0x1  }
0xa3: {  	[sflag:s23] =	ssyncset.done $0x0  }
0xa4: {  	s25 =	simm.s32 $0x1B8E;
	s24 =	sld [smem:$0x3FFE];
	[sflag:s23] =	ssyncadd.s32 $0xFFFFFFFF  }
0xa5: {  	s26 =	simm.s32 $execute0_lowered;
	[smem:$0x3FD2] =	sst s25  }
0xa6: {  	s5 =	sshll.u32 s26, $0x1;
	_ =	strace $0x80000049;
	[dreg:$0x1] =	wrdreg $0xFFFFFFFF  }
0xa7: {  	s28 =	simm.s32 $_size_execute0_lowered;
	s3 =	sadd.s32 s3, s5;
	[dreg:$0x0] =	wrdreg $0x0  }
0xa8: {  	s5 =	sshll.u32 s28, $0x1;
	[dreg:$0x2] =	wrdreg s3  }
0xa9: {  	[dreg:$0x3] =	wrdreg s5  }
0xaa: {  	[dreg:$0x4] =	wrdreg $0xC0  }
0xab: {  	_ =	task [dreg:s7], $0x5FFFF  }
0xac: {  	[dreg:$0x1] =	wrdreg $0xFFFFFFFF  }
0xad: {  	[dreg:$0x0] =	wrdreg $0x60  }
0xae: {  	[dreg:$0x2] =	wrdreg s24  }
0xaf: {  	[dreg:$0x3] =	wrdreg s2  }
0xb0: {  	[dreg:$0x4] =	wrdreg $0x41800  }
0xb1: {  	[dreg:$0x5] =	wrdreg $0x9  }
0xb2: {  	_ =	task.clear_ibuf [dreg:s7], $0x6FFFF;
	_ =	strace $0x90000049  }
0xb3: {  	s29 =	simm.s32 $0x9;
	_ =	strace $0x8000004B  }
0xb4: {  	_ =	swait.ge [sflag:s29], $0x1  }
0xb5: {  	[sflag:s29] =	ssyncadd.s32 $0xFFFFFFFF  }
0xb6: {  	_ =	strace $0x9000004B  }
0xb7: {  	_ =	sfence  }
0xb8: {  	s30 =	sld [smem:$0x0];
	_ =	sdelay $0x2  }
0xb9: {  	s31 =	sshll.u32 s1, $0xD;
	s1 =	sshrl.u32 s1, $0x2  }
0xba: {  	s3 =	sand.u32 $0x4000, s31;
	s1 =	sadd.s32 s1, s30  }
0xbb: {  	s0 =	sor.u32 s3, s0;
	s1 =	sshll.u32 s1, $0x11  }
0xbc: {  	s0 =	sor.u32 s1, s0  }
0xbd: {  	s0 =	sadd.s32 $0x8F2B, s0  }
0xbe: {  	[sflag:s0] =	ssyncadd.remote.s32 $0x1  }
0xbf: {  	_ =	sfence.sel $0xFFFF  }
0xc0: {  	[dreg:$0x0] =	wrdreg $0xFFFFFFFF;
	(pc) =	sbr.abs _section_cstart, $3  }
0xc1: {  	[dreg:$0x1] =	wrdreg $0xFFFFFFFF  }
0xc2: {  	_ =	task.clear_ibuf [dreg:s7], $0x2FFFF;
	_ =	strace $0x9FFFFFFF  }
0xc3: {  	(tm) =	ssettm $0x7FFFFFFF  }
tec
execute0_lowered:
.L_overlay_start_1:
0x0: {  	(tag) =	ssettag $0x1  }
0x1: {  	s12 =	rddreg [dreg:$0x0]  }
0x2: {  	s1 =	rddreg [dreg:$0x1]  }
0x3: {  	s2 =	rddreg [dreg:$0x2]  }
0x4: {  	s0 =	rddreg [dreg:$0x3];
	s4 =	simm.s32 $0x0;
	s3 =	stileid.u32  }
0x5: {  	s8 =	srdreg.scid;
	s20 =	simm.s32 $0x80;
	s21 =	simm.s32 $0x100  }
0x6: {  	s22 =	simm.s32 $0x180;
	s23 =	simm.s32 $0x1;
	s24 =	simm.s32 $0x0  }
0x7: {  	[smem:$0x7FF] =	sst s4;
	s5 =	sadd.s32 $0xC200, s12;
	s13 =	smul.u32 $0x13800, s3  }
0x8: {  	s6 =	sadd.s32 $0x2400, s12;
	s7 =	sadd.s32 $0x3D200, s12;
	s8 =	sand.u32 $0x1, s8  }
0x9: {  	s11 =	smul.u32 $0x4E000, s3;
	s15 =	sadd.s32 $0x64400, s12;
	s30 =	sshll.u32 s3, $0x6  }
0xa: {  	s19 =	sadd.s32 $0x138000, s2;
	p0 =	sne.s32 s3, $0xF;
	_ =	strace $0x8000004A  }
0xb: {  	s10 =	ssub.s32 $0x2, s8;
	s17 =	smul.u32 $0x138800, s8;
	s9 =	sshrl.u32 s13, $0x3  }
0xc: {  	s28 =	sshrl.u32 s10, $0x1;
	s29 =	sshrl.u32 s11, $0x2;
	s11 =	sor.u32 $0x1C02, s30  }
0xd: {  	s14 =	sadd.s32 s9, s12;
	s16 =	ssub.s32 s10, s28;
	s9 =	sshll.u32 s3, $0x1  }
.Ltmp0:
0xe: {  	s18 =	sadd.s32 s29, s2;
	s13 =	sadd.s32 s13, s17;
	(pc) =	sbr.rel .LBB2_1-.Ltmp0, $4  }
0xf: {  	s31 =	sshrl.u32 s17, $0x3;
	s12 =	sadd.s32 $0x3D000, s12;
	s17 =	simm.s32 $0x2  }
0x10: {  	s10 =	sadd.s32 $0x16000, s14;
	s13 =	sshrl.u32 s13, $0x3;
	s14 =	sadd.s32 s15, s31  }
0x11: {  	s13 =	sadd.s32 s15, s13;
	s14 =	sadd.s32 $0x27000, s14;
	s15 =	smax.u32 s16, $0x1  }
0x12: {  	s16 =	sshrl.u32 s18, $0x3;
	s18 =	sshrl.u32 @!p0 s19, $0x3;
	s19 =	simm.s32 $0x3  }
.LBB2_7:
0x13: {  	[bflag:$0x0] =	sbarrier.arrive $0xFFFF  }
0x14: {  	[hbm:s13], [sflag:s11] =	dma.local [spmem:s16], $0x2700  }
0x15: {  	s24 =	sadd.s32 $0x1, s24;
	_ =	swait.ge [sflag:s17], $0x2700  }
0x16: {  	p1 =	sne.s32 s24, s15;
	[sflag:s17] =	ssyncset.done $0x0  }
.Ltmp1:
0x17: {  	s25 =	simm.s32 @!p0 $0x2;
	[sflag:s17] =	ssyncadd.s32 $0xFFFFD900;
	(pc) =	sbr.rel @!p1 .LBB2_8-.Ltmp1, $4  }
0x18: {  	[hbm:s14], [sflag:s11] =	dma.local @!p0 [spmem:s18], $0x100  }
0x19: {  	_ =	swait.ge @!p0 [sflag:s25], $0x100  }
0x1a: {  	[sflag:s25] =	ssyncset.done @!p0 $0x0  }
0x1b: {  	[sflag:s25] =	ssyncadd.s32 @!p0 $0xFFFFFF00  }
.LBB2_1:
0x1c: {  	[spmem:s16], [sflag:s11] =	dma.local [hbm:s10], $0x2700  }
0x1d: {  	_ =	swait.ge [sflag:s17], $0x2700  }
0x1e: {  	[sflag:s17] =	ssyncset.done $0x0  }
0x1f: {  	s25 =	simm.s32 @!p0 $0x2;
	[sflag:s17] =	ssyncadd.s32 $0xFFFFD900  }
0x20: {  	[spmem:s18], [sflag:s11] =	dma.local @!p0 [hbm:s12], $0x100  }
.Ltmp2:
0x21: {  	_ =	swait.ge @!p0 [sflag:s25], $0x100;
	(pc) =	sbr.rel .LBB2_2-.Ltmp2, $4  }
0x22: {  	[sflag:s25] =	ssyncset.done @!p0 $0x0  }
0x23: {  	[sflag:s25] =	ssyncadd.s32 @!p0 $0xFFFFFF00  }
0x24: {  	[bflag:$0x0] =	sbarrier.arrive $0xFFFF  }
0x25: {  	s25 =	simm.s32 $0x0  }
.LBB2_6:
0x26: {  	s25 =	sadd.s32 $0x1, s25  }
0x27: {  	p1 =	sne.s32 s25, $0x4F  }
.Ltmp3:
0x28: {  	_ = 	snop;
	(pc) =	sbr.rel @!p1 .LBB2_7-.Ltmp3, $1  }
0x29: {  	_ =	sdelay $0x3  }
.LBB2_2:
0x2a: {  	s26 =	sshll.u32 s25, $0x5  }
0x2b: {  	s26 =	sor.u32 s9, s26  }
0x2c: {  	p1 =	sgt.u32 s26, $0x9C3  }
.Ltmp4:
0x2d: {  	_ = 	snop;
	(pc) =	sbr.rel @p1 .LBB2_6-.Ltmp4, $1  }
0x2e: {  	_ =	sdelay $0x3  }
0x2f: {  	s26 =	sor.u32 s8, s26  }
0x30: {  	s26 =	sshll.u32 s26, $0x4  }
0x31: {  	s29 =	simm.s32 $0x0;
	s28 =	sadd.s32 s5, s26  }
0x32: {  	[tilespmem:s29], [sflag:$0x3] =	stream.linear.gather [hbm4b:s28+s29], $0x80, $0x38;
	[tilespmem:$0x17A00] =	vst v63  }
0x33: {  	_ =	swait.ge [sflag:s19], $0x80  }
0x34: {  	[sflag:s19] =	ssyncset.done $0x0  }
0x35: {  	s28 =	sadd.s32 s6, s26;
	[sflag:s19] =	ssyncadd.s32 $0xFFFFFF80  }
0x36: {  	[tilespmem:s20], [sflag:$0x3] =	stream.linear.gather [hbm4b:s28+s29], $0x80, $0x38;
	[tilespmem:$0x17A00] =	vst v63  }
0x37: {  	_ =	swait.ge [sflag:s19], $0x80  }
0x38: {  	[sflag:s19] =	ssyncset.done $0x0  }
0x39: {  	s26 =	sadd.s32 s1, s26;
	[sflag:s19] =	ssyncadd.s32 $0xFFFFFF80  }
0x3a: {  	[tilespmem:s21], [sflag:$0x3] =	stream.linear.gather [hbm4b:s26+s29], $0x80, $0x38;
	[tilespmem:$0x17A00] =	vst v63  }
0x3b: {  	v0 =	vmov s29;
	_ =	swait.ge [sflag:s19], $0x80  }
0x3c: {  	v0 =	vand.u32 $0xFFFFFFFE, v0;
	[sflag:s19] =	ssyncset.done $0x0  }
0x3d: {  	v1 =	vbroadcast v0, $0x0;
	[sflag:s19] =	ssyncadd.s32 $0xFFFFFF80  }
0x3e: {  	[tilespmem:s22], [sflag:$0x1] =	stream.indirect.gather [hbm4b:s7+s20], $0x80, s20, s20, $0xb8;
	[tilespmem:$0x17A00] =	vst v63  }
0x3f: {  	_ =	swait.ge [sflag:s23], $0x4000  }
0x40: {  	[sflag:s23] =	ssyncset.done $0x0  }
0x41: {  	s26 =	simm.s32 $0x200;
	[sflag:s23] =	ssyncadd.s32 $0xFFFFC000  }
0x42: {  	v4 =	vld [tilespmem:s26+$0xFFFFFFF0]  }
0x43: {  	v5 =	vld.idx.msk [tilespmem:v1+s21+$0x0], $0xffff  }
0x44: {  	v6 =	vld [tilespmem:s26+$0xFFFFFF80]  }
0x45: {  	v7 =	vld [tilespmem:s26+$0xFFFFFFA0]  }
0x46: {  	v3 =	vld [tilespmem:s26+$0xFFFFFFB0]  }
0x47: {  	v2 =	vld [tilespmem:s26+$0xFFFFFFD0]  }
0x48: {  	v9 =	vld [tilespmem:s26+$0xFFFFFF90];
	v4 =	vmul.f32 v4, v5  }
0x49: {  	v8 =	vld [tilespmem:s26+$0xFFFFFFE0];
	v6 =	vmul.f32 v6, v5  }
0x4a: {  	v10 =	vld [tilespmem:s26+$0xFFFFFFC0];
	v7 =	vmul.f32 v7, v5;
	[tilespmem:s26+$0xFFFFFFF0] =	vst v4  }
0x4b: {  	v3 =	vmul.f32 v3, v5;
	[tilespmem:s26+$0xFFFFFF80] =	vst v6  }
0x4c: {  	s28 =	simm.s32 $0x1;
	v2 =	vmul.f32 v2, v5;
	[tilespmem:s26+$0xFFFFFFA0] =	vst v7  }
0x4d: {  	v4 =	vmul.f32 v9, v5;
	[tilespmem:s26+$0xFFFFFFB0] =	vst v3;
	v6 =	vmov s28  }
0x4e: {  	v0 =	vld [tilespmem:s26+$0x0];
	v3 =	vmul.f32 v8, v5;
	[tilespmem:s26+$0xFFFFFFD0] =	vst v2  }
0x4f: {  	v1 =	vld [tilespmem:s26+$0x10];
	v2 =	vmul.f32 v10, v5;
	[tilespmem:s26+$0xFFFFFF90] =	vst v4  }
0x50: {  	[tilespmem:s26+$0xFFFFFFE0] =	vst v3;
	v4 =	vld [tilespmem:s26+$0x30]  }
0x51: {  	[tilespmem:s26+$0xFFFFFFC0] =	vst v2;
	v3 =	vld [tilespmem:s26+$0x70]  }
0x52: {  	s29 =	simm.s32 $0x200;
	s28 =	simm.s32 $0x2;
	v2 =	vld.idx.msk [tilespmem:v6+s21+$0x0], $0xffff  }
.LBB2_4:
0x53: {  	p1 =	slt.u32 s28, $0x7E  }
0x54: {  	v5 =	vld [tilespmem:s26+$0x20];
	s29 =	sadd.s32 $0x100, s29;
	s30 =	smov.u32 s28;
	s28 =	sadd.s32 $0x2, s28  }
0x55: {  	v6 =	vld [tilespmem:s26+$0x40]  }
0x56: {  	v7 =	vld [tilespmem:s26+$0x50]  }
0x57: {  	v8 =	vld [tilespmem:s26+$0x60];
	_ =	sdelay $0x1  }
0x58: {  	v0 =	vmul.f32 v0, v2;
	v1 =	vmul.f32 v1, v2  }
0x59: {  	v4 =	vmul.f32 v4, v2;
	v5 =	vmul.f32 v5, v2  }
0x5a: {  	v9 =	vmov s30;
	v6 =	vmul.f32 v6, v2;
	[tilespmem:s26+$0x0] =	vst v0;
	v7 =	vmul.f32 v7, v2  }
0x5b: {  	v9 =	vand.u32 $0xFFFFFFFE, v9;
	v0 =	vld [tilespmem:s29+$0x0];
	[tilespmem:s26+$0x30] =	vst v4;
	v4 =	vmul.f32 v8, v2;
	v2 =	vmul.f32 v3, v2  }
0x5c: {  	v3 =	vbroadcast v9, $0x0;
	[tilespmem:s26+$0x10] =	vst v1  }
0x5d: {  	[tilespmem:s26+$0x70] =	vst v2  }
0x5e: {  	v2 =	vld [tilespmem:s29+$0xFFFFFFD0];
	[tilespmem:s26+$0x20] =	vst v5  }
0x5f: {  	v5 =	vld [tilespmem:s29+$0xFFFFFFB0];
	[tilespmem:s26+$0x60] =	vst v4  }
0x60: {  	v4 =	vld [tilespmem:s29+$0xFFFFFFE0];
	[tilespmem:s26+$0x40] =	vst v6  }
0x61: {  	v6 =	vld [tilespmem:s29+$0xFFFFFFF0];
	[tilespmem:s26+$0x50] =	vst v7;
	s26 =	smov.u32 s29  }
0x62: {  	v3 =	vld.idx.msk [tilespmem:v3+s21+$0x0], $0xffff  }
0x63: {  	v7 =	vld [tilespmem:s29+$0xFFFFFF80]  }
0x64: {  	v8 =	vld [tilespmem:s29+$0xFFFFFFA0]  }
0x65: {  	v9 =	vld [tilespmem:s29+$0xFFFFFF90]  }
0x66: {  	v10 =	vld [tilespmem:s29+$0xFFFFFFC0]  }
0x67: {  	v1 =	vld [tilespmem:s29+$0x10]  }
0x68: {  	v6 =	vmul.f32 v6, v3;
	v7 =	vmul.f32 v7, v3  }
0x69: {  	v4 =	vmul.f32 v4, v3;
	v8 =	vmul.f32 v8, v3  }
0x6a: {  	v5 =	vmul.f32 v5, v3;
	v9 =	vmul.f32 v9, v3;
	[tilespmem:s29+$0xFFFFFFF0] =	vst v6  }
0x6b: {  	v2 =	vmul.f32 v2, v3;
	[tilespmem:s29+$0xFFFFFF80] =	vst v7;
	v6 =	vmul.f32 v10, v3  }
0x6c: {  	s30 =	sadd.s32 $0x1, s30;
	[tilespmem:s29+$0xFFFFFFA0] =	vst v8  }
0x6d: {  	[tilespmem:s29+$0xFFFFFFB0] =	vst v5;
	v5 =	vmov s30  }
.Ltmp5:
0x6e: {  	[tilespmem:s29+$0xFFFFFFD0] =	vst v2;
	(pc) =	sbr.rel @p1 .LBB2_4-.Ltmp5, $4  }
0x6f: {  	[tilespmem:s29+$0xFFFFFF90] =	vst v9  }
0x70: {  	[tilespmem:s29+$0xFFFFFFE0] =	vst v4;
	v4 =	vld [tilespmem:s29+$0x30]  }
0x71: {  	[tilespmem:s29+$0xFFFFFFC0] =	vst v6;
	v3 =	vld [tilespmem:s29+$0x70]  }
0x72: {  	v2 =	vld.idx.msk [tilespmem:v5+s21+$0x0], $0xffff  }
0x73: {  	_ =	sdelay $0x2  }
0x74: {  	v5 =	vld [tilespmem:s26+$0x20]  }
0x75: {  	v6 =	vld [tilespmem:s26+$0x60];
	v0 =	vmul.f32 v0, v2  }
0x76: {  	v7 =	vld [tilespmem:s26+$0x40];
	v4 =	vmul.f32 v4, v2  }
0x77: {  	v8 =	vld [tilespmem:s26+$0x50];
	v1 =	vmul.f32 v1, v2;
	[tilespmem:s26+$0x0] =	vst v0  }
0x78: {  	v59 =	vmul.f32 v3, v2;
	[tilespmem:s26+$0x30] =	vst v4  }
0x79: {  	v60 =	vmul.f32 v5, v2;
	[tilespmem:s26+$0x10] =	vst v1  }
0x7a: {  	v61 =	vmul.f32 v6, v2;
	[tilespmem:s26+$0x70] =	vst v59  }
0x7b: {  	v62 =	vmul.f32 v7, v2;
	[tilespmem:s26+$0x20] =	vst v60  }
0x7c: {  	v63 =	vmul.f32 v8, v2;
	[tilespmem:s26+$0x60] =	vst v61  }
0x7d: {  	[tilespmem:s26+$0x40] =	vst v62  }
.Ltmp6:
0x7e: {  	[tilespmem:s26+$0x50] =	vst v63;
	(pc) =	sbr.rel .LBB2_6-.Ltmp6, $4  }
0x7f: {  	[spmem:s2] =	stream.indirect.scatter.add.f32 [tilespmem:s22], [sflag:$0x2], $0x80, s4, s20, $0xb8;
	[tilespmem:$0x17A00] =	vst v63  }
0x80: {  	_ =	swait.ge [sflag:s17], $0x4000  }
0x81: {  	[sflag:s17] =	ssyncset.done $0x0  }
0x82: {  	[sflag:s17] =	ssyncadd.s32 $0xFFFFC000  }
.LBB2_8:
0x83: {  	_ =	sfence.sel $0x180000  }
0x84: {  	[bflag:$0x0] =	sbarrier.arrive $0xFFFF  }
0x85: {  	p0 =	sne.s32 s3, $0x0;
	_ =	strace $0x9000004A  }
0x86: {  	s0 =	sadd.s32 @!p0 $0x100000, s0;
	[bflag:$0x2] =	sbarrier.arrive $0xFFFF  }
0x87: {  	[sflag:s0] =	ssyncadd.tile.s32 @!p0 $0x1;
	_ =	shalt  }
.Lfunc_end2:
_tile_overlayer_lowered:
.L_overlay_start_2:
0x88: {  	(tag) =	ssettag $0x2  }
0x89: {  	s0 =	rddreg [dreg:$0x0];
	s2 =	stileid.u32  }
0x8a: {  	s1 =	rddreg [dreg:$0x1];
	p0 =	sne.s32 s2, $0x0  }
0x8b: {  	s3 =	rddreg [dreg:$0x2];
	[bflag:$0x3] =	sbarrier.arrive $0xFFFF;
	s2 =	simm.s32 @!p0 $0x1C02  }
0x8c: {  	[timem:s3], [sflag:s2] =	dma.local @!p0 [hbm:s0], s1  }
0x8d: {  	s0 =	simm.s32 @!p0 $0x2  }
0x8e: {  	_ =	swait.ge @!p0 [sflag:s0], s1  }
0x8f: {  	s1 =	ssub.s32 @!p0 $0x0, s1;
	[sflag:s0] =	ssyncset.done @!p0 $0x0  }
0x90: {  	[sflag:s0] =	ssyncadd.s32 @!p0 s1  }
0x91: {  	[bflag:$0x3] =	sbarrier.arrive $0xFFFF  }
0x92: {  	_ =	shalt  }

// kernel: kernel.16.cloned.1.call-start
scs
__scs_entry_jumppad:
0x0: {  	(pc) =	sbr.rel $0x88, $3  }
0x1: {  	(tag) =	ssettag $0x0;
	lr =	simm.s32 $0x1  }
0x2: {  	[smem:$0x3F9B] =	sst lr;
	_ =	strace $0xD0000000  }
0x3: {  	_ = 	snop  }
0x4: {  	_ = 	snop  }
0x5: {  	_ = 	snop  }
0x6: {  	_ = 	snop  }
0x7: {  	_ = 	snop  }
__scs_overlays_trampoline_lowered:
0x8: {  	[smem:$0x3FAA] =	sst s0  }
0x9: {  	[smem:$0x3FAB] =	sst s1  }
0xa: {  	[smem:$0x3FAC] =	sst s2  }
0xb: {  	[smem:$0x3FAD] =	sst s3  }
0xc: {  	[smem:$0x3FAE] =	sst s4  }
0xd: {  	[smem:$0x3FAF] =	sst s5  }
0xe: {  	[smem:$0x3FB0] =	sst s6  }
0xf: {  	[smem:$0x3FB1] =	sst s7  }
0x10: {  	[smem:$0x3FB2] =	sst s8  }
0x11: {  	[smem:$0x3FB3] =	sst s9;
	s0 =	simm.s32 @!p0 $0x0  }
0x12: {  	s1 =	sld [smem:$0x3F99];
	s0 =	simm.s32 @p0 $0x1  }
0x13: {  	[smem:$0x3FB4] =	sst s0;
	s0 =	simm.s32 @!p1 $0x0  }
0x14: {  	s2 =	sld [smem:$0x3F98];
	s0 =	simm.s32 @p1 $0x1  }
0x15: {  	[smem:$0x3FB5] =	sst s0;
	s0 =	simm.s32 @!p2 $0x0  }
0x16: {  	s3 =	sld [smem:$0x3FDB];
	s0 =	simm.s32 @p2 $0x1  }
0x17: {  	s4 =	simm.s32 $0x1BF5;
	[smem:$0x3FB7] =	sst s0  }
0x18: {  	s0 =	sld [smem:$0x3F9A];
	_ =	swait.ge [sflag:s4], $0x0  }
0x19: {  	s7 =	sld [smem:$0x3F9B]  }
0x1a: {  	s8 =	sadd.s32 $0xFFFFE003, lr  }
0x1b: {  	s9 =	sadd.s32 $0xFFFFFEF7, lr;
	s5 =	simm.s32 $0xFFFFFFFF;
	p2 =	slt.u32 s8, $0xFFFFF086  }
0x1c: {  	p1 =	slt.u32 s9, $0xF7A;
	s5 =	simm.s32 @!p2 $0x0  }
0x1d: {  	s5 =	simm.s32 @p1 $0x1;
	p0 =	seq.s32 s7, s2  }
0x1e: {  	s7 =	smul.u32 @!p0 $0xF7A, s2;
	p2 =	seq.s32 @!p0 s5, $0x0  }
0x1f: {  	s9 =	smul.u32 $0xF7A, s1;
	s8 =	simm.s32 @!p0 $0x1BF5;
	p2 =	por !p2, p0  }
0x20: {  	[sflag:s8] =	ssyncset.s32 @!p0 $0xFFFFF086;
	s6 =	sadd.s32 @!p0 s3, s7;
	s7 =	simm.s32 @!p0 $0x108  }
0x21: {  	s3 =	sadd.s32 s3, s9;
	s6 =	sadd.s32 @!p0 $0x88, s6;
	s7 =	simm.s32 @p2 $0x1082  }
0x22: {  	[simem:s7], [sflag:s8] =	dma.local @!p0 [hbm:s6], $0xF7A  }
0x23: {  	s9 =	sor.u32 $0xD0000000, s2;
	s6 =	simm.s32 $0x108;
	_ =	swait.ge @!p0 [sflag:s8], $0x0  }
0x24: {  	s3 =	sadd.s32 $0x88, s3;
	s6 =	simm.s32 @!p1 $0x1082;
	[sflag:s4] =	ssyncset.s32 $0xFFFFF086  }
0x25: {  	[simem:s6], [sflag:s4] =	dma.local [hbm:s3], $0xF7A  }
0x26: {  	[smem:$0x3F9B] =	sst s1;
	(tag) =	ssettag s2;
	_ =	strace s9  }
0x27: {  	s1 =	sld [smem:$0x3FAB]  }
0x28: {  	s2 =	sld [smem:$0x3FAC]  }
0x29: {  	s4 =	sld [smem:$0x3FAE]  }
0x2a: {  	p0 =	seq.s32 s5, $0x0;
	s5 =	sld [smem:$0x3FAF]  }
0x2b: {  	s6 =	sld [smem:$0x3FB0]  }
0x2c: {  	s7 =	sld [smem:$0x3FB1]  }
0x2d: {  	s3 =	simm.s32 $0x108;
	s8 =	sld [smem:$0x3FB2]  }
0x2e: {  	s3 =	simm.s32 @!p0 $0x1082;
	s9 =	sld [smem:$0x3FB3]  }
0x2f: {  	lr =	sadd.s32 s0, s3;
	s0 =	sld [smem:$0x3FAA]  }
0x30: {  	s3 =	sld [smem:$0x3FAD]  }
0x31: {  	[smem:$0x3FB6] =	sst s10  }
0x32: {  	s10 =	sld [smem:$0x3FB4];
	_ =	sdelay $0x3  }
0x33: {  	p0 =	seq.s32 s10, $0x1;
	s10 =	sld [smem:$0x3FB6];
	_ =	sdelay $0x3  }
0x34: {  	[smem:$0x3FB6] =	sst s10  }
0x35: {  	s10 =	sld [smem:$0x3FB5];
	_ =	sdelay $0x3  }
0x36: {  	p1 =	seq.s32 s10, $0x1;
	s10 =	sld [smem:$0x3FB6];
	_ =	sdelay $0x3  }
0x37: {  	[smem:$0x3FB6] =	sst s10  }
0x38: {  	s10 =	sld [smem:$0x3FB7]  }
0x39: {  	_ = 	snop;
	(pc) =	sbr.ind lr, $3  }
0x3a: {  	_ = 	snop  }
0x3b: {  	_ = 	snop  }
0x3c: {  	p2 =	seq.s32 s10, $0x1;
	s10 =	sld [smem:$0x3FB6]  }
0x3d: {  	_ =	shalt  }
0x3e: {  	_ =	shalt  }
0x3f: {  	_ =	shalt  }
0x40: {  	_ =	shalt  }
0x41: {  	_ =	shalt  }
0x42: {  	_ =	shalt  }
0x43: {  	_ =	shalt  }
0x44: {  	_ =	shalt  }
0x45: {  	_ =	shalt  }
0x46: {  	_ =	shalt  }
0x47: {  	_ =	shalt  }
0x48: {  	_ =	shalt  }
0x49: {  	_ =	shalt  }
0x4a: {  	_ =	shalt  }
0x4b: {  	_ =	shalt  }
0x4c: {  	_ =	shalt  }
0x4d: {  	_ =	shalt  }
0x4e: {  	_ =	shalt  }
0x4f: {  	_ =	shalt  }
0x50: {  	_ =	shalt  }
0x51: {  	_ =	shalt  }
0x52: {  	_ =	shalt  }
0x53: {  	_ =	shalt  }
0x54: {  	_ =	shalt  }
0x55: {  	_ =	shalt  }
0x56: {  	_ =	shalt  }
0x57: {  	_ =	shalt  }
0x58: {  	_ =	shalt  }
0x59: {  	_ =	shalt  }
0x5a: {  	_ =	shalt  }
0x5b: {  	_ =	shalt  }
0x5c: {  	_ =	shalt  }
0x5d: {  	_ =	shalt  }
0x5e: {  	_ =	shalt  }
0x5f: {  	_ =	shalt  }
0x60: {  	_ =	shalt  }
0x61: {  	_ =	shalt  }
0x62: {  	_ =	shalt  }
0x63: {  	_ =	shalt  }
0x64: {  	_ =	shalt  }
0x65: {  	_ =	shalt  }
0x66: {  	_ =	shalt  }
0x67: {  	_ =	shalt  }
0x68: {  	_ =	shalt  }
0x69: {  	_ =	shalt  }
0x6a: {  	_ =	shalt  }
0x6b: {  	_ =	shalt  }
0x6c: {  	_ =	shalt  }
0x6d: {  	_ =	shalt  }
0x6e: {  	_ =	shalt  }
0x6f: {  	_ =	shalt  }
0x70: {  	_ =	shalt  }
0x71: {  	_ =	shalt  }
0x72: {  	_ =	shalt  }
0x73: {  	_ =	shalt  }
0x74: {  	_ =	shalt  }
0x75: {  	_ =	shalt  }
0x76: {  	_ =	shalt  }
0x77: {  	_ =	shalt  }
0x78: {  	_ =	shalt  }
0x79: {  	_ =	shalt  }
0x7a: {  	_ =	shalt  }
0x7b: {  	_ =	shalt  }
0x7c: {  	_ =	shalt  }
0x7d: {  	_ =	shalt  }
0x7e: {  	_ =	shalt  }
0x7f: {  	_ =	shalt  }
0x80: {  	_ =	shalt  }
0x81: {  	_ =	shalt  }
0x82: {  	_ =	shalt  }
0x83: {  	_ =	shalt  }
0x84: {  	_ =	shalt  }
0x85: {  	_ =	shalt  }
0x86: {  	_ =	shalt  }
0x87: {  	_ =	shalt  }
.Lfunc_end0:
.L_simem_size_0:
called_computation.2_lowered:
.L_overlay_start_0:
0x88: {  	s2 =	sld [smem:$0x3FD9]  }
0x89: {  	s3 =	sld [smem:$0x3FFE];
	_ =	sdelay $0x1  }
0x8a: {  	s1 =	srdreg.scid  }
0x8b: {  	s0 =	sand.u32 $0x1, s1  }
0x8c: {  	s17 =	sshll.u32 s0, $0xA;
	s2 =	sadd.s32 s3, s2  }
0x8d: {  	s2 =	sadd.s32 s2, s17  }
0x8e: {  	[smem:$0x3FC2] =	sst s2  }
0x8f: {  	_ = 	snop  }
0x90: {  	s2 =	sld [smem:$0x3FC5];
	(tm) =	ssettm $0x1  }
0x91: {  	s18 =	sld [smem:$0x3FFB];
	_ =	sdelay $0x3  }
0x92: {  	_ =	strace s18  }
0x93: {  	s3 =	sld [smem:$0x3FFC];
	_ =	sdelay $0x3  }
0x94: {  	_ =	strace s3  }
0x95: {  	s3 =	sld [smem:$0x3FFD];
	_ =	sdelay $0x3  }
0x96: {  	_ =	strace s3  }
0x97: {  	_ =	strace $0x8FFFFFFF  }
0x98: {  	s19 =	sld [smem:$0x3FDB];
	_ =	sdelay $0x1  }
0x99: {  	s4 =	simm.s32 $_scs_section_size  }
0x9a: {  	s5 =	simm.s32 $_size__tile_overlayer_lowered;
	s6 =	simm.s32 $_tile_overlayer_lowered  }
0x9b: {  	s22 =	simm.s32 $0x1BFF;
	s21 =	sshll.u32 s6, $0x1;
	s3 =	sadd.s32 s4, s19  }
0x9c: {  	s7 =	simm.s32 $0x0;
	s20 =	sshll.u32 s5, $0x1;
	s5 =	sadd.s32 s21, s3  }
0x9d: {  	[timem:s7], [sflag:s22] =	dma.local [hbm:s5], s20  }
0x9e: {  	_ =	swait.ge [sflag:s22], s20  }
0x9f: {  	s4 =	ssub.s32 $0x0, s20;
	[sflag:s22] =	ssyncset.done $0x0  }
0xa0: {  	[sflag:s22] =	ssyncadd.s32 s4;
	_ =	sdelay $0x1  }
0xa1: {  	s23 =	simm.s32 $0x1B8B  }
0xa2: {  	_ =	swait.ge [sflag:s23], $0x1  }
0xa3: {  	[sflag:s23] =	ssyncset.done $0x0  }
0xa4: {  	s25 =	simm.s32 $0x1B8E;
	s24 =	sld [smem:$0x3FFE];
	[sflag:s23] =	ssyncadd.s32 $0xFFFFFFFF  }
0xa5: {  	s26 =	simm.s32 $execute0_lowered;
	[smem:$0x3FD2] =	sst s25  }
0xa6: {  	s5 =	sshll.u32 s26, $0x1;
	_ =	strace $0x8000004C;
	[dreg:$0x1] =	wrdreg $0xFFFFFFFF  }
0xa7: {  	s28 =	simm.s32 $_size_execute0_lowered;
	s3 =	sadd.s32 s3, s5;
	[dreg:$0x0] =	wrdreg $0x0  }
0xa8: {  	s5 =	sshll.u32 s28, $0x1;
	[dreg:$0x2] =	wrdreg s3  }
0xa9: {  	[dreg:$0x3] =	wrdreg s5  }
0xaa: {  	[dreg:$0x4] =	wrdreg $0xC0  }
0xab: {  	_ =	task [dreg:s7], $0x5FFFF  }
0xac: {  	[dreg:$0x1] =	wrdreg $0xFFFFFFFF  }
0xad: {  	[dreg:$0x0] =	wrdreg $0x60  }
0xae: {  	[dreg:$0x2] =	wrdreg s24  }
0xaf: {  	[dreg:$0x3] =	wrdreg s2  }
0xb0: {  	[dreg:$0x4] =	wrdreg $0x41800  }
0xb1: {  	[dreg:$0x5] =	wrdreg $0x9  }
0xb2: {  	_ =	task.clear_ibuf [dreg:s7], $0x6FFFF;
	_ =	strace $0x9000004C  }
0xb3: {  	s29 =	simm.s32 $0x9;
	_ =	strace $0x8000004E  }
0xb4: {  	_ =	swait.ge [sflag:s29], $0x1  }
0xb5: {  	[sflag:s29] =	ssyncadd.s32 $0xFFFFFFFF  }
0xb6: {  	_ =	strace $0x9000004E  }
0xb7: {  	_ =	sfence  }
0xb8: {  	s30 =	sld [smem:$0x0];
	_ =	sdelay $0x2  }
0xb9: {  	s31 =	sshll.u32 s1, $0xD;
	s1 =	sshrl.u32 s1, $0x2  }
0xba: {  	s3 =	sand.u32 $0x4000, s31;
	s1 =	sadd.s32 s1, s30  }
0xbb: {  	s0 =	sor.u32 s3, s0;
	s1 =	sshll.u32 s1, $0x11  }
0xbc: {  	s0 =	sor.u32 s1, s0  }
0xbd: {  	s0 =	sadd.s32 $0x8F2B, s0  }
0xbe: {  	[sflag:s0] =	ssyncadd.remote.s32 $0x1  }
0xbf: {  	_ =	sfence.sel $0xFFFF  }
0xc0: {  	[dreg:$0x0] =	wrdreg $0xFFFFFFFF;
	(pc) =	sbr.abs _section_cstart, $3  }
0xc1: {  	[dreg:$0x1] =	wrdreg $0xFFFFFFFF  }
0xc2: {  	_ =	task.clear_ibuf [dreg:s7], $0x2FFFF;
	_ =	strace $0x9FFFFFFF  }
0xc3: {  	(tm) =	ssettm $0x7FFFFFFF  }
tec
execute0_lowered:
.L_overlay_start_1:
0x0: {  	(tag) =	ssettag $0x1  }
0x1: {  	s12 =	rddreg [dreg:$0x0]  }
0x2: {  	s1 =	rddreg [dreg:$0x1]  }
0x3: {  	s2 =	rddreg [dreg:$0x2]  }
0x4: {  	s0 =	rddreg [dreg:$0x3];
	s4 =	simm.s32 $0x0;
	s3 =	stileid.u32  }
0x5: {  	s8 =	srdreg.scid;
	s20 =	simm.s32 $0x80;
	s21 =	simm.s32 $0x100  }
0x6: {  	s22 =	simm.s32 $0x180;
	s23 =	simm.s32 $0x1;
	s24 =	simm.s32 $0x0  }
0x7: {  	[smem:$0x7FF] =	sst s4;
	s5 =	sadd.s32 $0xC200, s12;
	s13 =	smul.u32 $0x13800, s3  }
0x8: {  	s6 =	sadd.s32 $0x2400, s12;
	s7 =	sadd.s32 $0x3D200, s12;
	s8 =	sand.u32 $0x1, s8  }
0x9: {  	s11 =	smul.u32 $0x4E000, s3;
	s15 =	sadd.s32 $0x64400, s12;
	s30 =	sshll.u32 s3, $0x6  }
0xa: {  	s19 =	sadd.s32 $0x138000, s2;
	p0 =	sne.s32 s3, $0xF;
	_ =	strace $0x8000004D  }
0xb: {  	s10 =	ssub.s32 $0x2, s8;
	s17 =	smul.u32 $0x138800, s8;
	s9 =	sshrl.u32 s13, $0x3  }
0xc: {  	s28 =	sshrl.u32 s10, $0x1;
	s29 =	sshrl.u32 s11, $0x2;
	s11 =	sor.u32 $0x1C02, s30  }
0xd: {  	s14 =	sadd.s32 s9, s12;
	s16 =	ssub.s32 s10, s28;
	s9 =	sshll.u32 s3, $0x1  }
.Ltmp0:
0xe: {  	s18 =	sadd.s32 s29, s2;
	s13 =	sadd.s32 s13, s17;
	(pc) =	sbr.rel .LBB2_1-.Ltmp0, $4  }
0xf: {  	s31 =	sshrl.u32 s17, $0x3;
	s12 =	sadd.s32 $0x3D000, s12;
	s17 =	simm.s32 $0x2  }
0x10: {  	s10 =	sadd.s32 $0x16000, s14;
	s13 =	sshrl.u32 s13, $0x3;
	s14 =	sadd.s32 s15, s31  }
0x11: {  	s13 =	sadd.s32 s15, s13;
	s14 =	sadd.s32 $0x27000, s14;
	s15 =	smax.u32 s16, $0x1  }
0x12: {  	s16 =	sshrl.u32 s18, $0x3;
	s18 =	sshrl.u32 @!p0 s19, $0x3;
	s19 =	simm.s32 $0x3  }
.LBB2_7:
0x13: {  	[bflag:$0x0] =	sbarrier.arrive $0xFFFF  }
0x14: {  	[hbm:s13], [sflag:s11] =	dma.local [spmem:s16], $0x2700  }
0x15: {  	s24 =	sadd.s32 $0x1, s24;
	_ =	swait.ge [sflag:s17], $0x2700  }
0x16: {  	p1 =	sne.s32 s24, s15;
	[sflag:s17] =	ssyncset.done $0x0  }
.Ltmp1:
0x17: {  	s25 =	simm.s32 @!p0 $0x2;
	[sflag:s17] =	ssyncadd.s32 $0xFFFFD900;
	(pc) =	sbr.rel @!p1 .LBB2_8-.Ltmp1, $4  }
0x18: {  	[hbm:s14], [sflag:s11] =	dma.local @!p0 [spmem:s18], $0x100  }
0x19: {  	_ =	swait.ge @!p0 [sflag:s25], $0x100  }
0x1a: {  	[sflag:s25] =	ssyncset.done @!p0 $0x0  }
0x1b: {  	[sflag:s25] =	ssyncadd.s32 @!p0 $0xFFFFFF00  }
.LBB2_1:
0x1c: {  	[spmem:s16], [sflag:s11] =	dma.local [hbm:s10], $0x2700  }
0x1d: {  	_ =	swait.ge [sflag:s17], $0x2700  }
0x1e: {  	[sflag:s17] =	ssyncset.done $0x0  }
0x1f: {  	s25 =	simm.s32 @!p0 $0x2;
	[sflag:s17] =	ssyncadd.s32 $0xFFFFD900  }
0x20: {  	[spmem:s18], [sflag:s11] =	dma.local @!p0 [hbm:s12], $0x100  }
.Ltmp2:
0x21: {  	_ =	swait.ge @!p0 [sflag:s25], $0x100;
	(pc) =	sbr.rel .LBB2_2-.Ltmp2, $4  }
0x22: {  	[sflag:s25] =	ssyncset.done @!p0 $0x0  }
0x23: {  	[sflag:s25] =	ssyncadd.s32 @!p0 $0xFFFFFF00  }
0x24: {  	[bflag:$0x0] =	sbarrier.arrive $0xFFFF  }
0x25: {  	s25 =	simm.s32 $0x0  }
.LBB2_6:
0x26: {  	s25 =	sadd.s32 $0x1, s25  }
0x27: {  	p1 =	sne.s32 s25, $0x4F  }
.Ltmp3:
0x28: {  	_ = 	snop;
	(pc) =	sbr.rel @!p1 .LBB2_7-.Ltmp3, $1  }
0x29: {  	_ =	sdelay $0x3  }
.LBB2_2:
0x2a: {  	s26 =	sshll.u32 s25, $0x5  }
0x2b: {  	s26 =	sor.u32 s9, s26  }
0x2c: {  	p1 =	sgt.u32 s26, $0x9C3  }
.Ltmp4:
0x2d: {  	_ = 	snop;
	(pc) =	sbr.rel @p1 .LBB2_6-.Ltmp4, $1  }
0x2e: {  	_ =	sdelay $0x3  }
0x2f: {  	s26 =	sor.u32 s8, s26  }
0x30: {  	s26 =	sshll.u32 s26, $0x4  }
0x31: {  	s29 =	simm.s32 $0x0;
	s28 =	sadd.s32 s5, s26  }
0x32: {  	[tilespmem:s29], [sflag:$0x3] =	stream.linear.gather [hbm4b:s28+s29], $0x80, $0x38;
	[tilespmem:$0x17A00] =	vst v63  }
0x33: {  	_ =	swait.ge [sflag:s19], $0x80  }
0x34: {  	[sflag:s19] =	ssyncset.done $0x0  }
0x35: {  	s28 =	sadd.s32 s6, s26;
	[sflag:s19] =	ssyncadd.s32 $0xFFFFFF80  }
0x36: {  	[tilespmem:s20], [sflag:$0x3] =	stream.linear.gather [hbm4b:s28+s29], $0x80, $0x38;
	[tilespmem:$0x17A00] =	vst v63  }
0x37: {  	_ =	swait.ge [sflag:s19], $0x80  }
0x38: {  	[sflag:s19] =	ssyncset.done $0x0  }
0x39: {  	s26 =	sadd.s32 s1, s26;
	[sflag:s19] =	ssyncadd.s32 $0xFFFFFF80  }
0x3a: {  	[tilespmem:s21], [sflag:$0x3] =	stream.linear.gather [hbm4b:s26+s29], $0x80, $0x38;
	[tilespmem:$0x17A00] =	vst v63  }
0x3b: {  	v0 =	vmov s29;
	_ =	swait.ge [sflag:s19], $0x80  }
0x3c: {  	v0 =	vand.u32 $0xFFFFFFFE, v0;
	[sflag:s19] =	ssyncset.done $0x0  }
0x3d: {  	v1 =	vbroadcast v0, $0x0;
	[sflag:s19] =	ssyncadd.s32 $0xFFFFFF80  }
0x3e: {  	[tilespmem:s22], [sflag:$0x1] =	stream.indirect.gather [hbm4b:s7+s20], $0x80, s20, s20, $0xb8;
	[tilespmem:$0x17A00] =	vst v63  }
0x3f: {  	_ =	swait.ge [sflag:s23], $0x4000  }
0x40: {  	[sflag:s23] =	ssyncset.done $0x0  }
0x41: {  	s26 =	simm.s32 $0x200;
	[sflag:s23] =	ssyncadd.s32 $0xFFFFC000  }
0x42: {  	v4 =	vld [tilespmem:s26+$0xFFFFFFF0]  }
0x43: {  	v5 =	vld.idx.msk [tilespmem:v1+s21+$0x0], $0xffff  }
0x44: {  	v6 =	vld [tilespmem:s26+$0xFFFFFF80]  }
0x45: {  	v7 =	vld [tilespmem:s26+$0xFFFFFFA0]  }
0x46: {  	v3 =	vld [tilespmem:s26+$0xFFFFFFB0]  }
0x47: {  	v2 =	vld [tilespmem:s26+$0xFFFFFFD0]  }
0x48: {  	v9 =	vld [tilespmem:s26+$0xFFFFFF90];
	v4 =	vmul.f32 v4, v5  }
0x49: {  	v8 =	vld [tilespmem:s26+$0xFFFFFFE0];
	v6 =	vmul.f32 v6, v5  }
0x4a: {  	v10 =	vld [tilespmem:s26+$0xFFFFFFC0];
	v7 =	vmul.f32 v7, v5;
	[tilespmem:s26+$0xFFFFFFF0] =	vst v4  }
0x4b: {  	v3 =	vmul.f32 v3, v5;
	[tilespmem:s26+$0xFFFFFF80] =	vst v6  }
0x4c: {  	s28 =	simm.s32 $0x1;
	v2 =	vmul.f32 v2, v5;
	[tilespmem:s26+$0xFFFFFFA0] =	vst v7  }
0x4d: {  	v4 =	vmul.f32 v9, v5;
	[tilespmem:s26+$0xFFFFFFB0] =	vst v3;
	v6 =	vmov s28  }
0x4e: {  	v0 =	vld [tilespmem:s26+$0x0];
	v3 =	vmul.f32 v8, v5;
	[tilespmem:s26+$0xFFFFFFD0] =	vst v2  }
0x4f: {  	v1 =	vld [tilespmem:s26+$0x10];
	v2 =	vmul.f32 v10, v5;
	[tilespmem:s26+$0xFFFFFF90] =	vst v4  }
0x50: {  	[tilespmem:s26+$0xFFFFFFE0] =	vst v3;
	v4 =	vld [tilespmem:s26+$0x30]  }
0x51: {  	[tilespmem:s26+$0xFFFFFFC0] =	vst v2;
	v3 =	vld [tilespmem:s26+$0x70]  }
0x52: {  	s29 =	simm.s32 $0x200;
	s28 =	simm.s32 $0x2;
	v2 =	vld.idx.msk [tilespmem:v6+s21+$0x0], $0xffff  }
.LBB2_4:
0x53: {  	p1 =	slt.u32 s28, $0x7E  }
0x54: {  	v5 =	vld [tilespmem:s26+$0x20];
	s29 =	sadd.s32 $0x100, s29;
	s30 =	smov.u32 s28;
	s28 =	sadd.s32 $0x2, s28  }
0x55: {  	v6 =	vld [tilespmem:s26+$0x40]  }
0x56: {  	v7 =	vld [tilespmem:s26+$0x50]  }
0x57: {  	v8 =	vld [tilespmem:s26+$0x60];
	_ =	sdelay $0x1  }
0x58: {  	v0 =	vmul.f32 v0, v2;
	v1 =	vmul.f32 v1, v2  }
0x59: {  	v4 =	vmul.f32 v4, v2;
	v5 =	vmul.f32 v5, v2  }
0x5a: {  	v9 =	vmov s30;
	v6 =	vmul.f32 v6, v2;
	[tilespmem:s26+$0x0] =	vst v0;
	v7 =	vmul.f32 v7, v2  }
0x5b: {  	v9 =	vand.u32 $0xFFFFFFFE, v9;
	v0 =	vld [tilespmem:s29+$0x0];
	[tilespmem:s26+$0x30] =	vst v4;
	v4 =	vmul.f32 v8, v2;
	v2 =	vmul.f32 v3, v2  }
0x5c: {  	v3 =	vbroadcast v9, $0x0;
	[tilespmem:s26+$0x10] =	vst v1  }
0x5d: {  	[tilespmem:s26+$0x70] =	vst v2  }
0x5e: {  	v2 =	vld [tilespmem:s29+$0xFFFFFFD0];
	[tilespmem:s26+$0x20] =	vst v5  }
0x5f: {  	v5 =	vld [tilespmem:s29+$0xFFFFFFB0];
	[tilespmem:s26+$0x60] =	vst v4  }
0x60: {  	v4 =	vld [tilespmem:s29+$0xFFFFFFE0];
	[tilespmem:s26+$0x40] =	vst v6  }
0x61: {  	v6 =	vld [tilespmem:s29+$0xFFFFFFF0];
	[tilespmem:s26+$0x50] =	vst v7;
	s26 =	smov.u32 s29  }
0x62: {  	v3 =	vld.idx.msk [tilespmem:v3+s21+$0x0], $0xffff  }
0x63: {  	v7 =	vld [tilespmem:s29+$0xFFFFFF80]  }
0x64: {  	v8 =	vld [tilespmem:s29+$0xFFFFFFA0]  }
0x65: {  	v9 =	vld [tilespmem:s29+$0xFFFFFF90]  }
0x66: {  	v10 =	vld [tilespmem:s29+$0xFFFFFFC0]  }
0x67: {  	v1 =	vld [tilespmem:s29+$0x10]  }
0x68: {  	v6 =	vmul.f32 v6, v3;
	v7 =	vmul.f32 v7, v3  }
0x69: {  	v4 =	vmul.f32 v4, v3;
	v8 =	vmul.f32 v8, v3  }
0x6a: {  	v5 =	vmul.f32 v5, v3;
	v9 =	vmul.f32 v9, v3;
	[tilespmem:s29+$0xFFFFFFF0] =	vst v6  }
0x6b: {  	v2 =	vmul.f32 v2, v3;
	[tilespmem:s29+$0xFFFFFF80] =	vst v7;
	v6 =	vmul.f32 v10, v3  }
0x6c: {  	s30 =	sadd.s32 $0x1, s30;
	[tilespmem:s29+$0xFFFFFFA0] =	vst v8  }
0x6d: {  	[tilespmem:s29+$0xFFFFFFB0] =	vst v5;
	v5 =	vmov s30  }
.Ltmp5:
0x6e: {  	[tilespmem:s29+$0xFFFFFFD0] =	vst v2;
	(pc) =	sbr.rel @p1 .LBB2_4-.Ltmp5, $4  }
0x6f: {  	[tilespmem:s29+$0xFFFFFF90] =	vst v9  }
0x70: {  	[tilespmem:s29+$0xFFFFFFE0] =	vst v4;
	v4 =	vld [tilespmem:s29+$0x30]  }
0x71: {  	[tilespmem:s29+$0xFFFFFFC0] =	vst v6;
	v3 =	vld [tilespmem:s29+$0x70]  }
0x72: {  	v2 =	vld.idx.msk [tilespmem:v5+s21+$0x0], $0xffff  }
0x73: {  	_ =	sdelay $0x2  }
0x74: {  	v5 =	vld [tilespmem:s26+$0x20]  }
0x75: {  	v6 =	vld [tilespmem:s26+$0x60];
	v0 =	vmul.f32 v0, v2  }
0x76: {  	v7 =	vld [tilespmem:s26+$0x40];
	v4 =	vmul.f32 v4, v2  }
0x77: {  	v8 =	vld [tilespmem:s26+$0x50];
	v1 =	vmul.f32 v1, v2;
	[tilespmem:s26+$0x0] =	vst v0  }
0x78: {  	v59 =	vmul.f32 v3, v2;
	[tilespmem:s26+$0x30] =	vst v4  }
0x79: {  	v60 =	vmul.f32 v5, v2;
	[tilespmem:s26+$0x10] =	vst v1  }
0x7a: {  	v61 =	vmul.f32 v6, v2;
	[tilespmem:s26+$0x70] =	vst v59  }
0x7b: {  	v62 =	vmul.f32 v7, v2;
	[tilespmem:s26+$0x20] =	vst v60  }
0x7c: {  	v63 =	vmul.f32 v8, v2;
	[tilespmem:s26+$0x60] =	vst v61  }
0x7d: {  	[tilespmem:s26+$0x40] =	vst v62  }
.Ltmp6:
0x7e: {  	[tilespmem:s26+$0x50] =	vst v63;
	(pc) =	sbr.rel .LBB2_6-.Ltmp6, $4  }
0x7f: {  	[spmem:s2] =	stream.indirect.scatter.add.f32 [tilespmem:s22], [sflag:$0x2], $0x80, s4, s20, $0xb8;
	[tilespmem:$0x17A00] =	vst v63  }
0x80: {  	_ =	swait.ge [sflag:s17], $0x4000  }
0x81: {  	[sflag:s17] =	ssyncset.done $0x0  }
0x82: {  	[sflag:s17] =	ssyncadd.s32 $0xFFFFC000  }
.LBB2_8:
0x83: {  	_ =	sfence.sel $0x180000  }
0x84: {  	[bflag:$0x0] =	sbarrier.arrive $0xFFFF  }
0x85: {  	p0 =	sne.s32 s3, $0x0;
	_ =	strace $0x9000004D  }
0x86: {  	s0 =	sadd.s32 @!p0 $0x100000, s0;
	[bflag:$0x2] =	sbarrier.arrive $0xFFFF  }
0x87: {  	[sflag:s0] =	ssyncadd.tile.s32 @!p0 $0x1;
	_ =	shalt  }
.Lfunc_end2:
_tile_overlayer_lowered:
.L_overlay_start_2:
0x88: {  	(tag) =	ssettag $0x2  }
0x89: {  	s0 =	rddreg [dreg:$0x0];
	s2 =	stileid.u32  }
0x8a: {  	s1 =	rddreg [dreg:$0x1];
	p0 =	sne.s32 s2, $0x0  }
0x8b: {  	s3 =	rddreg [dreg:$0x2];
	[bflag:$0x3] =	sbarrier.arrive $0xFFFF;
	s2 =	simm.s32 @!p0 $0x1C02  }
0x8c: {  	[timem:s3], [sflag:s2] =	dma.local @!p0 [hbm:s0], s1  }
0x8d: {  	s0 =	simm.s32 @!p0 $0x2  }
0x8e: {  	_ =	swait.ge @!p0 [sflag:s0], s1  }
0x8f: {  	s1 =	ssub.s32 @!p0 $0x0, s1;
	[sflag:s0] =	ssyncset.done @!p0 $0x0  }
0x90: {  	[sflag:s0] =	ssyncadd.s32 @!p0 s1  }
0x91: {  	[bflag:$0x3] =	sbarrier.arrive $0xFFFF  }
0x92: {  	_ =	shalt  }

// kernel: kernel.19.cloned.1.call-start
scs
__scs_entry_jumppad:
0x0: {  	(pc) =	sbr.rel $0x88, $3  }
0x1: {  	(tag) =	ssettag $0x0;
	lr =	simm.s32 $0x1  }
0x2: {  	[smem:$0x3F9B] =	sst lr;
	_ =	strace $0xD0000000  }
0x3: {  	_ = 	snop  }
0x4: {  	_ = 	snop  }
0x5: {  	_ = 	snop  }
0x6: {  	_ = 	snop  }
0x7: {  	_ = 	snop  }
__scs_overlays_trampoline_lowered:
0x8: {  	[smem:$0x3FAA] =	sst s0  }
0x9: {  	[smem:$0x3FAB] =	sst s1  }
0xa: {  	[smem:$0x3FAC] =	sst s2  }
0xb: {  	[smem:$0x3FAD] =	sst s3  }
0xc: {  	[smem:$0x3FAE] =	sst s4  }
0xd: {  	[smem:$0x3FAF] =	sst s5  }
0xe: {  	[smem:$0x3FB0] =	sst s6  }
0xf: {  	[smem:$0x3FB1] =	sst s7  }
0x10: {  	[smem:$0x3FB2] =	sst s8  }
0x11: {  	[smem:$0x3FB3] =	sst s9;
	s0 =	simm.s32 @!p0 $0x0  }
0x12: {  	s1 =	sld [smem:$0x3F99];
	s0 =	simm.s32 @p0 $0x1  }
0x13: {  	[smem:$0x3FB4] =	sst s0;
	s0 =	simm.s32 @!p1 $0x0  }
0x14: {  	s2 =	sld [smem:$0x3F98];
	s0 =	simm.s32 @p1 $0x1  }
0x15: {  	[smem:$0x3FB5] =	sst s0;
	s0 =	simm.s32 @!p2 $0x0  }
0x16: {  	s3 =	sld [smem:$0x3FDB];
	s0 =	simm.s32 @p2 $0x1  }
0x17: {  	s4 =	simm.s32 $0x1BF5;
	[smem:$0x3FB7] =	sst s0  }
0x18: {  	s0 =	sld [smem:$0x3F9A];
	_ =	swait.ge [sflag:s4], $0x0  }
0x19: {  	s7 =	sld [smem:$0x3F9B]  }
0x1a: {  	s8 =	sadd.s32 $0xFFFFE003, lr  }
0x1b: {  	s9 =	sadd.s32 $0xFFFFFEF7, lr;
	s5 =	simm.s32 $0xFFFFFFFF;
	p2 =	slt.u32 s8, $0xFFFFF086  }
0x1c: {  	p1 =	slt.u32 s9, $0xF7A;
	s5 =	simm.s32 @!p2 $0x0  }
0x1d: {  	s5 =	simm.s32 @p1 $0x1;
	p0 =	seq.s32 s7, s2  }
0x1e: {  	s7 =	smul.u32 @!p0 $0xF7A, s2;
	p2 =	seq.s32 @!p0 s5, $0x0  }
0x1f: {  	s9 =	smul.u32 $0xF7A, s1;
	s8 =	simm.s32 @!p0 $0x1BF5;
	p2 =	por !p2, p0  }
0x20: {  	[sflag:s8] =	ssyncset.s32 @!p0 $0xFFFFF086;
	s6 =	sadd.s32 @!p0 s3, s7;
	s7 =	simm.s32 @!p0 $0x108  }
0x21: {  	s3 =	sadd.s32 s3, s9;
	s6 =	sadd.s32 @!p0 $0x88, s6;
	s7 =	simm.s32 @p2 $0x1082  }
0x22: {  	[simem:s7], [sflag:s8] =	dma.local @!p0 [hbm:s6], $0xF7A  }
0x23: {  	s9 =	sor.u32 $0xD0000000, s2;
	s6 =	simm.s32 $0x108;
	_ =	swait.ge @!p0 [sflag:s8], $0x0  }
0x24: {  	s3 =	sadd.s32 $0x88, s3;
	s6 =	simm.s32 @!p1 $0x1082;
	[sflag:s4] =	ssyncset.s32 $0xFFFFF086  }
0x25: {  	[simem:s6], [sflag:s4] =	dma.local [hbm:s3], $0xF7A  }
0x26: {  	[smem:$0x3F9B] =	sst s1;
	(tag) =	ssettag s2;
	_ =	strace s9  }
0x27: {  	s1 =	sld [smem:$0x3FAB]  }
0x28: {  	s2 =	sld [smem:$0x3FAC]  }
0x29: {  	s4 =	sld [smem:$0x3FAE]  }
0x2a: {  	p0 =	seq.s32 s5, $0x0;
	s5 =	sld [smem:$0x3FAF]  }
0x2b: {  	s6 =	sld [smem:$0x3FB0]  }
0x2c: {  	s7 =	sld [smem:$0x3FB1]  }
0x2d: {  	s3 =	simm.s32 $0x108;
	s8 =	sld [smem:$0x3FB2]  }
0x2e: {  	s3 =	simm.s32 @!p0 $0x1082;
	s9 =	sld [smem:$0x3FB3]  }
0x2f: {  	lr =	sadd.s32 s0, s3;
	s0 =	sld [smem:$0x3FAA]  }
0x30: {  	s3 =	sld [smem:$0x3FAD]  }
0x31: {  	[smem:$0x3FB6] =	sst s10  }
0x32: {  	s10 =	sld [smem:$0x3FB4];
	_ =	sdelay $0x3  }
0x33: {  	p0 =	seq.s32 s10, $0x1;
	s10 =	sld [smem:$0x3FB6];
	_ =	sdelay $0x3  }
0x34: {  	[smem:$0x3FB6] =	sst s10  }
0x35: {  	s10 =	sld [smem:$0x3FB5];
	_ =	sdelay $0x3  }
0x36: {  	p1 =	seq.s32 s10, $0x1;
	s10 =	sld [smem:$0x3FB6];
	_ =	sdelay $0x3  }
0x37: {  	[smem:$0x3FB6] =	sst s10  }
0x38: {  	s10 =	sld [smem:$0x3FB7]  }
0x39: {  	_ = 	snop;
	(pc) =	sbr.ind lr, $3  }
0x3a: {  	_ = 	snop  }
0x3b: {  	_ = 	snop  }
0x3c: {  	p2 =	seq.s32 s10, $0x1;
	s10 =	sld [smem:$0x3FB6]  }
0x3d: {  	_ =	shalt  }
0x3e: {  	_ =	shalt  }
0x3f: {  	_ =	shalt  }
0x40: {  	_ =	shalt  }
0x41: {  	_ =	shalt  }
0x42: {  	_ =	shalt  }
0x43: {  	_ =	shalt  }
0x44: {  	_ =	shalt  }
0x45: {  	_ =	shalt  }
0x46: {  	_ =	shalt  }
0x47: {  	_ =	shalt  }
0x48: {  	_ =	shalt  }
0x49: {  	_ =	shalt  }
0x4a: {  	_ =	shalt  }
0x4b: {  	_ =	shalt  }
0x4c: {  	_ =	shalt  }
0x4d: {  	_ =	shalt  }
0x4e: {  	_ =	shalt  }
0x4f: {  	_ =	shalt  }
0x50: {  	_ =	shalt  }
0x51: {  	_ =	shalt  }
0x52: {  	_ =	shalt  }
0x53: {  	_ =	shalt  }
0x54: {  	_ =	shalt  }
0x55: {  	_ =	shalt  }
0x56: {  	_ =	shalt  }
0x57: {  	_ =	shalt  }
0x58: {  	_ =	shalt  }
0x59: {  	_ =	shalt  }
0x5a: {  	_ =	shalt  }
0x5b: {  	_ =	shalt  }
0x5c: {  	_ =	shalt  }
0x5d: {  	_ =	shalt  }
0x5e: {  	_ =	shalt  }
0x5f: {  	_ =	shalt  }
0x60: {  	_ =	shalt  }
0x61: {  	_ =	shalt  }
0x62: {  	_ =	shalt  }
0x63: {  	_ =	shalt  }
0x64: {  	_ =	shalt  }
0x65: {  	_ =	shalt  }
0x66: {  	_ =	shalt  }
0x67: {  	_ =	shalt  }
0x68: {  	_ =	shalt  }
0x69: {  	_ =	shalt  }
0x6a: {  	_ =	shalt  }
0x6b: {  	_ =	shalt  }
0x6c: {  	_ =	shalt  }
0x6d: {  	_ =	shalt  }
0x6e: {  	_ =	shalt  }
0x6f: {  	_ =	shalt  }
0x70: {  	_ =	shalt  }
0x71: {  	_ =	shalt  }
0x72: {  	_ =	shalt  }
0x73: {  	_ =	shalt  }
0x74: {  	_ =	shalt  }
0x75: {  	_ =	shalt  }
0x76: {  	_ =	shalt  }
0x77: {  	_ =	shalt  }
0x78: {  	_ =	shalt  }
0x79: {  	_ =	shalt  }
0x7a: {  	_ =	shalt  }
0x7b: {  	_ =	shalt  }
0x7c: {  	_ =	shalt  }
0x7d: {  	_ =	shalt  }
0x7e: {  	_ =	shalt  }
0x7f: {  	_ =	shalt  }
0x80: {  	_ =	shalt  }
0x81: {  	_ =	shalt  }
0x82: {  	_ =	shalt  }
0x83: {  	_ =	shalt  }
0x84: {  	_ =	shalt  }
0x85: {  	_ =	shalt  }
0x86: {  	_ =	shalt  }
0x87: {  	_ =	shalt  }
.Lfunc_end0:
.L_simem_size_0:
called_computation.3_lowered:
.L_overlay_start_0:
0x88: {  	s2 =	sld [smem:$0x3FD9]  }
0x89: {  	s3 =	sld [smem:$0x3FFE];
	_ =	sdelay $0x1  }
0x8a: {  	s1 =	srdreg.scid  }
0x8b: {  	s0 =	sand.u32 $0x1, s1  }
0x8c: {  	s17 =	sshll.u32 s0, $0xA;
	s2 =	sadd.s32 s3, s2  }
0x8d: {  	s2 =	sadd.s32 s2, s17  }
0x8e: {  	[smem:$0x3FC2] =	sst s2  }
0x8f: {  	_ = 	snop  }
0x90: {  	s2 =	sld [smem:$0x3FC9]  }
0x91: {  	s18 =	sld [smem:$0x3FC8]  }
0x92: {  	s4 =	sld [smem:$0x3FC7];
	(tm) =	ssettm $0x1  }
0x93: {  	s5 =	sld [smem:$0x3FFB];
	_ =	sdelay $0x3  }
0x94: {  	_ =	strace s5  }
0x95: {  	s5 =	sld [smem:$0x3FFC];
	_ =	sdelay $0x3  }
0x96: {  	_ =	strace s5  }
0x97: {  	s5 =	sld [smem:$0x3FFD];
	_ =	sdelay $0x3  }
0x98: {  	_ =	strace s5  }
0x99: {  	_ =	strace $0x8FFFFFFF  }
0x9a: {  	s19 =	sld [smem:$0x3FDB];
	_ =	sdelay $0x1  }
0x9b: {  	s6 =	simm.s32 $_scs_section_size  }
0x9c: {  	s7 =	simm.s32 $_size__tile_overlayer_lowered;
	s8 =	simm.s32 $_tile_overlayer_lowered  }
0x9d: {  	s22 =	simm.s32 $0x1BFF;
	s21 =	sshll.u32 s8, $0x1;
	s5 =	sadd.s32 s6, s19  }
0x9e: {  	s9 =	simm.s32 $0x0;
	s20 =	sshll.u32 s7, $0x1;
	s7 =	sadd.s32 s21, s5  }
0x9f: {  	[timem:s9], [sflag:s22] =	dma.local [hbm:s7], s20  }
0xa0: {  	_ =	swait.ge [sflag:s22], s20  }
0xa1: {  	s6 =	ssub.s32 $0x0, s20;
	[sflag:s22] =	ssyncset.done $0x0  }
0xa2: {  	[sflag:s22] =	ssyncadd.s32 s6;
	_ =	sdelay $0x1  }
0xa3: {  	s23 =	simm.s32 $0x1B8B  }
0xa4: {  	_ =	swait.ge [sflag:s23], $0x1  }
0xa5: {  	[sflag:s23] =	ssyncset.done $0x0  }
0xa6: {  	s25 =	simm.s32 $0x1B8E;
	s24 =	sld [smem:$0x3FFE];
	[sflag:s23] =	ssyncadd.s32 $0xFFFFFFFF  }
0xa7: {  	s26 =	simm.s32 $execute0_lowered;
	[smem:$0x3FD2] =	sst s25  }
0xa8: {  	s7 =	sshll.u32 s26, $0x1;
	_ =	strace $0x8000004F;
	[dreg:$0x1] =	wrdreg $0xFFFFFFFF  }
0xa9: {  	s28 =	simm.s32 $_size_execute0_lowered;
	s5 =	sadd.s32 s5, s7;
	[dreg:$0x0] =	wrdreg $0x0  }
0xaa: {  	s7 =	sshll.u32 s28, $0x1;
	[dreg:$0x2] =	wrdreg s5  }
0xab: {  	[dreg:$0x3] =	wrdreg s7  }
0xac: {  	[dreg:$0x4] =	wrdreg $0xC0  }
0xad: {  	_ =	task [dreg:s9], $0x5FFFF  }
0xae: {  	[dreg:$0x1] =	wrdreg $0xFFFFFFFF  }
0xaf: {  	[dreg:$0x0] =	wrdreg $0x60  }
0xb0: {  	[dreg:$0x2] =	wrdreg s24  }
0xb1: {  	[dreg:$0x3] =	wrdreg s2  }
0xb2: {  	[dreg:$0x4] =	wrdreg s18  }
0xb3: {  	[dreg:$0x5] =	wrdreg s4  }
0xb4: {  	[dreg:$0x6] =	wrdreg $0x9  }
0xb5: {  	_ =	task.clear_ibuf [dreg:s9], $0x7FFFF;
	_ =	strace $0x9000004F  }
0xb6: {  	s29 =	simm.s32 $0x9;
	_ =	strace $0x80000051  }
0xb7: {  	_ =	swait.ge [sflag:s29], $0x1  }
0xb8: {  	[sflag:s29] =	ssyncadd.s32 $0xFFFFFFFF  }
0xb9: {  	_ =	strace $0x90000051  }
0xba: {  	_ =	sfence  }
0xbb: {  	s30 =	sld [smem:$0x0];
	_ =	sdelay $0x2  }
0xbc: {  	s31 =	sshll.u32 s1, $0xD;
	s1 =	sshrl.u32 s1, $0x2  }
0xbd: {  	s3 =	sand.u32 $0x4000, s31;
	s1 =	sadd.s32 s1, s30  }
0xbe: {  	s0 =	sor.u32 s3, s0;
	s1 =	sshll.u32 s1, $0x11  }
0xbf: {  	s0 =	sor.u32 s1, s0  }
0xc0: {  	s0 =	sadd.s32 $0x8F2B, s0  }
0xc1: {  	[sflag:s0] =	ssyncadd.remote.s32 $0x1  }
0xc2: {  	_ =	sfence.sel $0xFFFF  }
0xc3: {  	[dreg:$0x0] =	wrdreg $0xFFFFFFFF;
	(pc) =	sbr.abs _section_cstart, $3  }
0xc4: {  	[dreg:$0x1] =	wrdreg $0xFFFFFFFF  }
0xc5: {  	_ =	task.clear_ibuf [dreg:s9], $0x2FFFF;
	_ =	strace $0x9FFFFFFF  }
0xc6: {  	(tm) =	ssettm $0x7FFFFFFF  }
0xc7: {  	_ =	shalt  }
tec
execute0_lowered:
.L_overlay_start_1:
0x0: {  	(tag) =	ssettag $0x1  }
0x1: {  	s4 =	rddreg [dreg:$0x0]  }
0x2: {  	s5 =	rddreg [dreg:$0x1]  }
0x3: {  	s6 =	rddreg [dreg:$0x2]  }
0x4: {  	s7 =	rddreg [dreg:$0x3]  }
0x5: {  	s0 =	rddreg [dreg:$0x4]  }
0x6: {  	s2 =	simm.s32 $0x0;
	s3 =	srdreg.scid;
	s1 =	stileid.u32  }
0x7: {  	s12 =	simm.s32 $0x100;
	s13 =	simm.s32 $0x180;
	s14 =	simm.s32 $0x1  }
0x8: {  	s15 =	simm.s32 $0x4180;
	s16 =	simm.s32 $0x8180;
	s17 =	simm.s32 $0xC180  }
0x9: {  	s18 =	simm.s32 $0xC200;
	s19 =	simm.s32 $0x0;
	s3 =	sand.u32 $0x1, s3  }
0xa: {  	[smem:$0x7FF] =	sst s2;
	s8 =	sshll.u32 s1, $0x5;
	s9 =	sshll.u32 s3, $0x4  }
0xb: {  	_ =	strace $0x80000050;
	s10 =	ssub.s32 $0x2, s3;
	s8 =	sor.u32 s9, s8  }
0xc: {  	s3 =	sadd.s32 $0x2400, s4;
	s31 =	sshrl.u32 s10, $0x1;
	s11 =	sadd.s32 s8, s4  }
0xd: {  	s9 =	ssub.s32 s10, s31;
	s4 =	sadd.s32 s5, s8;
	s5 =	sadd.s32 s6, s8  }
0xe: {  	s6 =	sadd.s32 s7, s8;
	s10 =	simm.s32 $0x2;
	s7 =	sadd.s32 $0x29600, s11  }
0xf: {  	vm0 =	vcmask $0x3F3C;
	s8 =	sadd.s32 $0x29800, s11;
	s9 =	smax.u32 s9, $0x1;
	s11 =	simm.s32 $0x80  }
.LBB2_1:
0x10: {  	[tilespmem:s2], [sflag:$0x2] =	stream.linear.gather [hbm4b:s4+s2], $0x80, $0x38;
	[tilespmem:$0xC280] =	vst v63  }
0x11: {  	_ =	swait.ge [sflag:s10], $0x80  }
0x12: {  	[sflag:s10] =	ssyncset.done $0x0  }
0x13: {  	[sflag:s10] =	ssyncadd.s32 $0xFFFFFF80  }
0x14: {  	[tilespmem:s11], [sflag:$0x2] =	stream.linear.gather [hbm4b:s5+s2], $0x80, $0x38;
	[tilespmem:$0xC280] =	vst v63  }
0x15: {  	_ =	swait.ge [sflag:s10], $0x80  }
0x16: {  	[sflag:s10] =	ssyncset.done $0x0  }
0x17: {  	[sflag:s10] =	ssyncadd.s32 $0xFFFFFF80  }
0x18: {  	[tilespmem:s12], [sflag:$0x2] =	stream.linear.gather [hbm4b:s6+s2], $0x80, $0x38;
	[tilespmem:$0xC280] =	vst v63  }
0x19: {  	_ =	swait.ge [sflag:s10], $0x80  }
0x1a: {  	[sflag:s10] =	ssyncset.done $0x0  }
0x1b: {  	[sflag:s10] =	ssyncadd.s32 $0xFFFFFF80  }
0x1c: {  	[tilespmem:s13], [sflag:$0x1] =	stream.indirect.gather [hbm4b:s3+s11], $0x80, s2, s11, $0xb8;
	[tilespmem:$0xC280] =	vst v63  }
0x1d: {  	_ =	swait.ge [sflag:s14], $0x4000  }
0x1e: {  	[sflag:s14] =	ssyncset.done $0x0  }
0x1f: {  	[sflag:s14] =	ssyncadd.s32 $0xFFFFC000  }
0x20: {  	[tilespmem:s15], [sflag:$0x1] =	stream.indirect.gather [hbm4b:s3+s11], $0x80, s11, s11, $0xb8;
	[tilespmem:$0xC280] =	vst v63  }
0x21: {  	_ =	swait.ge [sflag:s14], $0x4000  }
0x22: {  	[sflag:s14] =	ssyncset.done $0x0  }
0x23: {  	[sflag:s14] =	ssyncadd.s32 $0xFFFFC000  }
0x24: {  	[tilespmem:s16], [sflag:$0x1] =	stream.indirect.gather [hbm4b:s3+s11], $0x80, s12, s11, $0xb8;
	[tilespmem:$0xC280] =	vst v63  }
0x25: {  	_ =	swait.ge [sflag:s14], $0x4000  }
0x26: {  	s20 =	simm.s32 $0x4200;
	s21 =	simm.s32 $0x8200;
	[sflag:s14] =	ssyncset.done $0x0  }
0x27: {  	s22 =	simm.s32 $0x200;
	s23 =	simm.s32 $0x0;
	[sflag:s14] =	ssyncadd.s32 $0xFFFFC000  }
.LBB2_2:
0x28: {  	v0 =	vld [tilespmem:s22+$0xFFFFFF80]  }
0x29: {  	v1 =	vld [tilespmem:s20+$0xFFFFFF80]  }
0x2a: {  	v2 =	vld [tilespmem:s21+$0xFFFFFF80]  }
0x2b: {  	v3 =	vld [tilespmem:s22+$0xFFFFFF90]  }
0x2c: {  	v4 =	vld [tilespmem:s20+$0xFFFFFF90]  }
0x2d: {  	v5 =	vld [tilespmem:s21+$0xFFFFFF90]  }
0x2e: {  	v6 =	vld [tilespmem:s22+$0xFFFFFFA0]  }
0x2f: {  	v7 =	vld [tilespmem:s20+$0xFFFFFFA0]  }
0x30: {  	v8 =	vld [tilespmem:s21+$0xFFFFFFA0]  }
0x31: {  	v9 =	vld [tilespmem:s22+$0xFFFFFFB0]  }
0x32: {  	v10 =	vld [tilespmem:s20+$0xFFFFFFB0]  }
0x33: {  	v11 =	vld [tilespmem:s21+$0xFFFFFFB0]  }
0x34: {  	v12 =	vld [tilespmem:s22+$0xFFFFFFC0]  }
0x35: {  	v13 =	vld [tilespmem:s20+$0xFFFFFFC0]  }
0x36: {  	v14 =	vld [tilespmem:s21+$0xFFFFFFC0]  }
0x37: {  	v15 =	vld [tilespmem:s22+$0xFFFFFFD0];
	v1 =	vmul.f32 v1, v0;
	v4 =	vmul.f32 v4, v3  }
0x38: {  	v55 =	vld [tilespmem:s20+$0xFFFFFFD0];
	v0 =	vmul.f32 v2, v0;
	v54 =	vmul.f32 v5, v3  }
0x39: {  	v57 =	vld [tilespmem:s21+$0xFFFFFFD0];
	v56 =	vmul.f32 v7, v6;
	v1 =	vadd.f32 v4, v1  }
0x3a: {  	v59 =	vld [tilespmem:s22+$0xFFFFFFE0];
	v58 =	vmul.f32 v8, v6;
	v0 =	vadd.f32 v54, v0  }
0x3b: {  	v61 =	vld [tilespmem:s20+$0xFFFFFFE0];
	v60 =	vmul.f32 v10, v9;
	v1 =	vadd.f32 v56, v1  }
0x3c: {  	v63 =	vld [tilespmem:s21+$0xFFFFFFE0];
	v62 =	vmul.f32 v11, v9;
	v0 =	vadd.f32 v58, v0  }
0x3d: {  	v17 =	vld [tilespmem:s22+$0xFFFFFFF0];
	v16 =	vmul.f32 v13, v12;
	v1 =	vadd.f32 v60, v1  }
0x3e: {  	v19 =	vld [tilespmem:s20+$0xFFFFFFF0];
	v18 =	vmul.f32 v14, v12;
	v0 =	vadd.f32 v62, v0  }
0x3f: {  	v20 =	vld [tilespmem:s21+$0xFFFFFFF0];
	v3 =	vmul.f32 v55, v15;
	v1 =	vadd.f32 v16, v1  }
0x40: {  	v21 =	vmul.f32 v57, v15;
	v0 =	vadd.f32 v18, v0  }
0x41: {  	v22 =	vmul.f32 v61, v59;
	v1 =	vadd.f32 v3, v1  }
0x42: {  	v23 =	vmul.f32 v63, v59;
	v0 =	vadd.f32 v21, v0  }
0x43: {  	v24 =	vmul.f32 v19, v17;
	v1 =	vadd.f32 v22, v1  }
0x44: {  	v25 =	vmul.f32 v20, v17;
	v0 =	vadd.f32 v23, v0  }
0x45: {  	v1 =	vadd.f32 v24, v1  }
0x46: {  	v0 =	vadd.f32 v25, v0  }
0x47: {  	(xrf2) =	vadd.scan.msk.f32 $0xffff, v1  }
0x48: {  	(xrf2) =	vadd.scan.msk.f32 $0xffff, v0;
	_ =	sdelay $0x1  }
0x49: {  	v26 =	vmov s23  }
0x4a: {  	v0 =	vand.u32 $0xFFFFFFFE, v26  }
0x4b: {  	v0 =	vbroadcast v0, $0x0;
	_ =	sdelay $0x4  }
0x4c: {  	v1, _, _ =	vpop (xrf2)  }
0x4d: {  	[tilespmem:v0+s17+$0x0] =	vst.idx.msk vm0, v1;
	v27, _, _ =	vpop (xrf2)  }
0x4e: {  	[tilespmem:v0+s18+$0x0] =	vst.idx.msk vm0, v27  }
0x4f: {  	v0 =	vld [tilespmem:s22+$0x0]  }
0x50: {  	v1 =	vld [tilespmem:s20+$0x0]  }
0x51: {  	v28 =	vld [tilespmem:s21+$0x0]  }
0x52: {  	v29 =	vld [tilespmem:s22+$0x10]  }
0x53: {  	v30 =	vld [tilespmem:s20+$0x10]  }
0x54: {  	v31 =	vld [tilespmem:s21+$0x10]  }
0x55: {  	v32 =	vld [tilespmem:s22+$0x20]  }
0x56: {  	v33 =	vld [tilespmem:s20+$0x20]  }
0x57: {  	v34 =	vld [tilespmem:s21+$0x20]  }
0x58: {  	v35 =	vld [tilespmem:s22+$0x30]  }
0x59: {  	v36 =	vld [tilespmem:s20+$0x30]  }
0x5a: {  	v37 =	vld [tilespmem:s21+$0x30]  }
0x5b: {  	v38 =	vld [tilespmem:s22+$0x40]  }
0x5c: {  	v39 =	vld [tilespmem:s20+$0x40]  }
0x5d: {  	v40 =	vld [tilespmem:s21+$0x40]  }
0x5e: {  	v41 =	vld [tilespmem:s22+$0x50];
	v1 =	vmul.f32 v1, v0;
	v4 =	vmul.f32 v30, v29  }
0x5f: {  	v43 =	vld [tilespmem:s20+$0x50];
	v0 =	vmul.f32 v28, v0;
	v42 =	vmul.f32 v31, v29  }
0x60: {  	v45 =	vld [tilespmem:s21+$0x50];
	v44 =	vmul.f32 v33, v32;
	v1 =	vadd.f32 v4, v1  }
0x61: {  	v47 =	vld [tilespmem:s22+$0x60];
	v46 =	vmul.f32 v34, v32;
	v0 =	vadd.f32 v42, v0  }
0x62: {  	v49 =	vld [tilespmem:s20+$0x60];
	v48 =	vmul.f32 v36, v35;
	v1 =	vadd.f32 v44, v1  }
0x63: {  	v51 =	vld [tilespmem:s21+$0x60];
	v50 =	vmul.f32 v37, v35;
	v0 =	vadd.f32 v46, v0  }
0x64: {  	v53 =	vld [tilespmem:s22+$0x70];
	v52 =	vmul.f32 v39, v38;
	v1 =	vadd.f32 v48, v1  }
0x65: {  	v55 =	vld [tilespmem:s20+$0x70];
	v54 =	vmul.f32 v40, v38;
	v0 =	vadd.f32 v50, v0  }
0x66: {  	v56 =	vld [tilespmem:s21+$0x70];
	v3 =	vmul.f32 v43, v41;
	v1 =	vadd.f32 v52, v1  }
0x67: {  	v57 =	vmul.f32 v45, v41;
	v0 =	vadd.f32 v54, v0  }
0x68: {  	v58 =	vmul.f32 v49, v47;
	v1 =	vadd.f32 v3, v1  }
0x69: {  	v59 =	vmul.f32 v51, v47;
	v0 =	vadd.f32 v57, v0  }
0x6a: {  	v60 =	vmul.f32 v55, v53;
	v1 =	vadd.f32 v58, v1  }
0x6b: {  	v61 =	vmul.f32 v56, v53;
	v0 =	vadd.f32 v59, v0  }
0x6c: {  	v1 =	vadd.f32 v60, v1  }
0x6d: {  	v0 =	vadd.f32 v61, v0  }
0x6e: {  	(xrf2) =	vadd.scan.msk.f32 $0xffff, v1  }
0x6f: {  	(xrf2) =	vadd.scan.msk.f32 $0xffff, v0;
	_ =	sdelay $0x3  }
0x70: {  	s24 =	sadd.s32 $0x1, s23  }
0x71: {  	v62 =	vmov s24  }
0x72: {  	p0 =	slt.u32 s23, $0x7E  }
.Ltmp0:
0x73: {  	_ = 	snop;
	(pc) =	sbr.rel @p0 .LBB2_2-.Ltmp0, $4  }
0x74: {  	_ = 	snop  }
0x75: {  	v1, _, _ =	vpop (xrf2)  }
0x76: {  	s23 =	sadd.s32 $0x2, s23;
	[tilespmem:v62+s17+$0x0] =	vst.idx.msk vm0, v1;
	v63, _, _ =	vpop (xrf2)  }
0x77: {  	s20 =	sadd.s32 $0x100, s20;
	s21 =	sadd.s32 $0x100, s21;
	s22 =	sadd.s32 $0x100, s22;
	[tilespmem:v62+s18+$0x0] =	vst.idx.msk vm0, v63  }
0x78: {  	[hbm4b:s7+s2] =	stream.linear.scatter [tilespmem:s17], [sflag:$0x2], $0x80, $0x38;
	[tilespmem:$0xC280] =	vst v63  }
0x79: {  	s19 =	sadd.s32 $0x1, s19;
	_ =	swait.ge [sflag:s10], $0x80  }
0x7a: {  	p0 =	sne.s32 s19, s9;
	[sflag:s10] =	ssyncset.done $0x0  }
.Ltmp1:
0x7b: {  	[sflag:s10] =	ssyncadd.s32 $0xFFFFFF80;
	(pc) =	sbr.rel @p0 .LBB2_1-.Ltmp1, $4  }
0x7c: {  	[hbm4b:s8+s2] =	stream.linear.scatter [tilespmem:s18], [sflag:$0x2], $0x80, $0x38;
	[tilespmem:$0xC280] =	vst v63  }
0x7d: {  	_ =	swait.ge [sflag:s10], $0x80  }
0x7e: {  	[sflag:s10] =	ssyncset.done $0x0  }
0x7f: {  	[sflag:s10] =	ssyncadd.s32 $0xFFFFFF80  }
0x80: {  	_ =	sfence.sel $0x180000  }
0x81: {  	[bflag:$0x0] =	sbarrier.arrive $0xFFFF  }
0x82: {  	p0 =	sne.s32 s1, $0x0;
	_ =	strace $0x90000050  }
0x83: {  	s0 =	sadd.s32 @!p0 $0x100000, s0;
	[bflag:$0x2] =	sbarrier.arrive $0xFFFF  }
0x84: {  	[sflag:s0] =	ssyncadd.tile.s32 @!p0 $0x1;
	_ =	shalt  }
.Lfunc_end2:
_tile_overlayer_lowered:
.L_overlay_start_2:
0x85: {  	(tag) =	ssettag $0x2  }
0x86: {  	s0 =	rddreg [dreg:$0x0];
	s2 =	stileid.u32  }
0x87: {  	s1 =	rddreg [dreg:$0x1];
	p0 =	sne.s32 s2, $0x0  }
0x88: {  	s3 =	rddreg [dreg:$0x2];
	[bflag:$0x3] =	sbarrier.arrive $0xFFFF;
	s2 =	simm.s32 @!p0 $0x1C02  }
0x89: {  	[timem:s3], [sflag:s2] =	dma.local @!p0 [hbm:s0], s1  }
0x8a: {  	s0 =	simm.s32 @!p0 $0x2  }
0x8b: {  	_ =	swait.ge @!p0 [sflag:s0], s1  }
0x8c: {  	s1 =	ssub.s32 @!p0 $0x0, s1;
	[sflag:s0] =	ssyncset.done @!p0 $0x0  }
0x8d: {  	[sflag:s0] =	ssyncadd.s32 @!p0 s1  }
0x8e: {  	[bflag:$0x3] =	sbarrier.arrive $0xFFFF  }
0x8f: {  	_ =	shalt  }

</sc_bundles>
